<compile_context>
chip_gen: v7x
topology: tpu7x:2x2x1
jax: 0.10.2.dev20260603
libtpu: 0.0.44.dev20260713+nightly
codegen_flags: <defaults>
</compile_context>

<pallas_src>
import functools

import jax
import jax.numpy as jnp
from jax import lax
from jax.experimental import pallas as pl
from jax.experimental.pallas import tpu as pltpu
from jax.experimental.pallas import tpu_sc as plsc

_B = 16384
_C = 256
_NW = 32
_ROWS_W = _B // _NW
_CHUNK = 128
_NCHUNK = _ROWS_W // _CHUNK
_NSTEP = _C // 16
_RPB = 4

_mesh = plsc.VectorSubcoreMesh(core_axis_name="c", subcore_axis_name="s")


@functools.partial(
    pl.kernel,
    out_type=jax.ShapeDtypeStruct((_B * 2,), jnp.float32),
    mesh=_mesh,
    compiler_params=pltpu.CompilerParams(needs_layout_passes=False),
    scratch_types=[
        pltpu.VMEM((_CHUNK, _C), jnp.float32),
        pltpu.VMEM((_CHUNK, _C), jnp.float32),
        pltpu.VMEM((_C * 2 + 16,), jnp.float32),
        pltpu.VMEM((_ROWS_W * 2,), jnp.float32),
        pltpu.SemaphoreType.DMA,
        pltpu.SemaphoreType.DMA,
    ],
)
def _qam_encode(x_hbm, map_hbm, out_hbm, xbuf0, xbuf1, mapbuf, outbuf,
                sem0, sem1):
    wid = lax.axis_index("s") * 2 + lax.axis_index("c")
    row0 = wid * _ROWS_W
    sems = (sem0, sem1)
    xbufs = (xbuf0, xbuf1)
    iota = lax.iota(jnp.int32, 16)

    copies = [None, None]
    copies[0] = pltpu.async_copy(
        x_hbm.at[pl.ds(row0, _CHUNK), :], xbufs[0], sems[0])
    pltpu.sync_copy(map_hbm, mapbuf.at[pl.ds(0, _C * 2)])

    neg_inf = jnp.full((16,), -jnp.inf, jnp.float32)
    zeros = jnp.zeros((16,), jnp.int32)
    out2 = iota < 2

    for t in range(_NCHUNK):
        nxt = t + 1
        if nxt < _NCHUNK:
            copies[nxt % 2] = pltpu.async_copy(
                x_hbm.at[pl.ds(row0 + nxt * _CHUNK, _CHUNK), :],
                xbufs[nxt % 2], sems[nxt % 2])
        copies[t % 2].wait()
        xb = xbufs[t % 2]

        def block(rb, _, xb=xb, t=t):
            r0 = rb * _RPB
            ms, jbs = [], []
            for ri in range(_RPB):
                r = r0 + ri
                nodes = [(xb[r, pl.ds(j * 16, 16)], None)
                         for j in range(_NSTEP)]
                js = list(range(_NSTEP))
                while len(nodes) > 1:
                    nxt_nodes, nxt_js = [], []
                    for p in range(0, len(nodes), 2):
                        ma, ja = nodes[p]
                        mb, jb2 = nodes[p + 1]
                        upd = mb > ma
                        m = jnp.where(upd, mb, ma)
                        ja_v = js[p] if ja is None else ja
                        jb_v = js[p + 1] if jb2 is None else jb2
                        jm = jnp.where(upd, jb_v, ja_v)
                        nxt_nodes.append((m, jm))
                        nxt_js.append(js[p])
                    nodes, js = nxt_nodes, nxt_js
                ms.append(nodes[0][0])
                jbs.append(nodes[0][1])
            bests = [lax.reduce_max(m, axes=(0,)) for m in ms]
            cands = [jnp.where(ms[ri] == bests[ri],
                               jbs[ri] * 16 + iota, _C)
                     for ri in range(_RPB)]
            imins = [lax.reduce_min(c, axes=(0,)) for c in cands]
            for ri in range(_RPB):
                ivqv = mapbuf[pl.ds(2 * imins[ri], 16)]
                plsc.store_scatter(
                    outbuf, [iota + (t * _CHUNK + r0 + ri) * 2], ivqv,
                    mask=out2)
            return 0

        lax.fori_loop(0, _CHUNK // _RPB, block, 0)

    pltpu.sync_copy(outbuf, out_hbm.at[pl.ds(wid * _ROWS_W * 2, _ROWS_W * 2)])


def kernel(x, mapping):
    out = _qam_encode(x, mapping.reshape(-1))
    return out.reshape(_B, 2)

# --- scband reference (transcript-rebuilt; emitter-appended) ---
"""Pipeline reference for scband-clip-qam-encoder-13322988552679 (READ-ONLY COPY).

The authoritative reference and input builder live on the scoring server;
editing this copy changes nothing except your own understanding.
"""

import jax, jax.numpy as jnp
import numpy as np

BIT_COUNT = 8
CLIP_X = 0.5


def qam_mapping(bit_count):
    # Square M-QAM constellation, Gray-ordering not required for this module.
    M = 2 ** bit_count
    L = int(round(M ** 0.5))
    levels = (2.0 * jnp.arange(L, dtype=jnp.float32) - (L - 1))  # odd-integer grid
    I = jnp.repeat(levels, L)
    Q = jnp.tile(levels, L)
    pts = jnp.stack([I, Q], axis=1)  # [M, 2]
    # normalize to unit average symbol energy
    mean_energy = jnp.mean(jnp.sum(pts ** 2, axis=1))
    pts = pts / jnp.sqrt(mean_energy)
    return pts


def clip_qam_mapping(bit_count, x):
    qam = qam_mapping(bit_count)
    max_x = jnp.max(jnp.abs(qam[:, 0]))
    cx = qam[:, 0] * (x / max_x)
    x_energy = jnp.sum(cx ** 2)
    cur_y_energy = jnp.sum(qam[:, 1] ** 2)
    result_y_energy = float(2 ** bit_count) - x_energy
    cy = qam[:, 1] * jnp.sqrt(result_y_energy / cur_y_energy)
    return jnp.stack([cx, cy], axis=1)  # [M, 2]


def setup_inputs(seed: int = 0) -> dict:
    key = jax.random.key(seed)
    x = jax.random.normal(key, (16384, 2 ** BIT_COUNT), dtype=jnp.float32)
    mapping = clip_qam_mapping(BIT_COUNT, CLIP_X)
    return {"x": x, "mapping": mapping}


def reference(x, mapping):
    # forward of ClipQamEncoder: hard-assign each row to its argmax symbol,
    # then gather the (I, Q) constellation point (torch.index_select).
    indices = jnp.argmax(x, axis=-1)            # [B]
    return jnp.take(mapping, indices, axis=0)   # [B, 2]

if __name__ == "__main__":
    import jax
    _d = setup_inputs()
    print(jax.jit(kernel)(*tuple(_d.values())))

</pallas_src>

<mosaic_0001>
#map = affine_map<(d0, d1) -> (0, 0)>
#map1 = affine_map<(d0, d1) -> (0)>
module attributes {stable_mosaic.version = 14 : i64} {
  func.func @_qam_encode(%arg0: i32, %arg1: i32, %arg2: memref<16384x256xf32, #tpu.memory_space<hbm>>, %arg3: memref<512xf32, #tpu.memory_space<hbm>>, %arg4: memref<32768xf32, #tpu.memory_space<hbm>>, %arg5: memref<128x256xf32, #tpu.memory_space<vmem>>, %arg6: memref<128x256xf32, #tpu.memory_space<vmem>>, %arg7: memref<528xf32, #tpu.memory_space<vmem>>, %arg8: memref<1024xf32, #tpu.memory_space<vmem>>, %arg9: memref<!tpu.dma_semaphore, #tpu.memory_space<semaphore_mem>>, %arg10: memref<!tpu.dma_semaphore, #tpu.memory_space<semaphore_mem>>) attributes {dimension_semantics = [#tpu.dimension_semantics<core_parallel>, #tpu.dimension_semantics<subcore_parallel>], iteration_bounds = array<i64: 2, 16>, scalar_prefetch = 0 : i64, scratch_operands = 6 : i64, tpu.core_type = #tpu.core_type<sc_vector_subcore>, window_params = [{transform_indices = #map}, {transform_indices = #map1}, {transform_indices = #map1}]} {
    %mul3A = arith.constant 2 : i32
    %mul3A_0 = arith.muli %arg1, %mul3A : i32
    %add3A = arith.addi %mul3A_0, %arg0 : i32
    %mul3A_1 = arith.constant 512 : i32
    %mul3A_2 = arith.muli %add3A, %mul3A_1 : i32
    %iota3A = tpu.iota {dimensions = array<i32: 0>} : vector<16xi32>
    %dma_start3A = arith.constant 0 : i32
    %dma_start3A_3 = tpu.memref_slice %arg2[%mul3A_2, %dma_start3A] : memref<16384x256xf32, #tpu.memory_space<hbm>> -> memref<128x256xf32, #tpu.memory_space<hbm>>
    %dma_start3A_4 = arith.constant 0 : i32
    %dma_start3A_5 = tpu.memref_slice %arg2[%mul3A_2, %dma_start3A_4] : memref<16384x256xf32, #tpu.memory_space<hbm>> -> memref<128x256xf32, #tpu.memory_space<hbm>>
    tpu.enqueue_dma source(%dma_start3A_5 : memref<128x256xf32, #tpu.memory_space<hbm>>) target(%arg5 : memref<128x256xf32, #tpu.memory_space<vmem>>) target_semaphore(%arg9 : memref<!tpu.dma_semaphore, #tpu.memory_space<semaphore_mem>>)
    "tpu.region"() ({
      %run_scoped3A = tpu.sem_alloc : memref<!tpu.dma_semaphore, #tpu.memory_space<semaphore_mem>>
      %dma_start3A_75 = arith.constant 0 : i32
      %dma_start3A_76 = tpu.memref_slice %arg7[%dma_start3A_75] : memref<528xf32, #tpu.memory_space<vmem>> -> memref<512xf32, #tpu.memory_space<vmem>>
      %dma_start3A_77 = arith.constant 0 : i32
      %dma_start3A_78 = tpu.memref_slice %arg7[%dma_start3A_77] : memref<528xf32, #tpu.memory_space<vmem>> -> memref<512xf32, #tpu.memory_space<vmem>>
      tpu.enqueue_dma source(%arg3 : memref<512xf32, #tpu.memory_space<hbm>>) target(%dma_start3A_78 : memref<512xf32, #tpu.memory_space<vmem>>) target_semaphore(%run_scoped3A : memref<!tpu.dma_semaphore, #tpu.memory_space<semaphore_mem>>)
      %dma_wait3A_79 = arith.constant 0 : i32
      %dma_wait3A_80 = tpu.memref_slice %arg7[%dma_wait3A_79] : memref<528xf32, #tpu.memory_space<vmem>> -> memref<512xf32, #tpu.memory_space<vmem>>
      %dma_wait3A_81 = arith.constant 0 : i32
      %dma_wait3A_82 = tpu.memref_slice %arg7[%dma_wait3A_81] : memref<528xf32, #tpu.memory_space<vmem>> -> memref<512xf32, #tpu.memory_space<vmem>>
      tpu.wait_dma2 semaphore(%run_scoped3A : memref<!tpu.dma_semaphore, #tpu.memory_space<semaphore_mem>>) src(%arg3 : memref<512xf32, #tpu.memory_space<hbm>>) dst(%dma_wait3A_82 : memref<512xf32, #tpu.memory_space<vmem>>)
      tpu.yield
    }) : () -> ()
    %broadcast_in_dim3A = arith.constant 0xFF800000 : f32
    %broadcast_in_dim3A_6 = vector.broadcast %broadcast_in_dim3A : f32 to vector<16xf32>
    %broadcast_in_dim3A_7 = arith.constant 0 : i32
    %broadcast_in_dim3A_8 = vector.broadcast %broadcast_in_dim3A_7 : i32 to vector<16xi32>
    %lt3A = arith.constant 2 : i32
    %lt3A_9 = vector.broadcast %lt3A : i32 to vector<16xi32>
    %lt3A_10 = arith.cmpi slt, %iota3A, %lt3A_9 : vector<16xi32>
    %add3A_11 = arith.constant 128 : i32
    %add3A_12 = arith.addi %mul3A_2, %add3A_11 : i32
    %dma_start3A_13 = arith.constant 0 : i32
    %dma_start3A_14 = tpu.memref_slice %arg2[%add3A_12, %dma_start3A_13] : memref<16384x256xf32, #tpu.memory_space<hbm>> -> memref<128x256xf32, #tpu.memory_space<hbm>>
    %dma_start3A_15 = arith.constant 0 : i32
    %dma_start3A_16 = tpu.memref_slice %arg2[%add3A_12, %dma_start3A_15] : memref<16384x256xf32, #tpu.memory_space<hbm>> -> memref<128x256xf32, #tpu.memory_space<hbm>>
    tpu.enqueue_dma source(%dma_start3A_16 : memref<128x256xf32, #tpu.memory_space<hbm>>) target(%arg6 : memref<128x256xf32, #tpu.memory_space<vmem>>) target_semaphore(%arg10 : memref<!tpu.dma_semaphore, #tpu.memory_space<semaphore_mem>>)
    %dma_wait3A = arith.constant 0 : i32
    %dma_wait3A_17 = tpu.memref_slice %arg2[%mul3A_2, %dma_wait3A] : memref<16384x256xf32, #tpu.memory_space<hbm>> -> memref<128x256xf32, #tpu.memory_space<hbm>>
    %dma_wait3A_18 = arith.constant 0 : i32
    %dma_wait3A_19 = tpu.memref_slice %arg2[%mul3A_2, %dma_wait3A_18] : memref<16384x256xf32, #tpu.memory_space<hbm>> -> memref<128x256xf32, #tpu.memory_space<hbm>>
    tpu.wait_dma2 semaphore(%arg9 : memref<!tpu.dma_semaphore, #tpu.memory_space<semaphore_mem>>) src(%dma_wait3A_19 : memref<128x256xf32, #tpu.memory_space<hbm>>) dst(%arg5 : memref<128x256xf32, #tpu.memory_space<vmem>>)
    %scan3A = arith.constant 0 : i32
    %scan3A_20 = arith.constant 0 : i32
    %scan3A_21 = arith.constant 32 : i32
    %scan3A_22 = arith.addi %scan3A_20, %scan3A_21 : i32
    %scan3A_23 = arith.constant 1 : i32
    %scan3A_24 = scf.for %scan3A_75 = %scan3A_20 to %scan3A_22 step %scan3A_23 iter_args(%scan3A_76 = %scan3A) -> (i32)  : i32 {
      %mul3A_77 = arith.constant 4 : i32
      %mul3A_78 = arith.muli %scan3A_75, %mul3A_77 : i32
      %add3A_79 = arith.constant 0 : i32
      %add3A_80 = arith.addi %mul3A_78, %add3A_79 : i32
      %get3A = arith.index_cast %add3A_80 : i32 to index
      %get3A_81 = arith.constant 0 : index
      %get3A_82 = tpu.vector_load %arg5[%get3A, %get3A_81] {strides = array<i32>} : memref<128x256xf32, #tpu.memory_space<vmem>>, vector<16xf32>,
      %get3A_83 = arith.index_cast %add3A_80 : i32 to index
      %get3A_84 = arith.constant 16 : index
      %get3A_85 = tpu.vector_load %arg5[%get3A_83, %get3A_84] {strides = array<i32>} : memref<128x256xf32, #tpu.memory_space<vmem>>, vector<16xf32>,
      %get3A_86 = arith.index_cast %add3A_80 : i32 to index
      %get3A_87 = arith.constant 32 : index
      %get3A_88 = tpu.vector_load %arg5[%get3A_86, %get3A_87] {strides = array<i32>} : memref<128x256xf32, #tpu.memory_space<vmem>>, vector<16xf32>,
      %get3A_89 = arith.index_cast %add3A_80 : i32 to index
      %get3A_90 = arith.constant 48 : index
      %get3A_91 = tpu.vector_load %arg5[%get3A_89, %get3A_90] {strides = array<i32>} : memref<128x256xf32, #tpu.memory_space<vmem>>, vector<16xf32>,
      %get3A_92 = arith.index_cast %add3A_80 : i32 to index
      %get3A_93 = arith.constant 64 : index
      %get3A_94 = tpu.vector_load %arg5[%get3A_92, %get3A_93] {strides = array<i32>} : memref<128x256xf32, #tpu.memory_space<vmem>>, vector<16xf32>,
      %get3A_95 = arith.index_cast %add3A_80 : i32 to index
      %get3A_96 = arith.constant 80 : index
      %get3A_97 = tpu.vector_load %arg5[%get3A_95, %get3A_96] {strides = array<i32>} : memref<128x256xf32, #tpu.memory_space<vmem>>, vector<16xf32>,
      %get3A_98 = arith.index_cast %add3A_80 : i32 to index
      %get3A_99 = arith.constant 96 : index
      %get3A_100 = tpu.vector_load %arg5[%get3A_98, %get3A_99] {strides = array<i32>} : memref<128x256xf32, #tpu.memory_space<vmem>>, vector<16xf32>,
      %get3A_101 = arith.index_cast %add3A_80 : i32 to index
      %get3A_102 = arith.constant 112 : index
      %get3A_103 = tpu.vector_load %arg5[%get3A_101, %get3A_102] {strides = array<i32>} : memref<128x256xf32, #tpu.memory_space<vmem>>, vector<16xf32>,
      %get3A_104 = arith.index_cast %add3A_80 : i32 to index
      %get3A_105 = arith.constant 128 : index
      %get3A_106 = tpu.vector_load %arg5[%get3A_104, %get3A_105] {strides = array<i32>} : memref<128x256xf32, #tpu.memory_space<vmem>>, vector<16xf32>,
      %get3A_107 = arith.index_cast %add3A_80 : i32 to index
      %get3A_108 = arith.constant 144 : index
      %get3A_109 = tpu.vector_load %arg5[%get3A_107, %get3A_108] {strides = array<i32>} : memref<128x256xf32, #tpu.memory_space<vmem>>, vector<16xf32>,
      %get3A_110 = arith.index_cast %add3A_80 : i32 to index
      %get3A_111 = arith.constant 160 : index
      %get3A_112 = tpu.vector_load %arg5[%get3A_110, %get3A_111] {strides = array<i32>} : memref<128x256xf32, #tpu.memory_space<vmem>>, vector<16xf32>,
      %get3A_113 = arith.index_cast %add3A_80 : i32 to index
      %get3A_114 = arith.constant 176 : index
      %get3A_115 = tpu.vector_load %arg5[%get3A_113, %get3A_114] {strides = array<i32>} : memref<128x256xf32, #tpu.memory_space<vmem>>, vector<16xf32>,
      %get3A_116 = arith.index_cast %add3A_80 : i32 to index
      %get3A_117 = arith.constant 192 : index
      %get3A_118 = tpu.vector_load %arg5[%get3A_116, %get3A_117] {strides = array<i32>} : memref<128x256xf32, #tpu.memory_space<vmem>>, vector<16xf32>,
      %get3A_119 = arith.index_cast %add3A_80 : i32 to index
      %get3A_120 = arith.constant 208 : index
      %get3A_121 = tpu.vector_load %arg5[%get3A_119, %get3A_120] {strides = array<i32>} : memref<128x256xf32, #tpu.memory_space<vmem>>, vector<16xf32>,
      %get3A_122 = arith.index_cast %add3A_80 : i32 to index
      %get3A_123 = arith.constant 224 : index
      %get3A_124 = tpu.vector_load %arg5[%get3A_122, %get3A_123] {strides = array<i32>} : memref<128x256xf32, #tpu.memory_space<vmem>>, vector<16xf32>,
      %get3A_125 = arith.index_cast %add3A_80 : i32 to index
      %get3A_126 = arith.constant 240 : index
      %get3A_127 = tpu.vector_load %arg5[%get3A_125, %get3A_126] {strides = array<i32>} : memref<128x256xf32, #tpu.memory_space<vmem>>, vector<16xf32>,
      %gt3A = arith.cmpf ogt, %get3A_85, %get3A_82 : vector<16xf32>
      %select_n3A = arith.select %gt3A, %get3A_85, %get3A_82 : vector<16xi1>, vector<16xf32>
      %jit3A = arith.constant 1 : i32
      %jit3A_128 = arith.constant 0 : i32
      %broadcast_in_dim3A_129 = vector.broadcast %jit3A : i32 to vector<16xi32>
      %broadcast_in_dim3A_130 = vector.broadcast %jit3A_128 : i32 to vector<16xi32>
      %select_n3A_131 = arith.select %gt3A, %broadcast_in_dim3A_129, %broadcast_in_dim3A_130 : vector<16xi1>, vector<16xi32>
      %gt3A_132 = arith.cmpf ogt, %get3A_91, %get3A_88 : vector<16xf32>
      %select_n3A_133 = arith.select %gt3A_132, %get3A_91, %get3A_88 : vector<16xi1>, vector<16xf32>
      %jit3A_134 = arith.constant 3 : i32
      %jit3A_135 = arith.constant 2 : i32
      %broadcast_in_dim3A_136 = vector.broadcast %jit3A_134 : i32 to vector<16xi32>
      %broadcast_in_dim3A_137 = vector.broadcast %jit3A_135 : i32 to vector<16xi32>
      %select_n3A_138 = arith.select %gt3A_132, %broadcast_in_dim3A_136, %broadcast_in_dim3A_137 : vector<16xi1>, vector<16xi32>
      %gt3A_139 = arith.cmpf ogt, %get3A_97, %get3A_94 : vector<16xf32>
      %select_n3A_140 = arith.select %gt3A_139, %get3A_97, %get3A_94 : vector<16xi1>, vector<16xf32>
      %jit3A_141 = arith.constant 5 : i32
      %jit3A_142 = arith.constant 4 : i32
      %broadcast_in_dim3A_143 = vector.broadcast %jit3A_141 : i32 to vector<16xi32>
      %broadcast_in_dim3A_144 = vector.broadcast %jit3A_142 : i32 to vector<16xi32>
      %select_n3A_145 = arith.select %gt3A_139, %broadcast_in_dim3A_143, %broadcast_in_dim3A_144 : vector<16xi1>, vector<16xi32>
      %gt3A_146 = arith.cmpf ogt, %get3A_103, %get3A_100 : vector<16xf32>
      %select_n3A_147 = arith.select %gt3A_146, %get3A_103, %get3A_100 : vector<16xi1>, vector<16xf32>
      %jit3A_148 = arith.constant 7 : i32
      %jit3A_149 = arith.constant 6 : i32
      %broadcast_in_dim3A_150 = vector.broadcast %jit3A_148 : i32 to vector<16xi32>
      %broadcast_in_dim3A_151 = vector.broadcast %jit3A_149 : i32 to vector<16xi32>
      %select_n3A_152 = arith.select %gt3A_146, %broadcast_in_dim3A_150, %broadcast_in_dim3A_151 : vector<16xi1>, vector<16xi32>
      %gt3A_153 = arith.cmpf ogt, %get3A_109, %get3A_106 : vector<16xf32>
      %select_n3A_154 = arith.select %gt3A_153, %get3A_109, %get3A_106 : vector<16xi1>, vector<16xf32>
      %jit3A_155 = arith.constant 9 : i32
      %jit3A_156 = arith.constant 8 : i32
      %broadcast_in_dim3A_157 = vector.broadcast %jit3A_155 : i32 to vector<16xi32>
      %broadcast_in_dim3A_158 = vector.broadcast %jit3A_156 : i32 to vector<16xi32>
      %select_n3A_159 = arith.select %gt3A_153, %broadcast_in_dim3A_157, %broadcast_in_dim3A_158 : vector<16xi1>, vector<16xi32>
      %gt3A_160 = arith.cmpf ogt, %get3A_115, %get3A_112 : vector<16xf32>
      %select_n3A_161 = arith.select %gt3A_160, %get3A_115, %get3A_112 : vector<16xi1>, vector<16xf32>
      %jit3A_162 = arith.constant 11 : i32
      %jit3A_163 = arith.constant 10 : i32
      %broadcast_in_dim3A_164 = vector.broadcast %jit3A_162 : i32 to vector<16xi32>
      %broadcast_in_dim3A_165 = vector.broadcast %jit3A_163 : i32 to vector<16xi32>
      %select_n3A_166 = arith.select %gt3A_160, %broadcast_in_dim3A_164, %broadcast_in_dim3A_165 : vector<16xi1>, vector<16xi32>
      %gt3A_167 = arith.cmpf ogt, %get3A_121, %get3A_118 : vector<16xf32>
      %select_n3A_168 = arith.select %gt3A_167, %get3A_121, %get3A_118 : vector<16xi1>, vector<16xf32>
      %jit3A_169 = arith.constant 13 : i32
      %jit3A_170 = arith.constant 12 : i32
      %broadcast_in_dim3A_171 = vector.broadcast %jit3A_169 : i32 to vector<16xi32>
      %broadcast_in_dim3A_172 = vector.broadcast %jit3A_170 : i32 to vector<16xi32>
      %select_n3A_173 = arith.select %gt3A_167, %broadcast_in_dim3A_171, %broadcast_in_dim3A_172 : vector<16xi1>, vector<16xi32>
      %gt3A_174 = arith.cmpf ogt, %get3A_127, %get3A_124 : vector<16xf32>
      %select_n3A_175 = arith.select %gt3A_174, %get3A_127, %get3A_124 : vector<16xi1>, vector<16xf32>
      %jit3A_176 = arith.constant 15 : i32
      %jit3A_177 = arith.constant 14 : i32
      %broadcast_in_dim3A_178 = vector.broadcast %jit3A_176 : i32 to vector<16xi32>
      %broadcast_in_dim3A_179 = vector.broadcast %jit3A_177 : i32 to vector<16xi32>
      %select_n3A_180 = arith.select %gt3A_174, %broadcast_in_dim3A_178, %broadcast_in_dim3A_179 : vector<16xi1>, vector<16xi32>
      %gt3A_181 = arith.cmpf ogt, %select_n3A_133, %select_n3A : vector<16xf32>
      %select_n3A_182 = arith.select %gt3A_181, %select_n3A_133, %select_n3A : vector<16xi1>, vector<16xf32>
      %select_n3A_183 = arith.select %gt3A_181, %select_n3A_138, %select_n3A_131 : vector<16xi1>, vector<16xi32>
      %gt3A_184 = arith.cmpf ogt, %select_n3A_147, %select_n3A_140 : vector<16xf32>
      %select_n3A_185 = arith.select %gt3A_184, %select_n3A_147, %select_n3A_140 : vector<16xi1>, vector<16xf32>
      %select_n3A_186 = arith.select %gt3A_184, %select_n3A_152, %select_n3A_145 : vector<16xi1>, vector<16xi32>
      %gt3A_187 = arith.cmpf ogt, %select_n3A_161, %select_n3A_154 : vector<16xf32>
      %select_n3A_188 = arith.select %gt3A_187, %select_n3A_161, %select_n3A_154 : vector<16xi1>, vector<16xf32>
      %select_n3A_189 = arith.select %gt3A_187, %select_n3A_166, %select_n3A_159 : vector<16xi1>, vector<16xi32>
      %gt3A_190 = arith.cmpf ogt, %select_n3A_175, %select_n3A_168 : vector<16xf32>
      %select_n3A_191 = arith.select %gt3A_190, %select_n3A_175, %select_n3A_168 : vector<16xi1>, vector<16xf32>
      %select_n3A_192 = arith.select %gt3A_190, %select_n3A_180, %select_n3A_173 : vector<16xi1>, vector<16xi32>
      %gt3A_193 = arith.cmpf ogt, %select_n3A_185, %select_n3A_182 : vector<16xf32>
      %select_n3A_194 = arith.select %gt3A_193, %select_n3A_185, %select_n3A_182 : vector<16xi1>, vector<16xf32>
      %select_n3A_195 = arith.select %gt3A_193, %select_n3A_186, %select_n3A_183 : vector<16xi1>, vector<16xi32>
      %gt3A_196 = arith.cmpf ogt, %select_n3A_191, %select_n3A_188 : vector<16xf32>
      %select_n3A_197 = arith.select %gt3A_196, %select_n3A_191, %select_n3A_188 : vector<16xi1>, vector<16xf32>
      %select_n3A_198 = arith.select %gt3A_196, %select_n3A_192, %select_n3A_189 : vector<16xi1>, vector<16xi32>
      %gt3A_199 = arith.cmpf ogt, %select_n3A_197, %select_n3A_194 : vector<16xf32>
      %select_n3A_200 = arith.select %gt3A_199, %select_n3A_197, %select_n3A_194 : vector<16xi1>, vector<16xf32>
      %select_n3A_201 = arith.select %gt3A_199, %select_n3A_198, %select_n3A_195 : vector<16xi1>, vector<16xi32>
      %add3A_202 = arith.constant 1 : i32
      %add3A_203 = arith.addi %mul3A_78, %add3A_202 : i32
      %get3A_204 = arith.index_cast %add3A_203 : i32 to index
      %get3A_205 = arith.constant 0 : index
      %get3A_206 = tpu.vector_load %arg5[%get3A_204, %get3A_205] {strides = array<i32>} : memref<128x256xf32, #tpu.memory_space<vmem>>, vector<16xf32>,
      %get3A_207 = arith.index_cast %add3A_203 : i32 to index
      %get3A_208 = arith.constant 16 : index
      %get3A_209 = tpu.vector_load %arg5[%get3A_207, %get3A_208] {strides = array<i32>} : memref<128x256xf32, #tpu.memory_space<vmem>>, vector<16xf32>,
      %get3A_210 = arith.index_cast %add3A_203 : i32 to index
      %get3A_211 = arith.constant 32 : index
      %get3A_212 = tpu.vector_load %arg5[%get3A_210, %get3A_211] {strides = array<i32>} : memref<128x256xf32, #tpu.memory_space<vmem>>, vector<16xf32>,
      %get3A_213 = arith.index_cast %add3A_203 : i32 to index
      %get3A_214 = arith.constant 48 : index
      %get3A_215 = tpu.vector_load %arg5[%get3A_213, %get3A_214] {strides = array<i32>} : memref<128x256xf32, #tpu.memory_space<vmem>>, vector<16xf32>,
      %get3A_216 = arith.index_cast %add3A_203 : i32 to index
      %get3A_217 = arith.constant 64 : index
      %get3A_218 = tpu.vector_load %arg5[%get3A_216, %get3A_217] {strides = array<i32>} : memref<128x256xf32, #tpu.memory_space<vmem>>, vector<16xf32>,
      %get3A_219 = arith.index_cast %add3A_203 : i32 to index
      %get3A_220 = arith.constant 80 : index
      %get3A_221 = tpu.vector_load %arg5[%get3A_219, %get3A_220] {strides = array<i32>} : memref<128x256xf32, #tpu.memory_space<vmem>>, vector<16xf32>,
      %get3A_222 = arith.index_cast %add3A_203 : i32 to index
      %get3A_223 = arith.constant 96 : index
      %get3A_224 = tpu.vector_load %arg5[%get3A_222, %get3A_223] {strides = array<i32>} : memref<128x256xf32, #tpu.memory_space<vmem>>, vector<16xf32>,
      %get3A_225 = arith.index_cast %add3A_203 : i32 to index
      %get3A_226 = arith.constant 112 : index
      %get3A_227 = tpu.vector_load %arg5[%get3A_225, %get3A_226] {strides = array<i32>} : memref<128x256xf32, #tpu.memory_space<vmem>>, vector<16xf32>,
      %get3A_228 = arith.index_cast %add3A_203 : i32 to index
      %get3A_229 = arith.constant 128 : index
      %get3A_230 = tpu.vector_load %arg5[%get3A_228, %get3A_229] {strides = array<i32>} : memref<128x256xf32, #tpu.memory_space<vmem>>, vector<16xf32>,
      %get3A_231 = arith.index_cast %add3A_203 : i32 to index
      %get3A_232 = arith.constant 144 : index
      %get3A_233 = tpu.vector_load %arg5[%get3A_231, %get3A_232] {strides = array<i32>} : memref<128x256xf32, #tpu.memory_space<vmem>>, vector<16xf32>,
      %get3A_234 = arith.index_cast %add3A_203 : i32 to index
      %get3A_235 = arith.constant 160 : index
      %get3A_236 = tpu.vector_load %arg5[%get3A_234, %get3A_235] {strides = array<i32>} : memref<128x256xf32, #tpu.memory_space<vmem>>, vector<16xf32>,
      %get3A_237 = arith.index_cast %add3A_203 : i32 to index
      %get3A_238 = arith.constant 176 : index
      %get3A_239 = tpu.vector_load %arg5[%get3A_237, %get3A_238] {strides = array<i32>} : memref<128x256xf32, #tpu.memory_space<vmem>>, vector<16xf32>,
      %get3A_240 = arith.index_cast %add3A_203 : i32 to index
      %get3A_241 = arith.constant 192 : index
      %get3A_242 = tpu.vector_load %arg5[%get3A_240, %get3A_241] {strides = array<i32>} : memref<128x256xf32, #tpu.memory_space<vmem>>, vector<16xf32>,
      %get3A_243 = arith.index_cast %add3A_203 : i32 to index
      %get3A_244 = arith.constant 208 : index
      %get3A_245 = tpu.vector_load %arg5[%get3A_243, %get3A_244] {strides = array<i32>} : memref<128x256xf32, #tpu.memory_space<vmem>>, vector<16xf32>,
      %get3A_246 = arith.index_cast %add3A_203 : i32 to index
      %get3A_247 = arith.constant 224 : index
      %get3A_248 = tpu.vector_load %arg5[%get3A_246, %get3A_247] {strides = array<i32>} : memref<128x256xf32, #tpu.memory_space<vmem>>, vector<16xf32>,
      %get3A_249 = arith.index_cast %add3A_203 : i32 to index
      %get3A_250 = arith.constant 240 : index
      %get3A_251 = tpu.vector_load %arg5[%get3A_249, %get3A_250] {strides = array<i32>} : memref<128x256xf32, #tpu.memory_space<vmem>>, vector<16xf32>,
      %gt3A_252 = arith.cmpf ogt, %get3A_209, %get3A_206 : vector<16xf32>
      %select_n3A_253 = arith.select %gt3A_252, %get3A_209, %get3A_206 : vector<16xi1>, vector<16xf32>
      %jit3A_254 = arith.constant 1 : i32
      %jit3A_255 = arith.constant 0 : i32
      %broadcast_in_dim3A_256 = vector.broadcast %jit3A_254 : i32 to vector<16xi32>
      %broadcast_in_dim3A_257 = vector.broadcast %jit3A_255 : i32 to vector<16xi32>
      %select_n3A_258 = arith.select %gt3A_252, %broadcast_in_dim3A_256, %broadcast_in_dim3A_257 : vector<16xi1>, vector<16xi32>
      %gt3A_259 = arith.cmpf ogt, %get3A_215, %get3A_212 : vector<16xf32>
      %select_n3A_260 = arith.select %gt3A_259, %get3A_215, %get3A_212 : vector<16xi1>, vector<16xf32>
      %jit3A_261 = arith.constant 3 : i32
      %jit3A_262 = arith.constant 2 : i32
      %broadcast_in_dim3A_263 = vector.broadcast %jit3A_261 : i32 to vector<16xi32>
      %broadcast_in_dim3A_264 = vector.broadcast %jit3A_262 : i32 to vector<16xi32>
      %select_n3A_265 = arith.select %gt3A_259, %broadcast_in_dim3A_263, %broadcast_in_dim3A_264 : vector<16xi1>, vector<16xi32>
      %gt3A_266 = arith.cmpf ogt, %get3A_221, %get3A_218 : vector<16xf32>
      %select_n3A_267 = arith.select %gt3A_266, %get3A_221, %get3A_218 : vector<16xi1>, vector<16xf32>
      %jit3A_268 = arith.constant 5 : i32
      %jit3A_269 = arith.constant 4 : i32
      %broadcast_in_dim3A_270 = vector.broadcast %jit3A_268 : i32 to vector<16xi32>
      %broadcast_in_dim3A_271 = vector.broadcast %jit3A_269 : i32 to vector<16xi32>
      %select_n3A_272 = arith.select %gt3A_266, %broadcast_in_dim3A_270, %broadcast_in_dim3A_271 : vector<16xi1>, vector<16xi32>
      %gt3A_273 = arith.cmpf ogt, %get3A_227, %get3A_224 : vector<16xf32>
      %select_n3A_274 = arith.select %gt3A_273, %get3A_227, %get3A_224 : vector<16xi1>, vector<16xf32>
      %jit3A_275 = arith.constant 7 : i32
      %jit3A_276 = arith.constant 6 : i32
      %broadcast_in_dim3A_277 = vector.broadcast %jit3A_275 : i32 to vector<16xi32>
      %broadcast_in_dim3A_278 = vector.broadcast %jit3A_276 : i32 to vector<16xi32>
      %select_n3A_279 = arith.select %gt3A_273, %broadcast_in_dim3A_277, %broadcast_in_dim3A_278 : vector<16xi1>, vector<16xi32>
      %gt3A_280 = arith.cmpf ogt, %get3A_233, %get3A_230 : vector<16xf32>
      %select_n3A_281 = arith.select %gt3A_280, %get3A_233, %get3A_230 : vector<16xi1>, vector<16xf32>
      %jit3A_282 = arith.constant 9 : i32
      %jit3A_283 = arith.constant 8 : i32
      %broadcast_in_dim3A_284 = vector.broadcast %jit3A_282 : i32 to vector<16xi32>
      %broadcast_in_dim3A_285 = vector.broadcast %jit3A_283 : i32 to vector<16xi32>
      %select_n3A_286 = arith.select %gt3A_280, %broadcast_in_dim3A_284, %broadcast_in_dim3A_285 : vector<16xi1>, vector<16xi32>
      %gt3A_287 = arith.cmpf ogt, %get3A_239, %get3A_236 : vector<16xf32>
      %select_n3A_288 = arith.select %gt3A_287, %get3A_239, %get3A_236 : vector<16xi1>, vector<16xf32>
      %jit3A_289 = arith.constant 11 : i32
      %jit3A_290 = arith.constant 10 : i32
      %broadcast_in_dim3A_291 = vector.broadcast %jit3A_289 : i32 to vector<16xi32>
      %broadcast_in_dim3A_292 = vector.broadcast %jit3A_290 : i32 to vector<16xi32>
      %select_n3A_293 = arith.select %gt3A_287, %broadcast_in_dim3A_291, %broadcast_in_dim3A_292 : vector<16xi1>, vector<16xi32>
      %gt3A_294 = arith.cmpf ogt, %get3A_245, %get3A_242 : vector<16xf32>
      %select_n3A_295 = arith.select %gt3A_294, %get3A_245, %get3A_242 : vector<16xi1>, vector<16xf32>
      %jit3A_296 = arith.constant 13 : i32
      %jit3A_297 = arith.constant 12 : i32
      %broadcast_in_dim3A_298 = vector.broadcast %jit3A_296 : i32 to vector<16xi32>
      %broadcast_in_dim3A_299 = vector.broadcast %jit3A_297 : i32 to vector<16xi32>
      %select_n3A_300 = arith.select %gt3A_294, %broadcast_in_dim3A_298, %broadcast_in_dim3A_299 : vector<16xi1>, vector<16xi32>
      %gt3A_301 = arith.cmpf ogt, %get3A_251, %get3A_248 : vector<16xf32>
      %select_n3A_302 = arith.select %gt3A_301, %get3A_251, %get3A_248 : vector<16xi1>, vector<16xf32>
      %jit3A_303 = arith.constant 15 : i32
      %jit3A_304 = arith.constant 14 : i32
      %broadcast_in_dim3A_305 = vector.broadcast %jit3A_303 : i32 to vector<16xi32>
      %broadcast_in_dim3A_306 = vector.broadcast %jit3A_304 : i32 to vector<16xi32>
      %select_n3A_307 = arith.select %gt3A_301, %broadcast_in_dim3A_305, %broadcast_in_dim3A_306 : vector<16xi1>, vector<16xi32>
      %gt3A_308 = arith.cmpf ogt, %select_n3A_260, %select_n3A_253 : vector<16xf32>
      %select_n3A_309 = arith.select %gt3A_308, %select_n3A_260, %select_n3A_253 : vector<16xi1>, vector<16xf32>
      %select_n3A_310 = arith.select %gt3A_308, %select_n3A_265, %select_n3A_258 : vector<16xi1>, vector<16xi32>
      %gt3A_311 = arith.cmpf ogt, %select_n3A_274, %select_n3A_267 : vector<16xf32>
      %select_n3A_312 = arith.select %gt3A_311, %select_n3A_274, %select_n3A_267 : vector<16xi1>, vector<16xf32>
      %select_n3A_313 = arith.select %gt3A_311, %select_n3A_279, %select_n3A_272 : vector<16xi1>, vector<16xi32>
      %gt3A_314 = arith.cmpf ogt, %select_n3A_288, %select_n3A_281 : vector<16xf32>
      %select_n3A_315 = arith.select %gt3A_314, %select_n3A_288, %select_n3A_281 : vector<16xi1>, vector<16xf32>
      %select_n3A_316 = arith.select %gt3A_314, %select_n3A_293, %select_n3A_286 : vector<16xi1>, vector<16xi32>
      %gt3A_317 = arith.cmpf ogt, %select_n3A_302, %select_n3A_295 : vector<16xf32>
      %select_n3A_318 = arith.select %gt3A_317, %select_n3A_302, %select_n3A_295 : vector<16xi1>, vector<16xf32>
      %select_n3A_319 = arith.select %gt3A_317, %select_n3A_307, %select_n3A_300 : vector<16xi1>, vector<16xi32>
      %gt3A_320 = arith.cmpf ogt, %select_n3A_312, %select_n3A_309 : vector<16xf32>
      %select_n3A_321 = arith.select %gt3A_320, %select_n3A_312, %select_n3A_309 : vector<16xi1>, vector<16xf32>
      %select_n3A_322 = arith.select %gt3A_320, %select_n3A_313, %select_n3A_310 : vector<16xi1>, vector<16xi32>
      %gt3A_323 = arith.cmpf ogt, %select_n3A_318, %select_n3A_315 : vector<16xf32>
      %select_n3A_324 = arith.select %gt3A_323, %select_n3A_318, %select_n3A_315 : vector<16xi1>, vector<16xf32>
      %select_n3A_325 = arith.select %gt3A_323, %select_n3A_319, %select_n3A_316 : vector<16xi1>, vector<16xi32>
      %gt3A_326 = arith.cmpf ogt, %select_n3A_324, %select_n3A_321 : vector<16xf32>
      %select_n3A_327 = arith.select %gt3A_326, %select_n3A_324, %select_n3A_321 : vector<16xi1>, vector<16xf32>
      %select_n3A_328 = arith.select %gt3A_326, %select_n3A_325, %select_n3A_322 : vector<16xi1>, vector<16xi32>
      %add3A_329 = arith.constant 2 : i32
      %add3A_330 = arith.addi %mul3A_78, %add3A_329 : i32
      %get3A_331 = arith.index_cast %add3A_330 : i32 to index
      %get3A_332 = arith.constant 0 : index
      %get3A_333 = tpu.vector_load %arg5[%get3A_331, %get3A_332] {strides = array<i32>} : memref<128x256xf32, #tpu.memory_space<vmem>>, vector<16xf32>,
      %get3A_334 = arith.index_cast %add3A_330 : i32 to index
      %get3A_335 = arith.constant 16 : index
      %get3A_336 = tpu.vector_load %arg5[%get3A_334, %get3A_335] {strides = array<i32>} : memref<128x256xf32, #tpu.memory_space<vmem>>, vector<16xf32>,
      %get3A_337 = arith.index_cast %add3A_330 : i32 to index
      %get3A_338 = arith.constant 32 : index
      %get3A_339 = tpu.vector_load %arg5[%get3A_337, %get3A_338] {strides = array<i32>} : memref<128x256xf32, #tpu.memory_space<vmem>>, vector<16xf32>,
      %get3A_340 = arith.index_cast %add3A_330 : i32 to index
      %get3A_341 = arith.constant 48 : index
      %get3A_342 = tpu.vector_load %arg5[%get3A_340, %get3A_341] {strides = array<i32>} : memref<128x256xf32, #tpu.memory_space<vmem>>, vector<16xf32>,
      %get3A_343 = arith.index_cast %add3A_330 : i32 to index
      %get3A_344 = arith.constant 64 : index
      %get3A_345 = tpu.vector_load %arg5[%get3A_343, %get3A_344] {strides = array<i32>} : memref<128x256xf32, #tpu.memory_space<vmem>>, vector<16xf32>,
      %get3A_346 = arith.index_cast %add3A_330 : i32 to index
      %get3A_347 = arith.constant 80 : index
      %get3A_348 = tpu.vector_load %arg5[%get3A_346, %get3A_347] {strides = array<i32>} : memref<128x256xf32, #tpu.memory_space<vmem>>, vector<16xf32>,
      %get3A_349 = arith.index_cast %add3A_330 : i32 to index
      %get3A_350 = arith.constant 96 : index
      %get3A_351 = tpu.vector_load %arg5[%get3A_349, %get3A_350] {strides = array<i32>} : memref<128x256xf32, #tpu.memory_space<vmem>>, vector<16xf32>,
      %get3A_352 = arith.index_cast %add3A_330 : i32 to index
      %get3A_353 = arith.constant 112 : index
      %get3A_354 = tpu.vector_load %arg5[%get3A_352, %get3A_353] {strides = array<i32>} : memref<128x256xf32, #tpu.memory_space<vmem>>, vector<16xf32>,
      %get3A_355 = arith.index_cast %add3A_330 : i32 to index
      %get3A_356 = arith.constant 128 : index
      %get3A_357 = tpu.vector_load %arg5[%get3A_355, %get3A_356] {strides = array<i32>} : memref<128x256xf32, #tpu.memory_space<vmem>>, vector<16xf32>,
      %get3A_358 = arith.index_cast %add3A_330 : i32 to index
      %get3A_359 = arith.constant 144 : index
      %get3A_360 = tpu.vector_load %arg5[%get3A_358, %get3A_359] {strides = array<i32>} : memref<128x256xf32, #tpu.memory_space<vmem>>, vector<16xf32>,
      %get3A_361 = arith.index_cast %add3A_330 : i32 to index
      %get3A_362 = arith.constant 160 : index
      %get3A_363 = tpu.vector_load %arg5[%get3A_361, %get3A_362] {strides = array<i32>} : memref<128x256xf32, #tpu.memory_space<vmem>>, vector<16xf32>,
      %get3A_364 = arith.index_cast %add3A_330 : i32 to index
      %get3A_365 = arith.constant 176 : index
      %get3A_366 = tpu.vector_load %arg5[%get3A_364, %get3A_365] {strides = array<i32>} : memref<128x256xf32, #tpu.memory_space<vmem>>, vector<16xf32>,
      %get3A_367 = arith.index_cast %add3A_330 : i32 to index
      %get3A_368 = arith.constant 192 : index
      %get3A_369 = tpu.vector_load %arg5[%get3A_367, %get3A_368] {strides = array<i32>} : memref<128x256xf32, #tpu.memory_space<vmem>>, vector<16xf32>,
      %get3A_370 = arith.index_cast %add3A_330 : i32 to index
      %get3A_371 = arith.constant 208 : index
      %get3A_372 = tpu.vector_load %arg5[%get3A_370, %get3A_371] {strides = array<i32>} : memref<128x256xf32, #tpu.memory_space<vmem>>, vector<16xf32>,
      %get3A_373 = arith.index_cast %add3A_330 : i32 to index
      %get3A_374 = arith.constant 224 : index
      %get3A_375 = tpu.vector_load %arg5[%get3A_373, %get3A_374] {strides = array<i32>} : memref<128x256xf32, #tpu.memory_space<vmem>>, vector<16xf32>,
      %get3A_376 = arith.index_cast %add3A_330 : i32 to index
      %get3A_377 = arith.constant 240 : index
      %get3A_378 = tpu.vector_load %arg5[%get3A_376, %get3A_377] {strides = array<i32>} : memref<128x256xf32, #tpu.memory_space<vmem>>, vector<16xf32>,
      %gt3A_379 = arith.cmpf ogt, %get3A_336, %get3A_333 : vector<16xf32>
      %select_n3A_380 = arith.select %gt3A_379, %get3A_336, %get3A_333 : vector<16xi1>, vector<16xf32>
      %jit3A_381 = arith.constant 1 : i32
      %jit3A_382 = arith.constant 0 : i32
      %broadcast_in_dim3A_383 = vector.broadcast %jit3A_381 : i32 to vector<16xi32>
      %broadcast_in_dim3A_384 = vector.broadcast %jit3A_382 : i32 to vector<16xi32>
      %select_n3A_385 = arith.select %gt3A_379, %broadcast_in_dim3A_383, %broadcast_in_dim3A_384 : vector<16xi1>, vector<16xi32>
      %gt3A_386 = arith.cmpf ogt, %get3A_342, %get3A_339 : vector<16xf32>
      %select_n3A_387 = arith.select %gt3A_386, %get3A_342, %get3A_339 : vector<16xi1>, vector<16xf32>
      %jit3A_388 = arith.constant 3 : i32
      %jit3A_389 = arith.constant 2 : i32
      %broadcast_in_dim3A_390 = vector.broadcast %jit3A_388 : i32 to vector<16xi32>
      %broadcast_in_dim3A_391 = vector.broadcast %jit3A_389 : i32 to vector<16xi32>
      %select_n3A_392 = arith.select %gt3A_386, %broadcast_in_dim3A_390, %broadcast_in_dim3A_391 : vector<16xi1>, vector<16xi32>
      %gt3A_393 = arith.cmpf ogt, %get3A_348, %get3A_345 : vector<16xf32>
      %select_n3A_394 = arith.select %gt3A_393, %get3A_348, %get3A_345 : vector<16xi1>, vector<16xf32>
      %jit3A_395 = arith.constant 5 : i32
      %jit3A_396 = arith.constant 4 : i32
      %broadcast_in_dim3A_397 = vector.broadcast %jit3A_395 : i32 to vector<16xi32>
      %broadcast_in_dim3A_398 = vector.broadcast %jit3A_396 : i32 to vector<16xi32>
      %select_n3A_399 = arith.select %gt3A_393, %broadcast_in_dim3A_397, %broadcast_in_dim3A_398 : vector<16xi1>, vector<16xi32>
      %gt3A_400 = arith.cmpf ogt, %get3A_354, %get3A_351 : vector<16xf32>
      %select_n3A_401 = arith.select %gt3A_400, %get3A_354, %get3A_351 : vector<16xi1>, vector<16xf32>
      %jit3A_402 = arith.constant 7 : i32
      %jit3A_403 = arith.constant 6 : i32
      %broadcast_in_dim3A_404 = vector.broadcast %jit3A_402 : i32 to vector<16xi32>
      %broadcast_in_dim3A_405 = vector.broadcast %jit3A_403 : i32 to vector<16xi32>
      %select_n3A_406 = arith.select %gt3A_400, %broadcast_in_dim3A_404, %broadcast_in_dim3A_405 : vector<16xi1>, vector<16xi32>
      %gt3A_407 = arith.cmpf ogt, %get3A_360, %get3A_357 : vector<16xf32>
      %select_n3A_408 = arith.select %gt3A_407, %get3A_360, %get3A_357 : vector<16xi1>, vector<16xf32>
      %jit3A_409 = arith.constant 9 : i32
      %jit3A_410 = arith.constant 8 : i32
      %broadcast_in_dim3A_411 = vector.broadcast %jit3A_409 : i32 to vector<16xi32>
      %broadcast_in_dim3A_412 = vector.broadcast %jit3A_410 : i32 to vector<16xi32>
      %select_n3A_413 = arith.select %gt3A_407, %broadcast_in_dim3A_411, %broadcast_in_dim3A_412 : vector<16xi1>, vector<16xi32>
      %gt3A_414 = arith.cmpf ogt, %get3A_366, %get3A_363 : vector<16xf32>
      %select_n3A_415 = arith.select %gt3A_414, %get3A_366, %get3A_363 : vector<16xi1>, vector<16xf32>
      %jit3A_416 = arith.constant 11 : i32
      %jit3A_417 = arith.constant 10 : i32
      %broadcast_in_dim3A_418 = vector.broadcast %jit3A_416 : i32 to vector<16xi32>
      %broadcast_in_dim3A_419 = vector.broadcast %jit3A_417 : i32 to vector<16xi32>
      %select_n3A_420 = arith.select %gt3A_414, %broadcast_in_dim3A_418, %broadcast_in_dim3A_419 : vector<16xi1>, vector<16xi32>
      %gt3A_421 = arith.cmpf ogt, %get3A_372, %get3A_369 : vector<16xf32>
      %select_n3A_422 = arith.select %gt3A_421, %get3A_372, %get3A_369 : vector<16xi1>, vector<16xf32>
      %jit3A_423 = arith.constant 13 : i32
      %jit3A_424 = arith.constant 12 : i32
      %broadcast_in_dim3A_425 = vector.broadcast %jit3A_423 : i32 to vector<16xi32>
      %broadcast_in_dim3A_426 = vector.broadcast %jit3A_424 : i32 to vector<16xi32>
      %select_n3A_427 = arith.select %gt3A_421, %broadcast_in_dim3A_425, %broadcast_in_dim3A_426 : vector<16xi1>, vector<16xi32>
      %gt3A_428 = arith.cmpf ogt, %get3A_378, %get3A_375 : vector<16xf32>
      %select_n3A_429 = arith.select %gt3A_428, %get3A_378, %get3A_375 : vector<16xi1>, vector<16xf32>
      %jit3A_430 = arith.constant 15 : i32
      %jit3A_431 = arith.constant 14 : i32
      %broadcast_in_dim3A_432 = vector.broadcast %jit3A_430 : i32 to vector<16xi32>
      %broadcast_in_dim3A_433 = vector.broadcast %jit3A_431 : i32 to vector<16xi32>
      %select_n3A_434 = arith.select %gt3A_428, %broadcast_in_dim3A_432, %broadcast_in_dim3A_433 : vector<16xi1>, vector<16xi32>
      %gt3A_435 = arith.cmpf ogt, %select_n3A_387, %select_n3A_380 : vector<16xf32>
      %select_n3A_436 = arith.select %gt3A_435, %select_n3A_387, %select_n3A_380 : vector<16xi1>, vector<16xf32>
      %select_n3A_437 = arith.select %gt3A_435, %select_n3A_392, %select_n3A_385 : vector<16xi1>, vector<16xi32>
      %gt3A_438 = arith.cmpf ogt, %select_n3A_401, %select_n3A_394 : vector<16xf32>
      %select_n3A_439 = arith.select %gt3A_438, %select_n3A_401, %select_n3A_394 : vector<16xi1>, vector<16xf32>
      %select_n3A_440 = arith.select %gt3A_438, %select_n3A_406, %select_n3A_399 : vector<16xi1>, vector<16xi32>
      %gt3A_441 = arith.cmpf ogt, %select_n3A_415, %select_n3A_408 : vector<16xf32>
      %select_n3A_442 = arith.select %gt3A_441, %select_n3A_415, %select_n3A_408 : vector<16xi1>, vector<16xf32>
      %select_n3A_443 = arith.select %gt3A_441, %select_n3A_420, %select_n3A_413 : vector<16xi1>, vector<16xi32>
      %gt3A_444 = arith.cmpf ogt, %select_n3A_429, %select_n3A_422 : vector<16xf32>
      %select_n3A_445 = arith.select %gt3A_444, %select_n3A_429, %select_n3A_422 : vector<16xi1>, vector<16xf32>
      %select_n3A_446 = arith.select %gt3A_444, %select_n3A_434, %select_n3A_427 : vector<16xi1>, vector<16xi32>
      %gt3A_447 = arith.cmpf ogt, %select_n3A_439, %select_n3A_436 : vector<16xf32>
      %select_n3A_448 = arith.select %gt3A_447, %select_n3A_439, %select_n3A_436 : vector<16xi1>, vector<16xf32>
      %select_n3A_449 = arith.select %gt3A_447, %select_n3A_440, %select_n3A_437 : vector<16xi1>, vector<16xi32>
      %gt3A_450 = arith.cmpf ogt, %select_n3A_445, %select_n3A_442 : vector<16xf32>
      %select_n3A_451 = arith.select %gt3A_450, %select_n3A_445, %select_n3A_442 : vector<16xi1>, vector<16xf32>
      %select_n3A_452 = arith.select %gt3A_450, %select_n3A_446, %select_n3A_443 : vector<16xi1>, vector<16xi32>
      %gt3A_453 = arith.cmpf ogt, %select_n3A_451, %select_n3A_448 : vector<16xf32>
      %select_n3A_454 = arith.select %gt3A_453, %select_n3A_451, %select_n3A_448 : vector<16xi1>, vector<16xf32>
      %select_n3A_455 = arith.select %gt3A_453, %select_n3A_452, %select_n3A_449 : vector<16xi1>, vector<16xi32>
      %add3A_456 = arith.constant 3 : i32
      %add3A_457 = arith.addi %mul3A_78, %add3A_456 : i32
      %get3A_458 = arith.index_cast %add3A_457 : i32 to index
      %get3A_459 = arith.constant 0 : index
      %get3A_460 = tpu.vector_load %arg5[%get3A_458, %get3A_459] {strides = array<i32>} : memref<128x256xf32, #tpu.memory_space<vmem>>, vector<16xf32>,
      %get3A_461 = arith.index_cast %add3A_457 : i32 to index
      %get3A_462 = arith.constant 16 : index
      %get3A_463 = tpu.vector_load %arg5[%get3A_461, %get3A_462] {strides = array<i32>} : memref<128x256xf32, #tpu.memory_space<vmem>>, vector<16xf32>,
      %get3A_464 = arith.index_cast %add3A_457 : i32 to index
      %get3A_465 = arith.constant 32 : index
      %get3A_466 = tpu.vector_load %arg5[%get3A_464, %get3A_465] {strides = array<i32>} : memref<128x256xf32, #tpu.memory_space<vmem>>, vector<16xf32>,
      %get3A_467 = arith.index_cast %add3A_457 : i32 to index
      %get3A_468 = arith.constant 48 : index
      %get3A_469 = tpu.vector_load %arg5[%get3A_467, %get3A_468] {strides = array<i32>} : memref<128x256xf32, #tpu.memory_space<vmem>>, vector<16xf32>,
      %get3A_470 = arith.index_cast %add3A_457 : i32 to index
      %get3A_471 = arith.constant 64 : index
      %get3A_472 = tpu.vector_load %arg5[%get3A_470, %get3A_471] {strides = array<i32>} : memref<128x256xf32, #tpu.memory_space<vmem>>, vector<16xf32>,
      %get3A_473 = arith.index_cast %add3A_457 : i32 to index
      %get3A_474 = arith.constant 80 : index
      %get3A_475 = tpu.vector_load %arg5[%get3A_473, %get3A_474] {strides = array<i32>} : memref<128x256xf32, #tpu.memory_space<vmem>>, vector<16xf32>,
      %get3A_476 = arith.index_cast %add3A_457 : i32 to index
      %get3A_477 = arith.constant 96 : index
      %get3A_478 = tpu.vector_load %arg5[%get3A_476, %get3A_477] {strides = array<i32>} : memref<128x256xf32, #tpu.memory_space<vmem>>, vector<16xf32>,
      %get3A_479 = arith.index_cast %add3A_457 : i32 to index
      %get3A_480 = arith.constant 112 : index
      %get3A_481 = tpu.vector_load %arg5[%get3A_479, %get3A_480] {strides = array<i32>} : memref<128x256xf32, #tpu.memory_space<vmem>>, vector<16xf32>,
      %get3A_482 = arith.index_cast %add3A_457 : i32 to index
      %get3A_483 = arith.constant 128 : index
      %get3A_484 = tpu.vector_load %arg5[%get3A_482, %get3A_483] {strides = array<i32>} : memref<128x256xf32, #tpu.memory_space<vmem>>, vector<16xf32>,
      %get3A_485 = arith.index_cast %add3A_457 : i32 to index
      %get3A_486 = arith.constant 144 : index
      %get3A_487 = tpu.vector_load %arg5[%get3A_485, %get3A_486] {strides = array<i32>} : memref<128x256xf32, #tpu.memory_space<vmem>>, vector<16xf32>,
      %get3A_488 = arith.index_cast %add3A_457 : i32 to index
      %get3A_489 = arith.constant 160 : index
      %get3A_490 = tpu.vector_load %arg5[%get3A_488, %get3A_489] {strides = array<i32>} : memref<128x256xf32, #tpu.memory_space<vmem>>, vector<16xf32>,
      %get3A_491 = arith.index_cast %add3A_457 : i32 to index
      %get3A_492 = arith.constant 176 : index
      %get3A_493 = tpu.vector_load %arg5[%get3A_491, %get3A_492] {strides = array<i32>} : memref<128x256xf32, #tpu.memory_space<vmem>>, vector<16xf32>,
      %get3A_494 = arith.index_cast %add3A_457 : i32 to index
      %get3A_495 = arith.constant 192 : index
      %get3A_496 = tpu.vector_load %arg5[%get3A_494, %get3A_495] {strides = array<i32>} : memref<128x256xf32, #tpu.memory_space<vmem>>, vector<16xf32>,
      %get3A_497 = arith.index_cast %add3A_457 : i32 to index
      %get3A_498 = arith.constant 208 : index
      %get3A_499 = tpu.vector_load %arg5[%get3A_497, %get3A_498] {strides = array<i32>} : memref<128x256xf32, #tpu.memory_space<vmem>>, vector<16xf32>,
      %get3A_500 = arith.index_cast %add3A_457 : i32 to index
      %get3A_501 = arith.constant 224 : index
      %get3A_502 = tpu.vector_load %arg5[%get3A_500, %get3A_501] {strides = array<i32>} : memref<128x256xf32, #tpu.memory_space<vmem>>, vector<16xf32>,
      %get3A_503 = arith.index_cast %add3A_457 : i32 to index
      %get3A_504 = arith.constant 240 : index
      %get3A_505 = tpu.vector_load %arg5[%get3A_503, %get3A_504] {strides = array<i32>} : memref<128x256xf32, #tpu.memory_space<vmem>>, vector<16xf32>,
      %gt3A_506 = arith.cmpf ogt, %get3A_463, %get3A_460 : vector<16xf32>
      %select_n3A_507 = arith.select %gt3A_506, %get3A_463, %get3A_460 : vector<16xi1>, vector<16xf32>
      %jit3A_508 = arith.constant 1 : i32
      %jit3A_509 = arith.constant 0 : i32
      %broadcast_in_dim3A_510 = vector.broadcast %jit3A_508 : i32 to vector<16xi32>
      %broadcast_in_dim3A_511 = vector.broadcast %jit3A_509 : i32 to vector<16xi32>
      %select_n3A_512 = arith.select %gt3A_506, %broadcast_in_dim3A_510, %broadcast_in_dim3A_511 : vector<16xi1>, vector<16xi32>
      %gt3A_513 = arith.cmpf ogt, %get3A_469, %get3A_466 : vector<16xf32>
      %select_n3A_514 = arith.select %gt3A_513, %get3A_469, %get3A_466 : vector<16xi1>, vector<16xf32>
      %jit3A_515 = arith.constant 3 : i32
      %jit3A_516 = arith.constant 2 : i32
      %broadcast_in_dim3A_517 = vector.broadcast %jit3A_515 : i32 to vector<16xi32>
      %broadcast_in_dim3A_518 = vector.broadcast %jit3A_516 : i32 to vector<16xi32>
      %select_n3A_519 = arith.select %gt3A_513, %broadcast_in_dim3A_517, %broadcast_in_dim3A_518 : vector<16xi1>, vector<16xi32>
      %gt3A_520 = arith.cmpf ogt, %get3A_475, %get3A_472 : vector<16xf32>
      %select_n3A_521 = arith.select %gt3A_520, %get3A_475, %get3A_472 : vector<16xi1>, vector<16xf32>
      %jit3A_522 = arith.constant 5 : i32
      %jit3A_523 = arith.constant 4 : i32
      %broadcast_in_dim3A_524 = vector.broadcast %jit3A_522 : i32 to vector<16xi32>
      %broadcast_in_dim3A_525 = vector.broadcast %jit3A_523 : i32 to vector<16xi32>
      %select_n3A_526 = arith.select %gt3A_520, %broadcast_in_dim3A_524, %broadcast_in_dim3A_525 : vector<16xi1>, vector<16xi32>
      %gt3A_527 = arith.cmpf ogt, %get3A_481, %get3A_478 : vector<16xf32>
      %select_n3A_528 = arith.select %gt3A_527, %get3A_481, %get3A_478 : vector<16xi1>, vector<16xf32>
      %jit3A_529 = arith.constant 7 : i32
      %jit3A_530 = arith.constant 6 : i32
      %broadcast_in_dim3A_531 = vector.broadcast %jit3A_529 : i32 to vector<16xi32>
      %broadcast_in_dim3A_532 = vector.broadcast %jit3A_530 : i32 to vector<16xi32>
      %select_n3A_533 = arith.select %gt3A_527, %broadcast_in_dim3A_531, %broadcast_in_dim3A_532 : vector<16xi1>, vector<16xi32>
      %gt3A_534 = arith.cmpf ogt, %get3A_487, %get3A_484 : vector<16xf32>
      %select_n3A_535 = arith.select %gt3A_534, %get3A_487, %get3A_484 : vector<16xi1>, vector<16xf32>
      %jit3A_536 = arith.constant 9 : i32
      %jit3A_537 = arith.constant 8 : i32
      %broadcast_in_dim3A_538 = vector.broadcast %jit3A_536 : i32 to vector<16xi32>
      %broadcast_in_dim3A_539 = vector.broadcast %jit3A_537 : i32 to vector<16xi32>
      %select_n3A_540 = arith.select %gt3A_534, %broadcast_in_dim3A_538, %broadcast_in_dim3A_539 : vector<16xi1>, vector<16xi32>
      %gt3A_541 = arith.cmpf ogt, %get3A_493, %get3A_490 : vector<16xf32>
      %select_n3A_542 = arith.select %gt3A_541, %get3A_493, %get3A_490 : vector<16xi1>, vector<16xf32>
      %jit3A_543 = arith.constant 11 : i32
      %jit3A_544 = arith.constant 10 : i32
      %broadcast_in_dim3A_545 = vector.broadcast %jit3A_543 : i32 to vector<16xi32>
      %broadcast_in_dim3A_546 = vector.broadcast %jit3A_544 : i32 to vector<16xi32>
      %select_n3A_547 = arith.select %gt3A_541, %broadcast_in_dim3A_545, %broadcast_in_dim3A_546 : vector<16xi1>, vector<16xi32>
      %gt3A_548 = arith.cmpf ogt, %get3A_499, %get3A_496 : vector<16xf32>
      %select_n3A_549 = arith.select %gt3A_548, %get3A_499, %get3A_496 : vector<16xi1>, vector<16xf32>
      %jit3A_550 = arith.constant 13 : i32
      %jit3A_551 = arith.constant 12 : i32
      %broadcast_in_dim3A_552 = vector.broadcast %jit3A_550 : i32 to vector<16xi32>
      %broadcast_in_dim3A_553 = vector.broadcast %jit3A_551 : i32 to vector<16xi32>
      %select_n3A_554 = arith.select %gt3A_548, %broadcast_in_dim3A_552, %broadcast_in_dim3A_553 : vector<16xi1>, vector<16xi32>
      %gt3A_555 = arith.cmpf ogt, %get3A_505, %get3A_502 : vector<16xf32>
      %select_n3A_556 = arith.select %gt3A_555, %get3A_505, %get3A_502 : vector<16xi1>, vector<16xf32>
      %jit3A_557 = arith.constant 15 : i32
      %jit3A_558 = arith.constant 14 : i32
      %broadcast_in_dim3A_559 = vector.broadcast %jit3A_557 : i32 to vector<16xi32>
      %broadcast_in_dim3A_560 = vector.broadcast %jit3A_558 : i32 to vector<16xi32>
      %select_n3A_561 = arith.select %gt3A_555, %broadcast_in_dim3A_559, %broadcast_in_dim3A_560 : vector<16xi1>, vector<16xi32>
      %gt3A_562 = arith.cmpf ogt, %select_n3A_514, %select_n3A_507 : vector<16xf32>
      %select_n3A_563 = arith.select %gt3A_562, %select_n3A_514, %select_n3A_507 : vector<16xi1>, vector<16xf32>
      %select_n3A_564 = arith.select %gt3A_562, %select_n3A_519, %select_n3A_512 : vector<16xi1>, vector<16xi32>
      %gt3A_565 = arith.cmpf ogt, %select_n3A_528, %select_n3A_521 : vector<16xf32>
      %select_n3A_566 = arith.select %gt3A_565, %select_n3A_528, %select_n3A_521 : vector<16xi1>, vector<16xf32>
      %select_n3A_567 = arith.select %gt3A_565, %select_n3A_533, %select_n3A_526 : vector<16xi1>, vector<16xi32>
      %gt3A_568 = arith.cmpf ogt, %select_n3A_542, %select_n3A_535 : vector<16xf32>
      %select_n3A_569 = arith.select %gt3A_568, %select_n3A_542, %select_n3A_535 : vector<16xi1>, vector<16xf32>
      %select_n3A_570 = arith.select %gt3A_568, %select_n3A_547, %select_n3A_540 : vector<16xi1>, vector<16xi32>
      %gt3A_571 = arith.cmpf ogt, %select_n3A_556, %select_n3A_549 : vector<16xf32>
      %select_n3A_572 = arith.select %gt3A_571, %select_n3A_556, %select_n3A_549 : vector<16xi1>, vector<16xf32>
      %select_n3A_573 = arith.select %gt3A_571, %select_n3A_561, %select_n3A_554 : vector<16xi1>, vector<16xi32>
      %gt3A_574 = arith.cmpf ogt, %select_n3A_566, %select_n3A_563 : vector<16xf32>
      %select_n3A_575 = arith.select %gt3A_574, %select_n3A_566, %select_n3A_563 : vector<16xi1>, vector<16xf32>
      %select_n3A_576 = arith.select %gt3A_574, %select_n3A_567, %select_n3A_564 : vector<16xi1>, vector<16xi32>
      %gt3A_577 = arith.cmpf ogt, %select_n3A_572, %select_n3A_569 : vector<16xf32>
      %select_n3A_578 = arith.select %gt3A_577, %select_n3A_572, %select_n3A_569 : vector<16xi1>, vector<16xf32>
      %select_n3A_579 = arith.select %gt3A_577, %select_n3A_573, %select_n3A_570 : vector<16xi1>, vector<16xi32>
      %gt3A_580 = arith.cmpf ogt, %select_n3A_578, %select_n3A_575 : vector<16xf32>
      %select_n3A_581 = arith.select %gt3A_580, %select_n3A_578, %select_n3A_575 : vector<16xi1>, vector<16xf32>
      %select_n3A_582 = arith.select %gt3A_580, %select_n3A_579, %select_n3A_576 : vector<16xi1>, vector<16xi32>
      %reduce_max3A = arith.constant true
      %reduce_max3A_583 = vector.broadcast %reduce_max3A : i1 to vector<16xi1>
      %reduce_max3A_584 = tpu.scan <max>, %select_n3A_200 masked %reduce_max3A_583 : vector<16xf32>, vector<16xi1> -> vector<16xf32>
      %reduce_max3A_585 = vector.extract %reduce_max3A_584[15] : f32 from vector<16xf32>
      %reduce_max3A_586 = arith.constant true
      %reduce_max3A_587 = vector.broadcast %reduce_max3A_586 : i1 to vector<16xi1>
      %reduce_max3A_588 = tpu.scan <max>, %select_n3A_327 masked %reduce_max3A_587 : vector<16xf32>, vector<16xi1> -> vector<16xf32>
      %reduce_max3A_589 = vector.extract %reduce_max3A_588[15] : f32 from vector<16xf32>
      %reduce_max3A_590 = arith.constant true
      %reduce_max3A_591 = vector.broadcast %reduce_max3A_590 : i1 to vector<16xi1>
      %reduce_max3A_592 = tpu.scan <max>, %select_n3A_454 masked %reduce_max3A_591 : vector<16xf32>, vector<16xi1> -> vector<16xf32>
      %reduce_max3A_593 = vector.extract %reduce_max3A_592[15] : f32 from vector<16xf32>
      %reduce_max3A_594 = arith.constant true
      %reduce_max3A_595 = vector.broadcast %reduce_max3A_594 : i1 to vector<16xi1>
      %reduce_max3A_596 = tpu.scan <max>, %select_n3A_581 masked %reduce_max3A_595 : vector<16xf32>, vector<16xi1> -> vector<16xf32>
      %reduce_max3A_597 = vector.extract %reduce_max3A_596[15] : f32 from vector<16xf32>
      %eq3A = vector.broadcast %reduce_max3A_585 : f32 to vector<16xf32>
      %eq3A_598 = arith.cmpf oeq, %select_n3A_200, %eq3A : vector<16xf32>
      %mul3A_599 = arith.constant 16 : i32
      %mul3A_600 = vector.broadcast %mul3A_599 : i32 to vector<16xi32>
      %mul3A_601 = arith.muli %select_n3A_201, %mul3A_600 : vector<16xi32>
      %add3A_602 = arith.addi %mul3A_601, %iota3A : vector<16xi32>
      %jit3A_603 = arith.constant 256 : i32
      %broadcast_in_dim3A_604 = vector.broadcast %jit3A_603 : i32 to vector<16xi32>
      %select_n3A_605 = arith.select %eq3A_598, %add3A_602, %broadcast_in_dim3A_604 : vector<16xi1>, vector<16xi32>
      %eq3A_606 = vector.broadcast %reduce_max3A_589 : f32 to vector<16xf32>
      %eq3A_607 = arith.cmpf oeq, %select_n3A_327, %eq3A_606 : vector<16xf32>
      %mul3A_608 = arith.constant 16 : i32
      %mul3A_609 = vector.broadcast %mul3A_608 : i32 to vector<16xi32>
      %mul3A_610 = arith.muli %select_n3A_328, %mul3A_609 : vector<16xi32>
      %add3A_611 = arith.addi %mul3A_610, %iota3A : vector<16xi32>
      %jit3A_612 = arith.constant 256 : i32
      %broadcast_in_dim3A_613 = vector.broadcast %jit3A_612 : i32 to vector<16xi32>
      %select_n3A_614 = arith.select %eq3A_607, %add3A_611, %broadcast_in_dim3A_613 : vector<16xi1>, vector<16xi32>
      %eq3A_615 = vector.broadcast %reduce_max3A_593 : f32 to vector<16xf32>
      %eq3A_616 = arith.cmpf oeq, %select_n3A_454, %eq3A_615 : vector<16xf32>
      %mul3A_617 = arith.constant 16 : i32
      %mul3A_618 = vector.broadcast %mul3A_617 : i32 to vector<16xi32>
      %mul3A_619 = arith.muli %select_n3A_455, %mul3A_618 : vector<16xi32>
      %add3A_620 = arith.addi %mul3A_619, %iota3A : vector<16xi32>
      %jit3A_621 = arith.constant 256 : i32
      %broadcast_in_dim3A_622 = vector.broadcast %jit3A_621 : i32 to vector<16xi32>
      %select_n3A_623 = arith.select %eq3A_616, %add3A_620, %broadcast_in_dim3A_622 : vector<16xi1>, vector<16xi32>
      %eq3A_624 = vector.broadcast %reduce_max3A_597 : f32 to vector<16xf32>
      %eq3A_625 = arith.cmpf oeq, %select_n3A_581, %eq3A_624 : vector<16xf32>
      %mul3A_626 = arith.constant 16 : i32
      %mul3A_627 = vector.broadcast %mul3A_626 : i32 to vector<16xi32>
      %mul3A_628 = arith.muli %select_n3A_582, %mul3A_627 : vector<16xi32>
      %add3A_629 = arith.addi %mul3A_628, %iota3A : vector<16xi32>
      %jit3A_630 = arith.constant 256 : i32
      %broadcast_in_dim3A_631 = vector.broadcast %jit3A_630 : i32 to vector<16xi32>
      %select_n3A_632 = arith.select %eq3A_625, %add3A_629, %broadcast_in_dim3A_631 : vector<16xi1>, vector<16xi32>
      %reduce_min3A = arith.constant true
      %reduce_min3A_633 = vector.broadcast %reduce_min3A : i1 to vector<16xi1>
      %reduce_min3A_634 = arith.constant -2147483648 : i32
      %reduce_min3A_635 = vector.broadcast %reduce_min3A_634 : i32 to vector<16xi32>
      %reduce_min3A_636 = arith.xori %select_n3A_605, %reduce_min3A_635 : vector<16xi32>
      %reduce_min3A_637 = tpu.scan <min>, %reduce_min3A_636 masked %reduce_min3A_633 : vector<16xi32>, vector<16xi1> -> vector<16xi32>
      %reduce_min3A_638 = arith.xori %reduce_min3A_637, %reduce_min3A_635 : vector<16xi32>
      %reduce_min3A_639 = vector.extract %reduce_min3A_638[15] : i32 from vector<16xi32>
      %reduce_min3A_640 = arith.constant true
      %reduce_min3A_641 = vector.broadcast %reduce_min3A_640 : i1 to vector<16xi1>
      %reduce_min3A_642 = arith.constant -2147483648 : i32
      %reduce_min3A_643 = vector.broadcast %reduce_min3A_642 : i32 to vector<16xi32>
      %reduce_min3A_644 = arith.xori %select_n3A_614, %reduce_min3A_643 : vector<16xi32>
      %reduce_min3A_645 = tpu.scan <min>, %reduce_min3A_644 masked %reduce_min3A_641 : vector<16xi32>, vector<16xi1> -> vector<16xi32>
      %reduce_min3A_646 = arith.xori %reduce_min3A_645, %reduce_min3A_643 : vector<16xi32>
      %reduce_min3A_647 = vector.extract %reduce_min3A_646[15] : i32 from vector<16xi32>
      %reduce_min3A_648 = arith.constant true
      %reduce_min3A_649 = vector.broadcast %reduce_min3A_648 : i1 to vector<16xi1>
      %reduce_min3A_650 = arith.constant -2147483648 : i32
      %reduce_min3A_651 = vector.broadcast %reduce_min3A_650 : i32 to vector<16xi32>
      %reduce_min3A_652 = arith.xori %select_n3A_623, %reduce_min3A_651 : vector<16xi32>
      %reduce_min3A_653 = tpu.scan <min>, %reduce_min3A_652 masked %reduce_min3A_649 : vector<16xi32>, vector<16xi1> -> vector<16xi32>
      %reduce_min3A_654 = arith.xori %reduce_min3A_653, %reduce_min3A_651 : vector<16xi32>
      %reduce_min3A_655 = vector.extract %reduce_min3A_654[15] : i32 from vector<16xi32>
      %reduce_min3A_656 = arith.constant true
      %reduce_min3A_657 = vector.broadcast %reduce_min3A_656 : i1 to vector<16xi1>
      %reduce_min3A_658 = arith.constant -2147483648 : i32
      %reduce_min3A_659 = vector.broadcast %reduce_min3A_658 : i32 to vector<16xi32>
      %reduce_min3A_660 = arith.xori %select_n3A_632, %reduce_min3A_659 : vector<16xi32>
      %reduce_min3A_661 = tpu.scan <min>, %reduce_min3A_660 masked %reduce_min3A_657 : vector<16xi32>, vector<16xi1> -> vector<16xi32>
      %reduce_min3A_662 = arith.xori %reduce_min3A_661, %reduce_min3A_659 : vector<16xi32>
      %reduce_min3A_663 = vector.extract %reduce_min3A_662[15] : i32 from vector<16xi32>
      %mul3A_664 = arith.constant 2 : i32
      %mul3A_665 = arith.muli %mul3A_664, %reduce_min3A_639 : i32
      %get3A_666 = arith.index_cast %mul3A_665 : i32 to index
      %get3A_667 = tpu.vector_load %arg7[%get3A_666] {strides = array<i32>} : memref<528xf32, #tpu.memory_space<vmem>>, vector<16xf32>,
      %add3A_668 = arith.constant 0 : i32
      %add3A_669 = arith.addi %add3A_668, %mul3A_78 : i32
      %add3A_670 = arith.constant 0 : i32
      %add3A_671 = arith.addi %add3A_669, %add3A_670 : i32
      %mul3A_672 = arith.constant 2 : i32
      %mul3A_673 = arith.muli %add3A_671, %mul3A_672 : i32
      %add3A_674 = vector.broadcast %mul3A_673 : i32 to vector<16xi32>
      %add3A_675 = arith.addi %iota3A, %add3A_674 : vector<16xi32>
      tpu.vector_store_idx %arg8[%add3A_675], %get3A_667 masked %lt3A_10 : memref<1024xf32, #tpu.memory_space<vmem>>[vector<16xi32>], vector<16xf32>, vector<16xi1>
      %mul3A_676 = arith.constant 2 : i32
      %mul3A_677 = arith.muli %mul3A_676, %reduce_min3A_647 : i32
      %get3A_678 = arith.index_cast %mul3A_677 : i32 to index
      %get3A_679 = tpu.vector_load %arg7[%get3A_678] {strides = array<i32>} : memref<528xf32, #tpu.memory_space<vmem>>, vector<16xf32>,
      %add3A_680 = arith.constant 0 : i32
      %add3A_681 = arith.addi %add3A_680, %mul3A_78 : i32
      %add3A_682 = arith.constant 1 : i32
      %add3A_683 = arith.addi %add3A_681, %add3A_682 : i32
      %mul3A_684 = arith.constant 2 : i32
      %mul3A_685 = arith.muli %add3A_683, %mul3A_684 : i32
      %add3A_686 = vector.broadcast %mul3A_685 : i32 to vector<16xi32>
      %add3A_687 = arith.addi %iota3A, %add3A_686 : vector<16xi32>
      tpu.vector_store_idx %arg8[%add3A_687], %get3A_679 masked %lt3A_10 : memref<1024xf32, #tpu.memory_space<vmem>>[vector<16xi32>], vector<16xf32>, vector<16xi1>
      %mul3A_688 = arith.constant 2 : i32
      %mul3A_689 = arith.muli %mul3A_688, %reduce_min3A_655 : i32
      %get3A_690 = arith.index_cast %mul3A_689 : i32 to index
      %get3A_691 = tpu.vector_load %arg7[%get3A_690] {strides = array<i32>} : memref<528xf32, #tpu.memory_space<vmem>>, vector<16xf32>,
      %add3A_692 = arith.constant 0 : i32
      %add3A_693 = arith.addi %add3A_692, %mul3A_78 : i32
      %add3A_694 = arith.constant 2 : i32
      %add3A_695 = arith.addi %add3A_693, %add3A_694 : i32
      %mul3A_696 = arith.constant 2 : i32
      %mul3A_697 = arith.muli %add3A_695, %mul3A_696 : i32
      %add3A_698 = vector.broadcast %mul3A_697 : i32 to vector<16xi32>
      %add3A_699 = arith.addi %iota3A, %add3A_698 : vector<16xi32>
      tpu.vector_store_idx %arg8[%add3A_699], %get3A_691 masked %lt3A_10 : memref<1024xf32, #tpu.memory_space<vmem>>[vector<16xi32>], vector<16xf32>, vector<16xi1>
      %mul3A_700 = arith.constant 2 : i32
      %mul3A_701 = arith.muli %mul3A_700, %reduce_min3A_663 : i32
      %get3A_702 = arith.index_cast %mul3A_701 : i32 to index
      %get3A_703 = tpu.vector_load %arg7[%get3A_702] {strides = array<i32>} : memref<528xf32, #tpu.memory_space<vmem>>, vector<16xf32>,
      %add3A_704 = arith.constant 0 : i32
      %add3A_705 = arith.addi %add3A_704, %mul3A_78 : i32
      %add3A_706 = arith.constant 3 : i32
      %add3A_707 = arith.addi %add3A_705, %add3A_706 : i32
      %mul3A_708 = arith.constant 2 : i32
      %mul3A_709 = arith.muli %add3A_707, %mul3A_708 : i32
      %add3A_710 = vector.broadcast %mul3A_709 : i32 to vector<16xi32>
      %add3A_711 = arith.addi %iota3A, %add3A_710 : vector<16xi32>
      tpu.vector_store_idx %arg8[%add3A_711], %get3A_703 masked %lt3A_10 : memref<1024xf32, #tpu.memory_space<vmem>>[vector<16xi32>], vector<16xf32>, vector<16xi1>
      %scan3A_712 = arith.constant 0 : i32
      scf.yield %scan3A_712 : i32
    }
    %scan3A_25 = arith.constant 32 : i32
    %add3A_26 = arith.constant 256 : i32
    %add3A_27 = arith.addi %mul3A_2, %add3A_26 : i32
    %dma_start3A_28 = arith.constant 0 : i32
    %dma_start3A_29 = tpu.memref_slice %arg2[%add3A_27, %dma_start3A_28] : memref<16384x256xf32, #tpu.memory_space<hbm>> -> memref<128x256xf32, #tpu.memory_space<hbm>>
    %dma_start3A_30 = arith.constant 0 : i32
    %dma_start3A_31 = tpu.memref_slice %arg2[%add3A_27, %dma_start3A_30] : memref<16384x256xf32, #tpu.memory_space<hbm>> -> memref<128x256xf32, #tpu.memory_space<hbm>>
    tpu.enqueue_dma source(%dma_start3A_31 : memref<128x256xf32, #tpu.memory_space<hbm>>) target(%arg5 : memref<128x256xf32, #tpu.memory_space<vmem>>) target_semaphore(%arg9 : memref<!tpu.dma_semaphore, #tpu.memory_space<semaphore_mem>>)
    %dma_wait3A_32 = arith.constant 0 : i32
    %dma_wait3A_33 = tpu.memref_slice %arg2[%add3A_12, %dma_wait3A_32] : memref<16384x256xf32, #tpu.memory_space<hbm>> -> memref<128x256xf32, #tpu.memory_space<hbm>>
    %dma_wait3A_34 = arith.constant 0 : i32
    %dma_wait3A_35 = tpu.memref_slice %arg2[%add3A_12, %dma_wait3A_34] : memref<16384x256xf32, #tpu.memory_space<hbm>> -> memref<128x256xf32, #tpu.memory_space<hbm>>
    tpu.wait_dma2 semaphore(%arg10 : memref<!tpu.dma_semaphore, #tpu.memory_space<semaphore_mem>>) src(%dma_wait3A_35 : memref<128x256xf32, #tpu.memory_space<hbm>>) dst(%arg6 : memref<128x256xf32, #tpu.memory_space<vmem>>)
    %scan3A_36 = arith.constant 0 : i32
    %scan3A_37 = arith.constant 0 : i32
    %scan3A_38 = arith.constant 32 : i32
    %scan3A_39 = arith.addi %scan3A_37, %scan3A_38 : i32
    %scan3A_40 = arith.constant 1 : i32
    %scan3A_41 = scf.for %scan3A_75 = %scan3A_37 to %scan3A_39 step %scan3A_40 iter_args(%scan3A_76 = %scan3A_36) -> (i32)  : i32 {
      %mul3A_77 = arith.constant 4 : i32
      %mul3A_78 = arith.muli %scan3A_75, %mul3A_77 : i32
      %add3A_79 = arith.constant 0 : i32
      %add3A_80 = arith.addi %mul3A_78, %add3A_79 : i32
      %get3A = arith.index_cast %add3A_80 : i32 to index
      %get3A_81 = arith.constant 0 : index
      %get3A_82 = tpu.vector_load %arg6[%get3A, %get3A_81] {strides = array<i32>} : memref<128x256xf32, #tpu.memory_space<vmem>>, vector<16xf32>,
      %get3A_83 = arith.index_cast %add3A_80 : i32 to index
      %get3A_84 = arith.constant 16 : index
      %get3A_85 = tpu.vector_load %arg6[%get3A_83, %get3A_84] {strides = array<i32>} : memref<128x256xf32, #tpu.memory_space<vmem>>, vector<16xf32>,
      %get3A_86 = arith.index_cast %add3A_80 : i32 to index
      %get3A_87 = arith.constant 32 : index
      %get3A_88 = tpu.vector_load %arg6[%get3A_86, %get3A_87] {strides = array<i32>} : memref<128x256xf32, #tpu.memory_space<vmem>>, vector<16xf32>,
      %get3A_89 = arith.index_cast %add3A_80 : i32 to index
      %get3A_90 = arith.constant 48 : index
      %get3A_91 = tpu.vector_load %arg6[%get3A_89, %get3A_90] {strides = array<i32>} : memref<128x256xf32, #tpu.memory_space<vmem>>, vector<16xf32>,
      %get3A_92 = arith.index_cast %add3A_80 : i32 to index
      %get3A_93 = arith.constant 64 : index
      %get3A_94 = tpu.vector_load %arg6[%get3A_92, %get3A_93] {strides = array<i32>} : memref<128x256xf32, #tpu.memory_space<vmem>>, vector<16xf32>,
      %get3A_95 = arith.index_cast %add3A_80 : i32 to index
      %get3A_96 = arith.constant 80 : index
      %get3A_97 = tpu.vector_load %arg6[%get3A_95, %get3A_96] {strides = array<i32>} : memref<128x256xf32, #tpu.memory_space<vmem>>, vector<16xf32>,
      %get3A_98 = arith.index_cast %add3A_80 : i32 to index
      %get3A_99 = arith.constant 96 : index
      %get3A_100 = tpu.vector_load %arg6[%get3A_98, %get3A_99] {strides = array<i32>} : memref<128x256xf32, #tpu.memory_space<vmem>>, vector<16xf32>,
      %get3A_101 = arith.index_cast %add3A_80 : i32 to index
      %get3A_102 = arith.constant 112 : index
      %get3A_103 = tpu.vector_load %arg6[%get3A_101, %get3A_102] {strides = array<i32>} : memref<128x256xf32, #tpu.memory_space<vmem>>, vector<16xf32>,
      %get3A_104 = arith.index_cast %add3A_80 : i32 to index
      %get3A_105 = arith.constant 128 : index
      %get3A_106 = tpu.vector_load %arg6[%get3A_104, %get3A_105] {strides = array<i32>} : memref<128x256xf32, #tpu.memory_space<vmem>>, vector<16xf32>,
      %get3A_107 = arith.index_cast %add3A_80 : i32 to index
      %get3A_108 = arith.constant 144 : index
      %get3A_109 = tpu.vector_load %arg6[%get3A_107, %get3A_108] {strides = array<i32>} : memref<128x256xf32, #tpu.memory_space<vmem>>, vector<16xf32>,
      %get3A_110 = arith.index_cast %add3A_80 : i32 to index
      %get3A_111 = arith.constant 160 : index
      %get3A_112 = tpu.vector_load %arg6[%get3A_110, %get3A_111] {strides = array<i32>} : memref<128x256xf32, #tpu.memory_space<vmem>>, vector<16xf32>,
      %get3A_113 = arith.index_cast %add3A_80 : i32 to index
      %get3A_114 = arith.constant 176 : index
      %get3A_115 = tpu.vector_load %arg6[%get3A_113, %get3A_114] {strides = array<i32>} : memref<128x256xf32, #tpu.memory_space<vmem>>, vector<16xf32>,
      %get3A_116 = arith.index_cast %add3A_80 : i32 to index
      %get3A_117 = arith.constant 192 : index
      %get3A_118 = tpu.vector_load %arg6[%get3A_116, %get3A_117] {strides = array<i32>} : memref<128x256xf32, #tpu.memory_space<vmem>>, vector<16xf32>,
      %get3A_119 = arith.index_cast %add3A_80 : i32 to index
      %get3A_120 = arith.constant 208 : index
      %get3A_121 = tpu.vector_load %arg6[%get3A_119, %get3A_120] {strides = array<i32>} : memref<128x256xf32, #tpu.memory_space<vmem>>, vector<16xf32>,
      %get3A_122 = arith.index_cast %add3A_80 : i32 to index
      %get3A_123 = arith.constant 224 : index
      %get3A_124 = tpu.vector_load %arg6[%get3A_122, %get3A_123] {strides = array<i32>} : memref<128x256xf32, #tpu.memory_space<vmem>>, vector<16xf32>,
      %get3A_125 = arith.index_cast %add3A_80 : i32 to index
      %get3A_126 = arith.constant 240 : index
      %get3A_127 = tpu.vector_load %arg6[%get3A_125, %get3A_126] {strides = array<i32>} : memref<128x256xf32, #tpu.memory_space<vmem>>, vector<16xf32>,
      %gt3A = arith.cmpf ogt, %get3A_85, %get3A_82 : vector<16xf32>
      %select_n3A = arith.select %gt3A, %get3A_85, %get3A_82 : vector<16xi1>, vector<16xf32>
      %jit3A = arith.constant 1 : i32
      %jit3A_128 = arith.constant 0 : i32
      %broadcast_in_dim3A_129 = vector.broadcast %jit3A : i32 to vector<16xi32>
      %broadcast_in_dim3A_130 = vector.broadcast %jit3A_128 : i32 to vector<16xi32>
      %select_n3A_131 = arith.select %gt3A, %broadcast_in_dim3A_129, %broadcast_in_dim3A_130 : vector<16xi1>, vector<16xi32>
      %gt3A_132 = arith.cmpf ogt, %get3A_91, %get3A_88 : vector<16xf32>
      %select_n3A_133 = arith.select %gt3A_132, %get3A_91, %get3A_88 : vector<16xi1>, vector<16xf32>
      %jit3A_134 = arith.constant 3 : i32
      %jit3A_135 = arith.constant 2 : i32
      %broadcast_in_dim3A_136 = vector.broadcast %jit3A_134 : i32 to vector<16xi32>
      %broadcast_in_dim3A_137 = vector.broadcast %jit3A_135 : i32 to vector<16xi32>
      %select_n3A_138 = arith.select %gt3A_132, %broadcast_in_dim3A_136, %broadcast_in_dim3A_137 : vector<16xi1>, vector<16xi32>
      %gt3A_139 = arith.cmpf ogt, %get3A_97, %get3A_94 : vector<16xf32>
      %select_n3A_140 = arith.select %gt3A_139, %get3A_97, %get3A_94 : vector<16xi1>, vector<16xf32>
      %jit3A_141 = arith.constant 5 : i32
      %jit3A_142 = arith.constant 4 : i32
      %broadcast_in_dim3A_143 = vector.broadcast %jit3A_141 : i32 to vector<16xi32>
      %broadcast_in_dim3A_144 = vector.broadcast %jit3A_142 : i32 to vector<16xi32>
      %select_n3A_145 = arith.select %gt3A_139, %broadcast_in_dim3A_143, %broadcast_in_dim3A_144 : vector<16xi1>, vector<16xi32>
      %gt3A_146 = arith.cmpf ogt, %get3A_103, %get3A_100 : vector<16xf32>
      %select_n3A_147 = arith.select %gt3A_146, %get3A_103, %get3A_100 : vector<16xi1>, vector<16xf32>
      %jit3A_148 = arith.constant 7 : i32
      %jit3A_149 = arith.constant 6 : i32
      %broadcast_in_dim3A_150 = vector.broadcast %jit3A_148 : i32 to vector<16xi32>
      %broadcast_in_dim3A_151 = vector.broadcast %jit3A_149 : i32 to vector<16xi32>
      %select_n3A_152 = arith.select %gt3A_146, %broadcast_in_dim3A_150, %broadcast_in_dim3A_151 : vector<16xi1>, vector<16xi32>
      %gt3A_153 = arith.cmpf ogt, %get3A_109, %get3A_106 : vector<16xf32>
      %select_n3A_154 = arith.select %gt3A_153, %get3A_109, %get3A_106 : vector<16xi1>, vector<16xf32>
      %jit3A_155 = arith.constant 9 : i32
      %jit3A_156 = arith.constant 8 : i32
      %broadcast_in_dim3A_157 = vector.broadcast %jit3A_155 : i32 to vector<16xi32>
      %broadcast_in_dim3A_158 = vector.broadcast %jit3A_156 : i32 to vector<16xi32>
      %select_n3A_159 = arith.select %gt3A_153, %broadcast_in_dim3A_157, %broadcast_in_dim3A_158 : vector<16xi1>, vector<16xi32>
      %gt3A_160 = arith.cmpf ogt, %get3A_115, %get3A_112 : vector<16xf32>
      %select_n3A_161 = arith.select %gt3A_160, %get3A_115, %get3A_112 : vector<16xi1>, vector<16xf32>
      %jit3A_162 = arith.constant 11 : i32
      %jit3A_163 = arith.constant 10 : i32
      %broadcast_in_dim3A_164 = vector.broadcast %jit3A_162 : i32 to vector<16xi32>
      %broadcast_in_dim3A_165 = vector.broadcast %jit3A_163 : i32 to vector<16xi32>
      %select_n3A_166 = arith.select %gt3A_160, %broadcast_in_dim3A_164, %broadcast_in_dim3A_165 : vector<16xi1>, vector<16xi32>
      %gt3A_167 = arith.cmpf ogt, %get3A_121, %get3A_118 : vector<16xf32>
      %select_n3A_168 = arith.select %gt3A_167, %get3A_121, %get3A_118 : vector<16xi1>, vector<16xf32>
      %jit3A_169 = arith.constant 13 : i32
      %jit3A_170 = arith.constant 12 : i32
      %broadcast_in_dim3A_171 = vector.broadcast %jit3A_169 : i32 to vector<16xi32>
      %broadcast_in_dim3A_172 = vector.broadcast %jit3A_170 : i32 to vector<16xi32>
      %select_n3A_173 = arith.select %gt3A_167, %broadcast_in_dim3A_171, %broadcast_in_dim3A_172 : vector<16xi1>, vector<16xi32>
      %gt3A_174 = arith.cmpf ogt, %get3A_127, %get3A_124 : vector<16xf32>
      %select_n3A_175 = arith.select %gt3A_174, %get3A_127, %get3A_124 : vector<16xi1>, vector<16xf32>
      %jit3A_176 = arith.constant 15 : i32
      %jit3A_177 = arith.constant 14 : i32
      %broadcast_in_dim3A_178 = vector.broadcast %jit3A_176 : i32 to vector<16xi32>
      %broadcast_in_dim3A_179 = vector.broadcast %jit3A_177 : i32 to vector<16xi32>
      %select_n3A_180 = arith.select %gt3A_174, %broadcast_in_dim3A_178, %broadcast_in_dim3A_179 : vector<16xi1>, vector<16xi32>
      %gt3A_181 = arith.cmpf ogt, %select_n3A_133, %select_n3A : vector<16xf32>
      %select_n3A_182 = arith.select %gt3A_181, %select_n3A_133, %select_n3A : vector<16xi1>, vector<16xf32>
      %select_n3A_183 = arith.select %gt3A_181, %select_n3A_138, %select_n3A_131 : vector<16xi1>, vector<16xi32>
      %gt3A_184 = arith.cmpf ogt, %select_n3A_147, %select_n3A_140 : vector<16xf32>
      %select_n3A_185 = arith.select %gt3A_184, %select_n3A_147, %select_n3A_140 : vector<16xi1>, vector<16xf32>
      %select_n3A_186 = arith.select %gt3A_184, %select_n3A_152, %select_n3A_145 : vector<16xi1>, vector<16xi32>
      %gt3A_187 = arith.cmpf ogt, %select_n3A_161, %select_n3A_154 : vector<16xf32>
      %select_n3A_188 = arith.select %gt3A_187, %select_n3A_161, %select_n3A_154 : vector<16xi1>, vector<16xf32>
      %select_n3A_189 = arith.select %gt3A_187, %select_n3A_166, %select_n3A_159 : vector<16xi1>, vector<16xi32>
      %gt3A_190 = arith.cmpf ogt, %select_n3A_175, %select_n3A_168 : vector<16xf32>
      %select_n3A_191 = arith.select %gt3A_190, %select_n3A_175, %select_n3A_168 : vector<16xi1>, vector<16xf32>
      %select_n3A_192 = arith.select %gt3A_190, %select_n3A_180, %select_n3A_173 : vector<16xi1>, vector<16xi32>
      %gt3A_193 = arith.cmpf ogt, %select_n3A_185, %select_n3A_182 : vector<16xf32>
      %select_n3A_194 = arith.select %gt3A_193, %select_n3A_185, %select_n3A_182 : vector<16xi1>, vector<16xf32>
      %select_n3A_195 = arith.select %gt3A_193, %select_n3A_186, %select_n3A_183 : vector<16xi1>, vector<16xi32>
      %gt3A_196 = arith.cmpf ogt, %select_n3A_191, %select_n3A_188 : vector<16xf32>
      %select_n3A_197 = arith.select %gt3A_196, %select_n3A_191, %select_n3A_188 : vector<16xi1>, vector<16xf32>
      %select_n3A_198 = arith.select %gt3A_196, %select_n3A_192, %select_n3A_189 : vector<16xi1>, vector<16xi32>
      %gt3A_199 = arith.cmpf ogt, %select_n3A_197, %select_n3A_194 : vector<16xf32>
      %select_n3A_200 = arith.select %gt3A_199, %select_n3A_197, %select_n3A_194 : vector<16xi1>, vector<16xf32>
      %select_n3A_201 = arith.select %gt3A_199, %select_n3A_198, %select_n3A_195 : vector<16xi1>, vector<16xi32>
      %add3A_202 = arith.constant 1 : i32
      %add3A_203 = arith.addi %mul3A_78, %add3A_202 : i32
      %get3A_204 = arith.index_cast %add3A_203 : i32 to index
      %get3A_205 = arith.constant 0 : index
      %get3A_206 = tpu.vector_load %arg6[%get3A_204, %get3A_205] {strides = array<i32>} : memref<128x256xf32, #tpu.memory_space<vmem>>, vector<16xf32>,
      %get3A_207 = arith.index_cast %add3A_203 : i32 to index
      %get3A_208 = arith.constant 16 : index
      %get3A_209 = tpu.vector_load %arg6[%get3A_207, %get3A_208] {strides = array<i32>} : memref<128x256xf32, #tpu.memory_space<vmem>>, vector<16xf32>,
      %get3A_210 = arith.index_cast %add3A_203 : i32 to index
      %get3A_211 = arith.constant 32 : index
      %get3A_212 = tpu.vector_load %arg6[%get3A_210, %get3A_211] {strides = array<i32>} : memref<128x256xf32, #tpu.memory_space<vmem>>, vector<16xf32>,
      %get3A_213 = arith.index_cast %add3A_203 : i32 to index
      %get3A_214 = arith.constant 48 : index
      %get3A_215 = tpu.vector_load %arg6[%get3A_213, %get3A_214] {strides = array<i32>} : memref<128x256xf32, #tpu.memory_space<vmem>>, vector<16xf32>,
      %get3A_216 = arith.index_cast %add3A_203 : i32 to index
      %get3A_217 = arith.constant 64 : index
      %get3A_218 = tpu.vector_load %arg6[%get3A_216, %get3A_217] {strides = array<i32>} : memref<128x256xf32, #tpu.memory_space<vmem>>, vector<16xf32>,
      %get3A_219 = arith.index_cast %add3A_203 : i32 to index
      %get3A_220 = arith.constant 80 : index
      %get3A_221 = tpu.vector_load %arg6[%get3A_219, %get3A_220] {strides = array<i32>} : memref<128x256xf32, #tpu.memory_space<vmem>>, vector<16xf32>,
      %get3A_222 = arith.index_cast %add3A_203 : i32 to index
      %get3A_223 = arith.constant 96 : index
      %get3A_224 = tpu.vector_load %arg6[%get3A_222, %get3A_223] {strides = array<i32>} : memref<128x256xf32, #tpu.memory_space<vmem>>, vector<16xf32>,
      %get3A_225 = arith.index_cast %add3A_203 : i32 to index
      %get3A_226 = arith.constant 112 : index
      %get3A_227 = tpu.vector_load %arg6[%get3A_225, %get3A_226] {strides = array<i32>} : memref<128x256xf32, #tpu.memory_space<vmem>>, vector<16xf32>,
      %get3A_228 = arith.index_cast %add3A_203 : i32 to index
      %get3A_229 = arith.constant 128 : index
      %get3A_230 = tpu.vector_load %arg6[%get3A_228, %get3A_229] {strides = array<i32>} : memref<128x256xf32, #tpu.memory_space<vmem>>, vector<16xf32>,
      %get3A_231 = arith.index_cast %add3A_203 : i32 to index
      %get3A_232 = arith.constant 144 : index
      %get3A_233 = tpu.vector_load %arg6[%get3A_231, %get3A_232] {strides = array<i32>} : memref<128x256xf32, #tpu.memory_space<vmem>>, vector<16xf32>,
      %get3A_234 = arith.index_cast %add3A_203 : i32 to index
      %get3A_235 = arith.constant 160 : index
      %get3A_236 = tpu.vector_load %arg6[%get3A_234, %get3A_235] {strides = array<i32>} : memref<128x256xf32, #tpu.memory_space<vmem>>, vector<16xf32>,
      %get3A_237 = arith.index_cast %add3A_203 : i32 to index
      %get3A_238 = arith.constant 176 : index
      %get3A_239 = tpu.vector_load %arg6[%get3A_237, %get3A_238] {strides = array<i32>} : memref<128x256xf32, #tpu.memory_space<vmem>>, vector<16xf32>,
      %get3A_240 = arith.index_cast %add3A_203 : i32 to index
      %get3A_241 = arith.constant 192 : index
      %get3A_242 = tpu.vector_load %arg6[%get3A_240, %get3A_241] {strides = array<i32>} : memref<128x256xf32, #tpu.memory_space<vmem>>, vector<16xf32>,
      %get3A_243 = arith.index_cast %add3A_203 : i32 to index
      %get3A_244 = arith.constant 208 : index
      %get3A_245 = tpu.vector_load %arg6[%get3A_243, %get3A_244] {strides = array<i32>} : memref<128x256xf32, #tpu.memory_space<vmem>>, vector<16xf32>,
      %get3A_246 = arith.index_cast %add3A_203 : i32 to index
      %get3A_247 = arith.constant 224 : index
      %get3A_248 = tpu.vector_load %arg6[%get3A_246, %get3A_247] {strides = array<i32>} : memref<128x256xf32, #tpu.memory_space<vmem>>, vector<16xf32>,
      %get3A_249 = arith.index_cast %add3A_203 : i32 to index
      %get3A_250 = arith.constant 240 : index
      %get3A_251 = tpu.vector_load %arg6[%get3A_249, %get3A_250] {strides = array<i32>} : memref<128x256xf32, #tpu.memory_space<vmem>>, vector<16xf32>,
      %gt3A_252 = arith.cmpf ogt, %get3A_209, %get3A_206 : vector<16xf32>
      %select_n3A_253 = arith.select %gt3A_252, %get3A_209, %get3A_206 : vector<16xi1>, vector<16xf32>
      %jit3A_254 = arith.constant 1 : i32
      %jit3A_255 = arith.constant 0 : i32
      %broadcast_in_dim3A_256 = vector.broadcast %jit3A_254 : i32 to vector<16xi32>
      %broadcast_in_dim3A_257 = vector.broadcast %jit3A_255 : i32 to vector<16xi32>
      %select_n3A_258 = arith.select %gt3A_252, %broadcast_in_dim3A_256, %broadcast_in_dim3A_257 : vector<16xi1>, vector<16xi32>
      %gt3A_259 = arith.cmpf ogt, %get3A_215, %get3A_212 : vector<16xf32>
      %select_n3A_260 = arith.select %gt3A_259, %get3A_215, %get3A_212 : vector<16xi1>, vector<16xf32>
      %jit3A_261 = arith.constant 3 : i32
      %jit3A_262 = arith.constant 2 : i32
      %broadcast_in_dim3A_263 = vector.broadcast %jit3A_261 : i32 to vector<16xi32>
      %broadcast_in_dim3A_264 = vector.broadcast %jit3A_262 : i32 to vector<16xi32>
      %select_n3A_265 = arith.select %gt3A_259, %broadcast_in_dim3A_263, %broadcast_in_dim3A_264 : vector<16xi1>, vector<16xi32>
      %gt3A_266 = arith.cmpf ogt, %get3A_221, %get3A_218 : vector<16xf32>
      %select_n3A_267 = arith.select %gt3A_266, %get3A_221, %get3A_218 : vector<16xi1>, vector<16xf32>
      %jit3A_268 = arith.constant 5 : i32
      %jit3A_269 = arith.constant 4 : i32
      %broadcast_in_dim3A_270 = vector.broadcast %jit3A_268 : i32 to vector<16xi32>
      %broadcast_in_dim3A_271 = vector.broadcast %jit3A_269 : i32 to vector<16xi32>
      %select_n3A_272 = arith.select %gt3A_266, %broadcast_in_dim3A_270, %broadcast_in_dim3A_271 : vector<16xi1>, vector<16xi32>
      %gt3A_273 = arith.cmpf ogt, %get3A_227, %get3A_224 : vector<16xf32>
      %select_n3A_274 = arith.select %gt3A_273, %get3A_227, %get3A_224 : vector<16xi1>, vector<16xf32>
      %jit3A_275 = arith.constant 7 : i32
      %jit3A_276 = arith.constant 6 : i32
      %broadcast_in_dim3A_277 = vector.broadcast %jit3A_275 : i32 to vector<16xi32>
      %broadcast_in_dim3A_278 = vector.broadcast %jit3A_276 : i32 to vector<16xi32>
      %select_n3A_279 = arith.select %gt3A_273, %broadcast_in_dim3A_277, %broadcast_in_dim3A_278 : vector<16xi1>, vector<16xi32>
      %gt3A_280 = arith.cmpf ogt, %get3A_233, %get3A_230 : vector<16xf32>
      %select_n3A_281 = arith.select %gt3A_280, %get3A_233, %get3A_230 : vector<16xi1>, vector<16xf32>
      %jit3A_282 = arith.constant 9 : i32
      %jit3A_283 = arith.constant 8 : i32
      %broadcast_in_dim3A_284 = vector.broadcast %jit3A_282 : i32 to vector<16xi32>
      %broadcast_in_dim3A_285 = vector.broadcast %jit3A_283 : i32 to vector<16xi32>
      %select_n3A_286 = arith.select %gt3A_280, %broadcast_in_dim3A_284, %broadcast_in_dim3A_285 : vector<16xi1>, vector<16xi32>
      %gt3A_287 = arith.cmpf ogt, %get3A_239, %get3A_236 : vector<16xf32>
      %select_n3A_288 = arith.select %gt3A_287, %get3A_239, %get3A_236 : vector<16xi1>, vector<16xf32>
      %jit3A_289 = arith.constant 11 : i32
      %jit3A_290 = arith.constant 10 : i32
      %broadcast_in_dim3A_291 = vector.broadcast %jit3A_289 : i32 to vector<16xi32>
      %broadcast_in_dim3A_292 = vector.broadcast %jit3A_290 : i32 to vector<16xi32>
      %select_n3A_293 = arith.select %gt3A_287, %broadcast_in_dim3A_291, %broadcast_in_dim3A_292 : vector<16xi1>, vector<16xi32>
      %gt3A_294 = arith.cmpf ogt, %get3A_245, %get3A_242 : vector<16xf32>
      %select_n3A_295 = arith.select %gt3A_294, %get3A_245, %get3A_242 : vector<16xi1>, vector<16xf32>
      %jit3A_296 = arith.constant 13 : i32
      %jit3A_297 = arith.constant 12 : i32
      %broadcast_in_dim3A_298 = vector.broadcast %jit3A_296 : i32 to vector<16xi32>
      %broadcast_in_dim3A_299 = vector.broadcast %jit3A_297 : i32 to vector<16xi32>
      %select_n3A_300 = arith.select %gt3A_294, %broadcast_in_dim3A_298, %broadcast_in_dim3A_299 : vector<16xi1>, vector<16xi32>
      %gt3A_301 = arith.cmpf ogt, %get3A_251, %get3A_248 : vector<16xf32>
      %select_n3A_302 = arith.select %gt3A_301, %get3A_251, %get3A_248 : vector<16xi1>, vector<16xf32>
      %jit3A_303 = arith.constant 15 : i32
      %jit3A_304 = arith.constant 14 : i32
      %broadcast_in_dim3A_305 = vector.broadcast %jit3A_303 : i32 to vector<16xi32>
      %broadcast_in_dim3A_306 = vector.broadcast %jit3A_304 : i32 to vector<16xi32>
      %select_n3A_307 = arith.select %gt3A_301, %broadcast_in_dim3A_305, %broadcast_in_dim3A_306 : vector<16xi1>, vector<16xi32>
      %gt3A_308 = arith.cmpf ogt, %select_n3A_260, %select_n3A_253 : vector<16xf32>
      %select_n3A_309 = arith.select %gt3A_308, %select_n3A_260, %select_n3A_253 : vector<16xi1>, vector<16xf32>
      %select_n3A_310 = arith.select %gt3A_308, %select_n3A_265, %select_n3A_258 : vector<16xi1>, vector<16xi32>
      %gt3A_311 = arith.cmpf ogt, %select_n3A_274, %select_n3A_267 : vector<16xf32>
      %select_n3A_312 = arith.select %gt3A_311, %select_n3A_274, %select_n3A_267 : vector<16xi1>, vector<16xf32>
      %select_n3A_313 = arith.select %gt3A_311, %select_n3A_279, %select_n3A_272 : vector<16xi1>, vector<16xi32>
      %gt3A_314 = arith.cmpf ogt, %select_n3A_288, %select_n3A_281 : vector<16xf32>
      %select_n3A_315 = arith.select %gt3A_314, %select_n3A_288, %select_n3A_281 : vector<16xi1>, vector<16xf32>
      %select_n3A_316 = arith.select %gt3A_314, %select_n3A_293, %select_n3A_286 : vector<16xi1>, vector<16xi32>
      %gt3A_317 = arith.cmpf ogt, %select_n3A_302, %select_n3A_295 : vector<16xf32>
      %select_n3A_318 = arith.select %gt3A_317, %select_n3A_302, %select_n3A_295 : vector<16xi1>, vector<16xf32>
      %select_n3A_319 = arith.select %gt3A_317, %select_n3A_307, %select_n3A_300 : vector<16xi1>, vector<16xi32>
      %gt3A_320 = arith.cmpf ogt, %select_n3A_312, %select_n3A_309 : vector<16xf32>
      %select_n3A_321 = arith.select %gt3A_320, %select_n3A_312, %select_n3A_309 : vector<16xi1>, vector<16xf32>
      %select_n3A_322 = arith.select %gt3A_320, %select_n3A_313, %select_n3A_310 : vector<16xi1>, vector<16xi32>
      %gt3A_323 = arith.cmpf ogt, %select_n3A_318, %select_n3A_315 : vector<16xf32>
      %select_n3A_324 = arith.select %gt3A_323, %select_n3A_318, %select_n3A_315 : vector<16xi1>, vector<16xf32>
      %select_n3A_325 = arith.select %gt3A_323, %select_n3A_319, %select_n3A_316 : vector<16xi1>, vector<16xi32>
      %gt3A_326 = arith.cmpf ogt, %select_n3A_324, %select_n3A_321 : vector<16xf32>
      %select_n3A_327 = arith.select %gt3A_326, %select_n3A_324, %select_n3A_321 : vector<16xi1>, vector<16xf32>
      %select_n3A_328 = arith.select %gt3A_326, %select_n3A_325, %select_n3A_322 : vector<16xi1>, vector<16xi32>
      %add3A_329 = arith.constant 2 : i32
      %add3A_330 = arith.addi %mul3A_78, %add3A_329 : i32
      %get3A_331 = arith.index_cast %add3A_330 : i32 to index
      %get3A_332 = arith.constant 0 : index
      %get3A_333 = tpu.vector_load %arg6[%get3A_331, %get3A_332] {strides = array<i32>} : memref<128x256xf32, #tpu.memory_space<vmem>>, vector<16xf32>,
      %get3A_334 = arith.index_cast %add3A_330 : i32 to index
      %get3A_335 = arith.constant 16 : index
      %get3A_336 = tpu.vector_load %arg6[%get3A_334, %get3A_335] {strides = array<i32>} : memref<128x256xf32, #tpu.memory_space<vmem>>, vector<16xf32>,
      %get3A_337 = arith.index_cast %add3A_330 : i32 to index
      %get3A_338 = arith.constant 32 : index
      %get3A_339 = tpu.vector_load %arg6[%get3A_337, %get3A_338] {strides = array<i32>} : memref<128x256xf32, #tpu.memory_space<vmem>>, vector<16xf32>,
      %get3A_340 = arith.index_cast %add3A_330 : i32 to index
      %get3A_341 = arith.constant 48 : index
      %get3A_342 = tpu.vector_load %arg6[%get3A_340, %get3A_341] {strides = array<i32>} : memref<128x256xf32, #tpu.memory_space<vmem>>, vector<16xf32>,
      %get3A_343 = arith.index_cast %add3A_330 : i32 to index
      %get3A_344 = arith.constant 64 : index
      %get3A_345 = tpu.vector_load %arg6[%get3A_343, %get3A_344] {strides = array<i32>} : memref<128x256xf32, #tpu.memory_space<vmem>>, vector<16xf32>,
      %get3A_346 = arith.index_cast %add3A_330 : i32 to index
      %get3A_347 = arith.constant 80 : index
      %get3A_348 = tpu.vector_load %arg6[%get3A_346, %get3A_347] {strides = array<i32>} : memref<128x256xf32, #tpu.memory_space<vmem>>, vector<16xf32>,
      %get3A_349 = arith.index_cast %add3A_330 : i32 to index
      %get3A_350 = arith.constant 96 : index
      %get3A_351 = tpu.vector_load %arg6[%get3A_349, %get3A_350] {strides = array<i32>} : memref<128x256xf32, #tpu.memory_space<vmem>>, vector<16xf32>,
      %get3A_352 = arith.index_cast %add3A_330 : i32 to index
      %get3A_353 = arith.constant 112 : index
      %get3A_354 = tpu.vector_load %arg6[%get3A_352, %get3A_353] {strides = array<i32>} : memref<128x256xf32, #tpu.memory_space<vmem>>, vector<16xf32>,
      %get3A_355 = arith.index_cast %add3A_330 : i32 to index
      %get3A_356 = arith.constant 128 : index
      %get3A_357 = tpu.vector_load %arg6[%get3A_355, %get3A_356] {strides = array<i32>} : memref<128x256xf32, #tpu.memory_space<vmem>>, vector<16xf32>,
      %get3A_358 = arith.index_cast %add3A_330 : i32 to index
      %get3A_359 = arith.constant 144 : index
      %get3A_360 = tpu.vector_load %arg6[%get3A_358, %get3A_359] {strides = array<i32>} : memref<128x256xf32, #tpu.memory_space<vmem>>, vector<16xf32>,
      %get3A_361 = arith.index_cast %add3A_330 : i32 to index
      %get3A_362 = arith.constant 160 : index
      %get3A_363 = tpu.vector_load %arg6[%get3A_361, %get3A_362] {strides = array<i32>} : memref<128x256xf32, #tpu.memory_space<vmem>>, vector<16xf32>,
      %get3A_364 = arith.index_cast %add3A_330 : i32 to index
      %get3A_365 = arith.constant 176 : index
      %get3A_366 = tpu.vector_load %arg6[%get3A_364, %get3A_365] {strides = array<i32>} : memref<128x256xf32, #tpu.memory_space<vmem>>, vector<16xf32>,
      %get3A_367 = arith.index_cast %add3A_330 : i32 to index
      %get3A_368 = arith.constant 192 : index
      %get3A_369 = tpu.vector_load %arg6[%get3A_367, %get3A_368] {strides = array<i32>} : memref<128x256xf32, #tpu.memory_space<vmem>>, vector<16xf32>,
      %get3A_370 = arith.index_cast %add3A_330 : i32 to index
      %get3A_371 = arith.constant 208 : index
      %get3A_372 = tpu.vector_load %arg6[%get3A_370, %get3A_371] {strides = array<i32>} : memref<128x256xf32, #tpu.memory_space<vmem>>, vector<16xf32>,
      %get3A_373 = arith.index_cast %add3A_330 : i32 to index
      %get3A_374 = arith.constant 224 : index
      %get3A_375 = tpu.vector_load %arg6[%get3A_373, %get3A_374] {strides = array<i32>} : memref<128x256xf32, #tpu.memory_space<vmem>>, vector<16xf32>,
      %get3A_376 = arith.index_cast %add3A_330 : i32 to index
      %get3A_377 = arith.constant 240 : index
      %get3A_378 = tpu.vector_load %arg6[%get3A_376, %get3A_377] {strides = array<i32>} : memref<128x256xf32, #tpu.memory_space<vmem>>, vector<16xf32>,
      %gt3A_379 = arith.cmpf ogt, %get3A_336, %get3A_333 : vector<16xf32>
      %select_n3A_380 = arith.select %gt3A_379, %get3A_336, %get3A_333 : vector<16xi1>, vector<16xf32>
      %jit3A_381 = arith.constant 1 : i32
      %jit3A_382 = arith.constant 0 : i32
      %broadcast_in_dim3A_383 = vector.broadcast %jit3A_381 : i32 to vector<16xi32>
      %broadcast_in_dim3A_384 = vector.broadcast %jit3A_382 : i32 to vector<16xi32>
      %select_n3A_385 = arith.select %gt3A_379, %broadcast_in_dim3A_383, %broadcast_in_dim3A_384 : vector<16xi1>, vector<16xi32>
      %gt3A_386 = arith.cmpf ogt, %get3A_342, %get3A_339 : vector<16xf32>
      %select_n3A_387 = arith.select %gt3A_386, %get3A_342, %get3A_339 : vector<16xi1>, vector<16xf32>
      %jit3A_388 = arith.constant 3 : i32
      %jit3A_389 = arith.constant 2 : i32
      %broadcast_in_dim3A_390 = vector.broadcast %jit3A_388 : i32 to vector<16xi32>
      %broadcast_in_dim3A_391 = vector.broadcast %jit3A_389 : i32 to vector<16xi32>
      %select_n3A_392 = arith.select %gt3A_386, %broadcast_in_dim3A_390, %broadcast_in_dim3A_391 : vector<16xi1>, vector<16xi32>
      %gt3A_393 = arith.cmpf ogt, %get3A_348, %get3A_345 : vector<16xf32>
      %select_n3A_394 = arith.select %gt3A_393, %get3A_348, %get3A_345 : vector<16xi1>, vector<16xf32>
      %jit3A_395 = arith.constant 5 : i32
      %jit3A_396 = arith.constant 4 : i32
      %broadcast_in_dim3A_397 = vector.broadcast %jit3A_395 : i32 to vector<16xi32>
      %broadcast_in_dim3A_398 = vector.broadcast %jit3A_396 : i32 to vector<16xi32>
      %select_n3A_399 = arith.select %gt3A_393, %broadcast_in_dim3A_397, %broadcast_in_dim3A_398 : vector<16xi1>, vector<16xi32>
      %gt3A_400 = arith.cmpf ogt, %get3A_354, %get3A_351 : vector<16xf32>
      %select_n3A_401 = arith.select %gt3A_400, %get3A_354, %get3A_351 : vector<16xi1>, vector<16xf32>
      %jit3A_402 = arith.constant 7 : i32
      %jit3A_403 = arith.constant 6 : i32
      %broadcast_in_dim3A_404 = vector.broadcast %jit3A_402 : i32 to vector<16xi32>
      %broadcast_in_dim3A_405 = vector.broadcast %jit3A_403 : i32 to vector<16xi32>
      %select_n3A_406 = arith.select %gt3A_400, %broadcast_in_dim3A_404, %broadcast_in_dim3A_405 : vector<16xi1>, vector<16xi32>
      %gt3A_407 = arith.cmpf ogt, %get3A_360, %get3A_357 : vector<16xf32>
      %select_n3A_408 = arith.select %gt3A_407, %get3A_360, %get3A_357 : vector<16xi1>, vector<16xf32>
      %jit3A_409 = arith.constant 9 : i32
      %jit3A_410 = arith.constant 8 : i32
      %broadcast_in_dim3A_411 = vector.broadcast %jit3A_409 : i32 to vector<16xi32>
      %broadcast_in_dim3A_412 = vector.broadcast %jit3A_410 : i32 to vector<16xi32>
      %select_n3A_413 = arith.select %gt3A_407, %broadcast_in_dim3A_411, %broadcast_in_dim3A_412 : vector<16xi1>, vector<16xi32>
      %gt3A_414 = arith.cmpf ogt, %get3A_366, %get3A_363 : vector<16xf32>
      %select_n3A_415 = arith.select %gt3A_414, %get3A_366, %get3A_363 : vector<16xi1>, vector<16xf32>
      %jit3A_416 = arith.constant 11 : i32
      %jit3A_417 = arith.constant 10 : i32
      %broadcast_in_dim3A_418 = vector.broadcast %jit3A_416 : i32 to vector<16xi32>
      %broadcast_in_dim3A_419 = vector.broadcast %jit3A_417 : i32 to vector<16xi32>
      %select_n3A_420 = arith.select %gt3A_414, %broadcast_in_dim3A_418, %broadcast_in_dim3A_419 : vector<16xi1>, vector<16xi32>
      %gt3A_421 = arith.cmpf ogt, %get3A_372, %get3A_369 : vector<16xf32>
      %select_n3A_422 = arith.select %gt3A_421, %get3A_372, %get3A_369 : vector<16xi1>, vector<16xf32>
      %jit3A_423 = arith.constant 13 : i32
      %jit3A_424 = arith.constant 12 : i32
      %broadcast_in_dim3A_425 = vector.broadcast %jit3A_423 : i32 to vector<16xi32>
      %broadcast_in_dim3A_426 = vector.broadcast %jit3A_424 : i32 to vector<16xi32>
      %select_n3A_427 = arith.select %gt3A_421, %broadcast_in_dim3A_425, %broadcast_in_dim3A_426 : vector<16xi1>, vector<16xi32>
      %gt3A_428 = arith.cmpf ogt, %get3A_378, %get3A_375 : vector<16xf32>
      %select_n3A_429 = arith.select %gt3A_428, %get3A_378, %get3A_375 : vector<16xi1>, vector<16xf32>
      %jit3A_430 = arith.constant 15 : i32
      %jit3A_431 = arith.constant 14 : i32
      %broadcast_in_dim3A_432 = vector.broadcast %jit3A_430 : i32 to vector<16xi32>
      %broadcast_in_dim3A_433 = vector.broadcast %jit3A_431 : i32 to vector<16xi32>
      %select_n3A_434 = arith.select %gt3A_428, %broadcast_in_dim3A_432, %broadcast_in_dim3A_433 : vector<16xi1>, vector<16xi32>
      %gt3A_435 = arith.cmpf ogt, %select_n3A_387, %select_n3A_380 : vector<16xf32>
      %select_n3A_436 = arith.select %gt3A_435, %select_n3A_387, %select_n3A_380 : vector<16xi1>, vector<16xf32>
      %select_n3A_437 = arith.select %gt3A_435, %select_n3A_392, %select_n3A_385 : vector<16xi1>, vector<16xi32>
      %gt3A_438 = arith.cmpf ogt, %select_n3A_401, %select_n3A_394 : vector<16xf32>
      %select_n3A_439 = arith.select %gt3A_438, %select_n3A_401, %select_n3A_394 : vector<16xi1>, vector<16xf32>
      %select_n3A_440 = arith.select %gt3A_438, %select_n3A_406, %select_n3A_399 : vector<16xi1>, vector<16xi32>
      %gt3A_441 = arith.cmpf ogt, %select_n3A_415, %select_n3A_408 : vector<16xf32>
      %select_n3A_442 = arith.select %gt3A_441, %select_n3A_415, %select_n3A_408 : vector<16xi1>, vector<16xf32>
      %select_n3A_443 = arith.select %gt3A_441, %select_n3A_420, %select_n3A_413 : vector<16xi1>, vector<16xi32>
      %gt3A_444 = arith.cmpf ogt, %select_n3A_429, %select_n3A_422 : vector<16xf32>
      %select_n3A_445 = arith.select %gt3A_444, %select_n3A_429, %select_n3A_422 : vector<16xi1>, vector<16xf32>
      %select_n3A_446 = arith.select %gt3A_444, %select_n3A_434, %select_n3A_427 : vector<16xi1>, vector<16xi32>
      %gt3A_447 = arith.cmpf ogt, %select_n3A_439, %select_n3A_436 : vector<16xf32>
      %select_n3A_448 = arith.select %gt3A_447, %select_n3A_439, %select_n3A_436 : vector<16xi1>, vector<16xf32>
      %select_n3A_449 = arith.select %gt3A_447, %select_n3A_440, %select_n3A_437 : vector<16xi1>, vector<16xi32>
      %gt3A_450 = arith.cmpf ogt, %select_n3A_445, %select_n3A_442 : vector<16xf32>
      %select_n3A_451 = arith.select %gt3A_450, %select_n3A_445, %select_n3A_442 : vector<16xi1>, vector<16xf32>
      %select_n3A_452 = arith.select %gt3A_450, %select_n3A_446, %select_n3A_443 : vector<16xi1>, vector<16xi32>
      %gt3A_453 = arith.cmpf ogt, %select_n3A_451, %select_n3A_448 : vector<16xf32>
      %select_n3A_454 = arith.select %gt3A_453, %select_n3A_451, %select_n3A_448 : vector<16xi1>, vector<16xf32>
      %select_n3A_455 = arith.select %gt3A_453, %select_n3A_452, %select_n3A_449 : vector<16xi1>, vector<16xi32>
      %add3A_456 = arith.constant 3 : i32
      %add3A_457 = arith.addi %mul3A_78, %add3A_456 : i32
      %get3A_458 = arith.index_cast %add3A_457 : i32 to index
      %get3A_459 = arith.constant 0 : index
      %get3A_460 = tpu.vector_load %arg6[%get3A_458, %get3A_459] {strides = array<i32>} : memref<128x256xf32, #tpu.memory_space<vmem>>, vector<16xf32>,
      %get3A_461 = arith.index_cast %add3A_457 : i32 to index
      %get3A_462 = arith.constant 16 : index
      %get3A_463 = tpu.vector_load %arg6[%get3A_461, %get3A_462] {strides = array<i32>} : memref<128x256xf32, #tpu.memory_space<vmem>>, vector<16xf32>,
      %get3A_464 = arith.index_cast %add3A_457 : i32 to index
      %get3A_465 = arith.constant 32 : index
      %get3A_466 = tpu.vector_load %arg6[%get3A_464, %get3A_465] {strides = array<i32>} : memref<128x256xf32, #tpu.memory_space<vmem>>, vector<16xf32>,
      %get3A_467 = arith.index_cast %add3A_457 : i32 to index
      %get3A_468 = arith.constant 48 : index
      %get3A_469 = tpu.vector_load %arg6[%get3A_467, %get3A_468] {strides = array<i32>} : memref<128x256xf32, #tpu.memory_space<vmem>>, vector<16xf32>,
      %get3A_470 = arith.index_cast %add3A_457 : i32 to index
      %get3A_471 = arith.constant 64 : index
      %get3A_472 = tpu.vector_load %arg6[%get3A_470, %get3A_471] {strides = array<i32>} : memref<128x256xf32, #tpu.memory_space<vmem>>, vector<16xf32>,
      %get3A_473 = arith.index_cast %add3A_457 : i32 to index
      %get3A_474 = arith.constant 80 : index
      %get3A_475 = tpu.vector_load %arg6[%get3A_473, %get3A_474] {strides = array<i32>} : memref<128x256xf32, #tpu.memory_space<vmem>>, vector<16xf32>,
      %get3A_476 = arith.index_cast %add3A_457 : i32 to index
      %get3A_477 = arith.constant 96 : index
      %get3A_478 = tpu.vector_load %arg6[%get3A_476, %get3A_477] {strides = array<i32>} : memref<128x256xf32, #tpu.memory_space<vmem>>, vector<16xf32>,
      %get3A_479 = arith.index_cast %add3A_457 : i32 to index
      %get3A_480 = arith.constant 112 : index
      %get3A_481 = tpu.vector_load %arg6[%get3A_479, %get3A_480] {strides = array<i32>} : memref<128x256xf32, #tpu.memory_space<vmem>>, vector<16xf32>,
      %get3A_482 = arith.index_cast %add3A_457 : i32 to index
      %get3A_483 = arith.constant 128 : index
      %get3A_484 = tpu.vector_load %arg6[%get3A_482, %get3A_483] {strides = array<i32>} : memref<128x256xf32, #tpu.memory_space<vmem>>, vector<16xf32>,
      %get3A_485 = arith.index_cast %add3A_457 : i32 to index
      %get3A_486 = arith.constant 144 : index
      %get3A_487 = tpu.vector_load %arg6[%get3A_485, %get3A_486] {strides = array<i32>} : memref<128x256xf32, #tpu.memory_space<vmem>>, vector<16xf32>,
      %get3A_488 = arith.index_cast %add3A_457 : i32 to index
      %get3A_489 = arith.constant 160 : index
      %get3A_490 = tpu.vector_load %arg6[%get3A_488, %get3A_489] {strides = array<i32>} : memref<128x256xf32, #tpu.memory_space<vmem>>, vector<16xf32>,
      %get3A_491 = arith.index_cast %add3A_457 : i32 to index
      %get3A_492 = arith.constant 176 : index
      %get3A_493 = tpu.vector_load %arg6[%get3A_491, %get3A_492] {strides = array<i32>} : memref<128x256xf32, #tpu.memory_space<vmem>>, vector<16xf32>,
      %get3A_494 = arith.index_cast %add3A_457 : i32 to index
      %get3A_495 = arith.constant 192 : index
      %get3A_496 = tpu.vector_load %arg6[%get3A_494, %get3A_495] {strides = array<i32>} : memref<128x256xf32, #tpu.memory_space<vmem>>, vector<16xf32>,
      %get3A_497 = arith.index_cast %add3A_457 : i32 to index
      %get3A_498 = arith.constant 208 : index
      %get3A_499 = tpu.vector_load %arg6[%get3A_497, %get3A_498] {strides = array<i32>} : memref<128x256xf32, #tpu.memory_space<vmem>>, vector<16xf32>,
      %get3A_500 = arith.index_cast %add3A_457 : i32 to index
      %get3A_501 = arith.constant 224 : index
      %get3A_502 = tpu.vector_load %arg6[%get3A_500, %get3A_501] {strides = array<i32>} : memref<128x256xf32, #tpu.memory_space<vmem>>, vector<16xf32>,
      %get3A_503 = arith.index_cast %add3A_457 : i32 to index
      %get3A_504 = arith.constant 240 : index
      %get3A_505 = tpu.vector_load %arg6[%get3A_503, %get3A_504] {strides = array<i32>} : memref<128x256xf32, #tpu.memory_space<vmem>>, vector<16xf32>,
      %gt3A_506 = arith.cmpf ogt, %get3A_463, %get3A_460 : vector<16xf32>
      %select_n3A_507 = arith.select %gt3A_506, %get3A_463, %get3A_460 : vector<16xi1>, vector<16xf32>
      %jit3A_508 = arith.constant 1 : i32
      %jit3A_509 = arith.constant 0 : i32
      %broadcast_in_dim3A_510 = vector.broadcast %jit3A_508 : i32 to vector<16xi32>
      %broadcast_in_dim3A_511 = vector.broadcast %jit3A_509 : i32 to vector<16xi32>
      %select_n3A_512 = arith.select %gt3A_506, %broadcast_in_dim3A_510, %broadcast_in_dim3A_511 : vector<16xi1>, vector<16xi32>
      %gt3A_513 = arith.cmpf ogt, %get3A_469, %get3A_466 : vector<16xf32>
      %select_n3A_514 = arith.select %gt3A_513, %get3A_469, %get3A_466 : vector<16xi1>, vector<16xf32>
      %jit3A_515 = arith.constant 3 : i32
      %jit3A_516 = arith.constant 2 : i32
      %broadcast_in_dim3A_517 = vector.broadcast %jit3A_515 : i32 to vector<16xi32>
      %broadcast_in_dim3A_518 = vector.broadcast %jit3A_516 : i32 to vector<16xi32>
      %select_n3A_519 = arith.select %gt3A_513, %broadcast_in_dim3A_517, %broadcast_in_dim3A_518 : vector<16xi1>, vector<16xi32>
      %gt3A_520 = arith.cmpf ogt, %get3A_475, %get3A_472 : vector<16xf32>
      %select_n3A_521 = arith.select %gt3A_520, %get3A_475, %get3A_472 : vector<16xi1>, vector<16xf32>
      %jit3A_522 = arith.constant 5 : i32
      %jit3A_523 = arith.constant 4 : i32
      %broadcast_in_dim3A_524 = vector.broadcast %jit3A_522 : i32 to vector<16xi32>
      %broadcast_in_dim3A_525 = vector.broadcast %jit3A_523 : i32 to vector<16xi32>
      %select_n3A_526 = arith.select %gt3A_520, %broadcast_in_dim3A_524, %broadcast_in_dim3A_525 : vector<16xi1>, vector<16xi32>
      %gt3A_527 = arith.cmpf ogt, %get3A_481, %get3A_478 : vector<16xf32>
      %select_n3A_528 = arith.select %gt3A_527, %get3A_481, %get3A_478 : vector<16xi1>, vector<16xf32>
      %jit3A_529 = arith.constant 7 : i32
      %jit3A_530 = arith.constant 6 : i32
      %broadcast_in_dim3A_531 = vector.broadcast %jit3A_529 : i32 to vector<16xi32>
      %broadcast_in_dim3A_532 = vector.broadcast %jit3A_530 : i32 to vector<16xi32>
      %select_n3A_533 = arith.select %gt3A_527, %broadcast_in_dim3A_531, %broadcast_in_dim3A_532 : vector<16xi1>, vector<16xi32>
      %gt3A_534 = arith.cmpf ogt, %get3A_487, %get3A_484 : vector<16xf32>
      %select_n3A_535 = arith.select %gt3A_534, %get3A_487, %get3A_484 : vector<16xi1>, vector<16xf32>
      %jit3A_536 = arith.constant 9 : i32
      %jit3A_537 = arith.constant 8 : i32
      %broadcast_in_dim3A_538 = vector.broadcast %jit3A_536 : i32 to vector<16xi32>
      %broadcast_in_dim3A_539 = vector.broadcast %jit3A_537 : i32 to vector<16xi32>
      %select_n3A_540 = arith.select %gt3A_534, %broadcast_in_dim3A_538, %broadcast_in_dim3A_539 : vector<16xi1>, vector<16xi32>
      %gt3A_541 = arith.cmpf ogt, %get3A_493, %get3A_490 : vector<16xf32>
      %select_n3A_542 = arith.select %gt3A_541, %get3A_493, %get3A_490 : vector<16xi1>, vector<16xf32>
      %jit3A_543 = arith.constant 11 : i32
      %jit3A_544 = arith.constant 10 : i32
      %broadcast_in_dim3A_545 = vector.broadcast %jit3A_543 : i32 to vector<16xi32>
      %broadcast_in_dim3A_546 = vector.broadcast %jit3A_544 : i32 to vector<16xi32>
      %select_n3A_547 = arith.select %gt3A_541, %broadcast_in_dim3A_545, %broadcast_in_dim3A_546 : vector<16xi1>, vector<16xi32>
      %gt3A_548 = arith.cmpf ogt, %get3A_499, %get3A_496 : vector<16xf32>
      %select_n3A_549 = arith.select %gt3A_548, %get3A_499, %get3A_496 : vector<16xi1>, vector<16xf32>
      %jit3A_550 = arith.constant 13 : i32
      %jit3A_551 = arith.constant 12 : i32
      %broadcast_in_dim3A_552 = vector.broadcast %jit3A_550 : i32 to vector<16xi32>
      %broadcast_in_dim3A_553 = vector.broadcast %jit3A_551 : i32 to vector<16xi32>
      %select_n3A_554 = arith.select %gt3A_548, %broadcast_in_dim3A_552, %broadcast_in_dim3A_553 : vector<16xi1>, vector<16xi32>
      %gt3A_555 = arith.cmpf ogt, %get3A_505, %get3A_502 : vector<16xf32>
      %select_n3A_556 = arith.select %gt3A_555, %get3A_505, %get3A_502 : vector<16xi1>, vector<16xf32>
      %jit3A_557 = arith.constant 15 : i32
      %jit3A_558 = arith.constant 14 : i32
      %broadcast_in_dim3A_559 = vector.broadcast %jit3A_557 : i32 to vector<16xi32>
      %broadcast_in_dim3A_560 = vector.broadcast %jit3A_558 : i32 to vector<16xi32>
      %select_n3A_561 = arith.select %gt3A_555, %broadcast_in_dim3A_559, %broadcast_in_dim3A_560 : vector<16xi1>, vector<16xi32>
      %gt3A_562 = arith.cmpf ogt, %select_n3A_514, %select_n3A_507 : vector<16xf32>
      %select_n3A_563 = arith.select %gt3A_562, %select_n3A_514, %select_n3A_507 : vector<16xi1>, vector<16xf32>
      %select_n3A_564 = arith.select %gt3A_562, %select_n3A_519, %select_n3A_512 : vector<16xi1>, vector<16xi32>
      %gt3A_565 = arith.cmpf ogt, %select_n3A_528, %select_n3A_521 : vector<16xf32>
      %select_n3A_566 = arith.select %gt3A_565, %select_n3A_528, %select_n3A_521 : vector<16xi1>, vector<16xf32>
      %select_n3A_567 = arith.select %gt3A_565, %select_n3A_533, %select_n3A_526 : vector<16xi1>, vector<16xi32>
      %gt3A_568 = arith.cmpf ogt, %select_n3A_542, %select_n3A_535 : vector<16xf32>
      %select_n3A_569 = arith.select %gt3A_568, %select_n3A_542, %select_n3A_535 : vector<16xi1>, vector<16xf32>
      %select_n3A_570 = arith.select %gt3A_568, %select_n3A_547, %select_n3A_540 : vector<16xi1>, vector<16xi32>
      %gt3A_571 = arith.cmpf ogt, %select_n3A_556, %select_n3A_549 : vector<16xf32>
      %select_n3A_572 = arith.select %gt3A_571, %select_n3A_556, %select_n3A_549 : vector<16xi1>, vector<16xf32>
      %select_n3A_573 = arith.select %gt3A_571, %select_n3A_561, %select_n3A_554 : vector<16xi1>, vector<16xi32>
      %gt3A_574 = arith.cmpf ogt, %select_n3A_566, %select_n3A_563 : vector<16xf32>
      %select_n3A_575 = arith.select %gt3A_574, %select_n3A_566, %select_n3A_563 : vector<16xi1>, vector<16xf32>
      %select_n3A_576 = arith.select %gt3A_574, %select_n3A_567, %select_n3A_564 : vector<16xi1>, vector<16xi32>
      %gt3A_577 = arith.cmpf ogt, %select_n3A_572, %select_n3A_569 : vector<16xf32>
      %select_n3A_578 = arith.select %gt3A_577, %select_n3A_572, %select_n3A_569 : vector<16xi1>, vector<16xf32>
      %select_n3A_579 = arith.select %gt3A_577, %select_n3A_573, %select_n3A_570 : vector<16xi1>, vector<16xi32>
      %gt3A_580 = arith.cmpf ogt, %select_n3A_578, %select_n3A_575 : vector<16xf32>
      %select_n3A_581 = arith.select %gt3A_580, %select_n3A_578, %select_n3A_575 : vector<16xi1>, vector<16xf32>
      %select_n3A_582 = arith.select %gt3A_580, %select_n3A_579, %select_n3A_576 : vector<16xi1>, vector<16xi32>
      %reduce_max3A = arith.constant true
      %reduce_max3A_583 = vector.broadcast %reduce_max3A : i1 to vector<16xi1>
      %reduce_max3A_584 = tpu.scan <max>, %select_n3A_200 masked %reduce_max3A_583 : vector<16xf32>, vector<16xi1> -> vector<16xf32>
      %reduce_max3A_585 = vector.extract %reduce_max3A_584[15] : f32 from vector<16xf32>
      %reduce_max3A_586 = arith.constant true
      %reduce_max3A_587 = vector.broadcast %reduce_max3A_586 : i1 to vector<16xi1>
      %reduce_max3A_588 = tpu.scan <max>, %select_n3A_327 masked %reduce_max3A_587 : vector<16xf32>, vector<16xi1> -> vector<16xf32>
      %reduce_max3A_589 = vector.extract %reduce_max3A_588[15] : f32 from vector<16xf32>
      %reduce_max3A_590 = arith.constant true
      %reduce_max3A_591 = vector.broadcast %reduce_max3A_590 : i1 to vector<16xi1>
      %reduce_max3A_592 = tpu.scan <max>, %select_n3A_454 masked %reduce_max3A_591 : vector<16xf32>, vector<16xi1> -> vector<16xf32>
      %reduce_max3A_593 = vector.extract %reduce_max3A_592[15] : f32 from vector<16xf32>
      %reduce_max3A_594 = arith.constant true
      %reduce_max3A_595 = vector.broadcast %reduce_max3A_594 : i1 to vector<16xi1>
      %reduce_max3A_596 = tpu.scan <max>, %select_n3A_581 masked %reduce_max3A_595 : vector<16xf32>, vector<16xi1> -> vector<16xf32>
      %reduce_max3A_597 = vector.extract %reduce_max3A_596[15] : f32 from vector<16xf32>
      %eq3A = vector.broadcast %reduce_max3A_585 : f32 to vector<16xf32>
      %eq3A_598 = arith.cmpf oeq, %select_n3A_200, %eq3A : vector<16xf32>
      %mul3A_599 = arith.constant 16 : i32
      %mul3A_600 = vector.broadcast %mul3A_599 : i32 to vector<16xi32>
      %mul3A_601 = arith.muli %select_n3A_201, %mul3A_600 : vector<16xi32>
      %add3A_602 = arith.addi %mul3A_601, %iota3A : vector<16xi32>
      %jit3A_603 = arith.constant 256 : i32
      %broadcast_in_dim3A_604 = vector.broadcast %jit3A_603 : i32 to vector<16xi32>
      %select_n3A_605 = arith.select %eq3A_598, %add3A_602, %broadcast_in_dim3A_604 : vector<16xi1>, vector<16xi32>
      %eq3A_606 = vector.broadcast %reduce_max3A_589 : f32 to vector<16xf32>
      %eq3A_607 = arith.cmpf oeq, %select_n3A_327, %eq3A_606 : vector<16xf32>
      %mul3A_608 = arith.constant 16 : i32
      %mul3A_609 = vector.broadcast %mul3A_608 : i32 to vector<16xi32>
      %mul3A_610 = arith.muli %select_n3A_328, %mul3A_609 : vector<16xi32>
      %add3A_611 = arith.addi %mul3A_610, %iota3A : vector<16xi32>
      %jit3A_612 = arith.constant 256 : i32
      %broadcast_in_dim3A_613 = vector.broadcast %jit3A_612 : i32 to vector<16xi32>
      %select_n3A_614 = arith.select %eq3A_607, %add3A_611, %broadcast_in_dim3A_613 : vector<16xi1>, vector<16xi32>
      %eq3A_615 = vector.broadcast %reduce_max3A_593 : f32 to vector<16xf32>
      %eq3A_616 = arith.cmpf oeq, %select_n3A_454, %eq3A_615 : vector<16xf32>
      %mul3A_617 = arith.constant 16 : i32
      %mul3A_618 = vector.broadcast %mul3A_617 : i32 to vector<16xi32>
      %mul3A_619 = arith.muli %select_n3A_455, %mul3A_618 : vector<16xi32>
      %add3A_620 = arith.addi %mul3A_619, %iota3A : vector<16xi32>
      %jit3A_621 = arith.constant 256 : i32
      %broadcast_in_dim3A_622 = vector.broadcast %jit3A_621 : i32 to vector<16xi32>
      %select_n3A_623 = arith.select %eq3A_616, %add3A_620, %broadcast_in_dim3A_622 : vector<16xi1>, vector<16xi32>
      %eq3A_624 = vector.broadcast %reduce_max3A_597 : f32 to vector<16xf32>
      %eq3A_625 = arith.cmpf oeq, %select_n3A_581, %eq3A_624 : vector<16xf32>
      %mul3A_626 = arith.constant 16 : i32
      %mul3A_627 = vector.broadcast %mul3A_626 : i32 to vector<16xi32>
      %mul3A_628 = arith.muli %select_n3A_582, %mul3A_627 : vector<16xi32>
      %add3A_629 = arith.addi %mul3A_628, %iota3A : vector<16xi32>
      %jit3A_630 = arith.constant 256 : i32
      %broadcast_in_dim3A_631 = vector.broadcast %jit3A_630 : i32 to vector<16xi32>
      %select_n3A_632 = arith.select %eq3A_625, %add3A_629, %broadcast_in_dim3A_631 : vector<16xi1>, vector<16xi32>
      %reduce_min3A = arith.constant true
      %reduce_min3A_633 = vector.broadcast %reduce_min3A : i1 to vector<16xi1>
      %reduce_min3A_634 = arith.constant -2147483648 : i32
      %reduce_min3A_635 = vector.broadcast %reduce_min3A_634 : i32 to vector<16xi32>
      %reduce_min3A_636 = arith.xori %select_n3A_605, %reduce_min3A_635 : vector<16xi32>
      %reduce_min3A_637 = tpu.scan <min>, %reduce_min3A_636 masked %reduce_min3A_633 : vector<16xi32>, vector<16xi1> -> vector<16xi32>
      %reduce_min3A_638 = arith.xori %reduce_min3A_637, %reduce_min3A_635 : vector<16xi32>
      %reduce_min3A_639 = vector.extract %reduce_min3A_638[15] : i32 from vector<16xi32>
      %reduce_min3A_640 = arith.constant true
      %reduce_min3A_641 = vector.broadcast %reduce_min3A_640 : i1 to vector<16xi1>
      %reduce_min3A_642 = arith.constant -2147483648 : i32
      %reduce_min3A_643 = vector.broadcast %reduce_min3A_642 : i32 to vector<16xi32>
      %reduce_min3A_644 = arith.xori %select_n3A_614, %reduce_min3A_643 : vector<16xi32>
      %reduce_min3A_645 = tpu.scan <min>, %reduce_min3A_644 masked %reduce_min3A_641 : vector<16xi32>, vector<16xi1> -> vector<16xi32>
      %reduce_min3A_646 = arith.xori %reduce_min3A_645, %reduce_min3A_643 : vector<16xi32>
      %reduce_min3A_647 = vector.extract %reduce_min3A_646[15] : i32 from vector<16xi32>
      %reduce_min3A_648 = arith.constant true
      %reduce_min3A_649 = vector.broadcast %reduce_min3A_648 : i1 to vector<16xi1>
      %reduce_min3A_650 = arith.constant -2147483648 : i32
      %reduce_min3A_651 = vector.broadcast %reduce_min3A_650 : i32 to vector<16xi32>
      %reduce_min3A_652 = arith.xori %select_n3A_623, %reduce_min3A_651 : vector<16xi32>
      %reduce_min3A_653 = tpu.scan <min>, %reduce_min3A_652 masked %reduce_min3A_649 : vector<16xi32>, vector<16xi1> -> vector<16xi32>
      %reduce_min3A_654 = arith.xori %reduce_min3A_653, %reduce_min3A_651 : vector<16xi32>
      %reduce_min3A_655 = vector.extract %reduce_min3A_654[15] : i32 from vector<16xi32>
      %reduce_min3A_656 = arith.constant true
      %reduce_min3A_657 = vector.broadcast %reduce_min3A_656 : i1 to vector<16xi1>
      %reduce_min3A_658 = arith.constant -2147483648 : i32
      %reduce_min3A_659 = vector.broadcast %reduce_min3A_658 : i32 to vector<16xi32>
      %reduce_min3A_660 = arith.xori %select_n3A_632, %reduce_min3A_659 : vector<16xi32>
      %reduce_min3A_661 = tpu.scan <min>, %reduce_min3A_660 masked %reduce_min3A_657 : vector<16xi32>, vector<16xi1> -> vector<16xi32>
      %reduce_min3A_662 = arith.xori %reduce_min3A_661, %reduce_min3A_659 : vector<16xi32>
      %reduce_min3A_663 = vector.extract %reduce_min3A_662[15] : i32 from vector<16xi32>
      %mul3A_664 = arith.constant 2 : i32
      %mul3A_665 = arith.muli %mul3A_664, %reduce_min3A_639 : i32
      %get3A_666 = arith.index_cast %mul3A_665 : i32 to index
      %get3A_667 = tpu.vector_load %arg7[%get3A_666] {strides = array<i32>} : memref<528xf32, #tpu.memory_space<vmem>>, vector<16xf32>,
      %add3A_668 = arith.constant 128 : i32
      %add3A_669 = arith.addi %add3A_668, %mul3A_78 : i32
      %add3A_670 = arith.constant 0 : i32
      %add3A_671 = arith.addi %add3A_669, %add3A_670 : i32
      %mul3A_672 = arith.constant 2 : i32
      %mul3A_673 = arith.muli %add3A_671, %mul3A_672 : i32
      %add3A_674 = vector.broadcast %mul3A_673 : i32 to vector<16xi32>
      %add3A_675 = arith.addi %iota3A, %add3A_674 : vector<16xi32>
      tpu.vector_store_idx %arg8[%add3A_675], %get3A_667 masked %lt3A_10 : memref<1024xf32, #tpu.memory_space<vmem>>[vector<16xi32>], vector<16xf32>, vector<16xi1>
      %mul3A_676 = arith.constant 2 : i32
      %mul3A_677 = arith.muli %mul3A_676, %reduce_min3A_647 : i32
      %get3A_678 = arith.index_cast %mul3A_677 : i32 to index
      %get3A_679 = tpu.vector_load %arg7[%get3A_678] {strides = array<i32>} : memref<528xf32, #tpu.memory_space<vmem>>, vector<16xf32>,
      %add3A_680 = arith.constant 128 : i32
      %add3A_681 = arith.addi %add3A_680, %mul3A_78 : i32
      %add3A_682 = arith.constant 1 : i32
      %add3A_683 = arith.addi %add3A_681, %add3A_682 : i32
      %mul3A_684 = arith.constant 2 : i32
      %mul3A_685 = arith.muli %add3A_683, %mul3A_684 : i32
      %add3A_686 = vector.broadcast %mul3A_685 : i32 to vector<16xi32>
      %add3A_687 = arith.addi %iota3A, %add3A_686 : vector<16xi32>
      tpu.vector_store_idx %arg8[%add3A_687], %get3A_679 masked %lt3A_10 : memref<1024xf32, #tpu.memory_space<vmem>>[vector<16xi32>], vector<16xf32>, vector<16xi1>
      %mul3A_688 = arith.constant 2 : i32
      %mul3A_689 = arith.muli %mul3A_688, %reduce_min3A_655 : i32
      %get3A_690 = arith.index_cast %mul3A_689 : i32 to index
      %get3A_691 = tpu.vector_load %arg7[%get3A_690] {strides = array<i32>} : memref<528xf32, #tpu.memory_space<vmem>>, vector<16xf32>,
      %add3A_692 = arith.constant 128 : i32
      %add3A_693 = arith.addi %add3A_692, %mul3A_78 : i32
      %add3A_694 = arith.constant 2 : i32
      %add3A_695 = arith.addi %add3A_693, %add3A_694 : i32
      %mul3A_696 = arith.constant 2 : i32
      %mul3A_697 = arith.muli %add3A_695, %mul3A_696 : i32
      %add3A_698 = vector.broadcast %mul3A_697 : i32 to vector<16xi32>
      %add3A_699 = arith.addi %iota3A, %add3A_698 : vector<16xi32>
      tpu.vector_store_idx %arg8[%add3A_699], %get3A_691 masked %lt3A_10 : memref<1024xf32, #tpu.memory_space<vmem>>[vector<16xi32>], vector<16xf32>, vector<16xi1>
      %mul3A_700 = arith.constant 2 : i32
      %mul3A_701 = arith.muli %mul3A_700, %reduce_min3A_663 : i32
      %get3A_702 = arith.index_cast %mul3A_701 : i32 to index
      %get3A_703 = tpu.vector_load %arg7[%get3A_702] {strides = array<i32>} : memref<528xf32, #tpu.memory_space<vmem>>, vector<16xf32>,
      %add3A_704 = arith.constant 128 : i32
      %add3A_705 = arith.addi %add3A_704, %mul3A_78 : i32
      %add3A_706 = arith.constant 3 : i32
      %add3A_707 = arith.addi %add3A_705, %add3A_706 : i32
      %mul3A_708 = arith.constant 2 : i32
      %mul3A_709 = arith.muli %add3A_707, %mul3A_708 : i32
      %add3A_710 = vector.broadcast %mul3A_709 : i32 to vector<16xi32>
      %add3A_711 = arith.addi %iota3A, %add3A_710 : vector<16xi32>
      tpu.vector_store_idx %arg8[%add3A_711], %get3A_703 masked %lt3A_10 : memref<1024xf32, #tpu.memory_space<vmem>>[vector<16xi32>], vector<16xf32>, vector<16xi1>
      %scan3A_712 = arith.constant 0 : i32
      scf.yield %scan3A_712 : i32
    }
    %scan3A_42 = arith.constant 32 : i32
    %add3A_43 = arith.constant 384 : i32
    %add3A_44 = arith.addi %mul3A_2, %add3A_43 : i32
    %dma_start3A_45 = arith.constant 0 : i32
    %dma_start3A_46 = tpu.memref_slice %arg2[%add3A_44, %dma_start3A_45] : memref<16384x256xf32, #tpu.memory_space<hbm>> -> memref<128x256xf32, #tpu.memory_space<hbm>>
    %dma_start3A_47 = arith.constant 0 : i32
    %dma_start3A_48 = tpu.memref_slice %arg2[%add3A_44, %dma_start3A_47] : memref<16384x256xf32, #tpu.memory_space<hbm>> -> memref<128x256xf32, #tpu.memory_space<hbm>>
    tpu.enqueue_dma source(%dma_start3A_48 : memref<128x256xf32, #tpu.memory_space<hbm>>) target(%arg6 : memref<128x256xf32, #tpu.memory_space<vmem>>) target_semaphore(%arg10 : memref<!tpu.dma_semaphore, #tpu.memory_space<semaphore_mem>>)
    %dma_wait3A_49 = arith.constant 0 : i32
    %dma_wait3A_50 = tpu.memref_slice %arg2[%add3A_27, %dma_wait3A_49] : memref<16384x256xf32, #tpu.memory_space<hbm>> -> memref<128x256xf32, #tpu.memory_space<hbm>>
    %dma_wait3A_51 = arith.constant 0 : i32
    %dma_wait3A_52 = tpu.memref_slice %arg2[%add3A_27, %dma_wait3A_51] : memref<16384x256xf32, #tpu.memory_space<hbm>> -> memref<128x256xf32, #tpu.memory_space<hbm>>
    tpu.wait_dma2 semaphore(%arg9 : memref<!tpu.dma_semaphore, #tpu.memory_space<semaphore_mem>>) src(%dma_wait3A_52 : memref<128x256xf32, #tpu.memory_space<hbm>>) dst(%arg5 : memref<128x256xf32, #tpu.memory_space<vmem>>)
    %scan3A_53 = arith.constant 0 : i32
    %scan3A_54 = arith.constant 0 : i32
    %scan3A_55 = arith.constant 32 : i32
    %scan3A_56 = arith.addi %scan3A_54, %scan3A_55 : i32
    %scan3A_57 = arith.constant 1 : i32
    %scan3A_58 = scf.for %scan3A_75 = %scan3A_54 to %scan3A_56 step %scan3A_57 iter_args(%scan3A_76 = %scan3A_53) -> (i32)  : i32 {
      %mul3A_77 = arith.constant 4 : i32
      %mul3A_78 = arith.muli %scan3A_75, %mul3A_77 : i32
      %add3A_79 = arith.constant 0 : i32
      %add3A_80 = arith.addi %mul3A_78, %add3A_79 : i32
      %get3A = arith.index_cast %add3A_80 : i32 to index
      %get3A_81 = arith.constant 0 : index
      %get3A_82 = tpu.vector_load %arg5[%get3A, %get3A_81] {strides = array<i32>} : memref<128x256xf32, #tpu.memory_space<vmem>>, vector<16xf32>,
      %get3A_83 = arith.index_cast %add3A_80 : i32 to index
      %get3A_84 = arith.constant 16 : index
      %get3A_85 = tpu.vector_load %arg5[%get3A_83, %get3A_84] {strides = array<i32>} : memref<128x256xf32, #tpu.memory_space<vmem>>, vector<16xf32>,
      %get3A_86 = arith.index_cast %add3A_80 : i32 to index
      %get3A_87 = arith.constant 32 : index
      %get3A_88 = tpu.vector_load %arg5[%get3A_86, %get3A_87] {strides = array<i32>} : memref<128x256xf32, #tpu.memory_space<vmem>>, vector<16xf32>,
      %get3A_89 = arith.index_cast %add3A_80 : i32 to index
      %get3A_90 = arith.constant 48 : index
      %get3A_91 = tpu.vector_load %arg5[%get3A_89, %get3A_90] {strides = array<i32>} : memref<128x256xf32, #tpu.memory_space<vmem>>, vector<16xf32>,
      %get3A_92 = arith.index_cast %add3A_80 : i32 to index
      %get3A_93 = arith.constant 64 : index
      %get3A_94 = tpu.vector_load %arg5[%get3A_92, %get3A_93] {strides = array<i32>} : memref<128x256xf32, #tpu.memory_space<vmem>>, vector<16xf32>,
      %get3A_95 = arith.index_cast %add3A_80 : i32 to index
      %get3A_96 = arith.constant 80 : index
      %get3A_97 = tpu.vector_load %arg5[%get3A_95, %get3A_96] {strides = array<i32>} : memref<128x256xf32, #tpu.memory_space<vmem>>, vector<16xf32>,
      %get3A_98 = arith.index_cast %add3A_80 : i32 to index
      %get3A_99 = arith.constant 96 : index
      %get3A_100 = tpu.vector_load %arg5[%get3A_98, %get3A_99] {strides = array<i32>} : memref<128x256xf32, #tpu.memory_space<vmem>>, vector<16xf32>,
      %get3A_101 = arith.index_cast %add3A_80 : i32 to index
      %get3A_102 = arith.constant 112 : index
      %get3A_103 = tpu.vector_load %arg5[%get3A_101, %get3A_102] {strides = array<i32>} : memref<128x256xf32, #tpu.memory_space<vmem>>, vector<16xf32>,
      %get3A_104 = arith.index_cast %add3A_80 : i32 to index
      %get3A_105 = arith.constant 128 : index
      %get3A_106 = tpu.vector_load %arg5[%get3A_104, %get3A_105] {strides = array<i32>} : memref<128x256xf32, #tpu.memory_space<vmem>>, vector<16xf32>,
      %get3A_107 = arith.index_cast %add3A_80 : i32 to index
      %get3A_108 = arith.constant 144 : index
      %get3A_109 = tpu.vector_load %arg5[%get3A_107, %get3A_108] {strides = array<i32>} : memref<128x256xf32, #tpu.memory_space<vmem>>, vector<16xf32>,
      %get3A_110 = arith.index_cast %add3A_80 : i32 to index
      %get3A_111 = arith.constant 160 : index
      %get3A_112 = tpu.vector_load %arg5[%get3A_110, %get3A_111] {strides = array<i32>} : memref<128x256xf32, #tpu.memory_space<vmem>>, vector<16xf32>,
      %get3A_113 = arith.index_cast %add3A_80 : i32 to index
      %get3A_114 = arith.constant 176 : index
      %get3A_115 = tpu.vector_load %arg5[%get3A_113, %get3A_114] {strides = array<i32>} : memref<128x256xf32, #tpu.memory_space<vmem>>, vector<16xf32>,
      %get3A_116 = arith.index_cast %add3A_80 : i32 to index
      %get3A_117 = arith.constant 192 : index
      %get3A_118 = tpu.vector_load %arg5[%get3A_116, %get3A_117] {strides = array<i32>} : memref<128x256xf32, #tpu.memory_space<vmem>>, vector<16xf32>,
      %get3A_119 = arith.index_cast %add3A_80 : i32 to index
      %get3A_120 = arith.constant 208 : index
      %get3A_121 = tpu.vector_load %arg5[%get3A_119, %get3A_120] {strides = array<i32>} : memref<128x256xf32, #tpu.memory_space<vmem>>, vector<16xf32>,
      %get3A_122 = arith.index_cast %add3A_80 : i32 to index
      %get3A_123 = arith.constant 224 : index
      %get3A_124 = tpu.vector_load %arg5[%get3A_122, %get3A_123] {strides = array<i32>} : memref<128x256xf32, #tpu.memory_space<vmem>>, vector<16xf32>,
      %get3A_125 = arith.index_cast %add3A_80 : i32 to index
      %get3A_126 = arith.constant 240 : index
      %get3A_127 = tpu.vector_load %arg5[%get3A_125, %get3A_126] {strides = array<i32>} : memref<128x256xf32, #tpu.memory_space<vmem>>, vector<16xf32>,
      %gt3A = arith.cmpf ogt, %get3A_85, %get3A_82 : vector<16xf32>
      %select_n3A = arith.select %gt3A, %get3A_85, %get3A_82 : vector<16xi1>, vector<16xf32>
      %jit3A = arith.constant 1 : i32
      %jit3A_128 = arith.constant 0 : i32
      %broadcast_in_dim3A_129 = vector.broadcast %jit3A : i32 to vector<16xi32>
      %broadcast_in_dim3A_130 = vector.broadcast %jit3A_128 : i32 to vector<16xi32>
      %select_n3A_131 = arith.select %gt3A, %broadcast_in_dim3A_129, %broadcast_in_dim3A_130 : vector<16xi1>, vector<16xi32>
      %gt3A_132 = arith.cmpf ogt, %get3A_91, %get3A_88 : vector<16xf32>
      %select_n3A_133 = arith.select %gt3A_132, %get3A_91, %get3A_88 : vector<16xi1>, vector<16xf32>
      %jit3A_134 = arith.constant 3 : i32
      %jit3A_135 = arith.constant 2 : i32
      %broadcast_in_dim3A_136 = vector.broadcast %jit3A_134 : i32 to vector<16xi32>
      %broadcast_in_dim3A_137 = vector.broadcast %jit3A_135 : i32 to vector<16xi32>
      %select_n3A_138 = arith.select %gt3A_132, %broadcast_in_dim3A_136, %broadcast_in_dim3A_137 : vector<16xi1>, vector<16xi32>
      %gt3A_139 = arith.cmpf ogt, %get3A_97, %get3A_94 : vector<16xf32>
      %select_n3A_140 = arith.select %gt3A_139, %get3A_97, %get3A_94 : vector<16xi1>, vector<16xf32>
      %jit3A_141 = arith.constant 5 : i32
      %jit3A_142 = arith.constant 4 : i32
      %broadcast_in_dim3A_143 = vector.broadcast %jit3A_141 : i32 to vector<16xi32>
      %broadcast_in_dim3A_144 = vector.broadcast %jit3A_142 : i32 to vector<16xi32>
      %select_n3A_145 = arith.select %gt3A_139, %broadcast_in_dim3A_143, %broadcast_in_dim3A_144 : vector<16xi1>, vector<16xi32>
      %gt3A_146 = arith.cmpf ogt, %get3A_103, %get3A_100 : vector<16xf32>
      %select_n3A_147 = arith.select %gt3A_146, %get3A_103, %get3A_100 : vector<16xi1>, vector<16xf32>
      %jit3A_148 = arith.constant 7 : i32
      %jit3A_149 = arith.constant 6 : i32
      %broadcast_in_dim3A_150 = vector.broadcast %jit3A_148 : i32 to vector<16xi32>
      %broadcast_in_dim3A_151 = vector.broadcast %jit3A_149 : i32 to vector<16xi32>
      %select_n3A_152 = arith.select %gt3A_146, %broadcast_in_dim3A_150, %broadcast_in_dim3A_151 : vector<16xi1>, vector<16xi32>
      %gt3A_153 = arith.cmpf ogt, %get3A_109, %get3A_106 : vector<16xf32>
      %select_n3A_154 = arith.select %gt3A_153, %get3A_109, %get3A_106 : vector<16xi1>, vector<16xf32>
      %jit3A_155 = arith.constant 9 : i32
      %jit3A_156 = arith.constant 8 : i32
      %broadcast_in_dim3A_157 = vector.broadcast %jit3A_155 : i32 to vector<16xi32>
      %broadcast_in_dim3A_158 = vector.broadcast %jit3A_156 : i32 to vector<16xi32>
      %select_n3A_159 = arith.select %gt3A_153, %broadcast_in_dim3A_157, %broadcast_in_dim3A_158 : vector<16xi1>, vector<16xi32>
      %gt3A_160 = arith.cmpf ogt, %get3A_115, %get3A_112 : vector<16xf32>
      %select_n3A_161 = arith.select %gt3A_160, %get3A_115, %get3A_112 : vector<16xi1>, vector<16xf32>
      %jit3A_162 = arith.constant 11 : i32
      %jit3A_163 = arith.constant 10 : i32
      %broadcast_in_dim3A_164 = vector.broadcast %jit3A_162 : i32 to vector<16xi32>
      %broadcast_in_dim3A_165 = vector.broadcast %jit3A_163 : i32 to vector<16xi32>
      %select_n3A_166 = arith.select %gt3A_160, %broadcast_in_dim3A_164, %broadcast_in_dim3A_165 : vector<16xi1>, vector<16xi32>
      %gt3A_167 = arith.cmpf ogt, %get3A_121, %get3A_118 : vector<16xf32>
      %select_n3A_168 = arith.select %gt3A_167, %get3A_121, %get3A_118 : vector<16xi1>, vector<16xf32>
      %jit3A_169 = arith.constant 13 : i32
      %jit3A_170 = arith.constant 12 : i32
      %broadcast_in_dim3A_171 = vector.broadcast %jit3A_169 : i32 to vector<16xi32>
      %broadcast_in_dim3A_172 = vector.broadcast %jit3A_170 : i32 to vector<16xi32>
      %select_n3A_173 = arith.select %gt3A_167, %broadcast_in_dim3A_171, %broadcast_in_dim3A_172 : vector<16xi1>, vector<16xi32>
      %gt3A_174 = arith.cmpf ogt, %get3A_127, %get3A_124 : vector<16xf32>
      %select_n3A_175 = arith.select %gt3A_174, %get3A_127, %get3A_124 : vector<16xi1>, vector<16xf32>
      %jit3A_176 = arith.constant 15 : i32
      %jit3A_177 = arith.constant 14 : i32
      %broadcast_in_dim3A_178 = vector.broadcast %jit3A_176 : i32 to vector<16xi32>
      %broadcast_in_dim3A_179 = vector.broadcast %jit3A_177 : i32 to vector<16xi32>
      %select_n3A_180 = arith.select %gt3A_174, %broadcast_in_dim3A_178, %broadcast_in_dim3A_179 : vector<16xi1>, vector<16xi32>
      %gt3A_181 = arith.cmpf ogt, %select_n3A_133, %select_n3A : vector<16xf32>
      %select_n3A_182 = arith.select %gt3A_181, %select_n3A_133, %select_n3A : vector<16xi1>, vector<16xf32>
      %select_n3A_183 = arith.select %gt3A_181, %select_n3A_138, %select_n3A_131 : vector<16xi1>, vector<16xi32>
      %gt3A_184 = arith.cmpf ogt, %select_n3A_147, %select_n3A_140 : vector<16xf32>
      %select_n3A_185 = arith.select %gt3A_184, %select_n3A_147, %select_n3A_140 : vector<16xi1>, vector<16xf32>
      %select_n3A_186 = arith.select %gt3A_184, %select_n3A_152, %select_n3A_145 : vector<16xi1>, vector<16xi32>
      %gt3A_187 = arith.cmpf ogt, %select_n3A_161, %select_n3A_154 : vector<16xf32>
      %select_n3A_188 = arith.select %gt3A_187, %select_n3A_161, %select_n3A_154 : vector<16xi1>, vector<16xf32>
      %select_n3A_189 = arith.select %gt3A_187, %select_n3A_166, %select_n3A_159 : vector<16xi1>, vector<16xi32>
      %gt3A_190 = arith.cmpf ogt, %select_n3A_175, %select_n3A_168 : vector<16xf32>
      %select_n3A_191 = arith.select %gt3A_190, %select_n3A_175, %select_n3A_168 : vector<16xi1>, vector<16xf32>
      %select_n3A_192 = arith.select %gt3A_190, %select_n3A_180, %select_n3A_173 : vector<16xi1>, vector<16xi32>
      %gt3A_193 = arith.cmpf ogt, %select_n3A_185, %select_n3A_182 : vector<16xf32>
      %select_n3A_194 = arith.select %gt3A_193, %select_n3A_185, %select_n3A_182 : vector<16xi1>, vector<16xf32>
      %select_n3A_195 = arith.select %gt3A_193, %select_n3A_186, %select_n3A_183 : vector<16xi1>, vector<16xi32>
      %gt3A_196 = arith.cmpf ogt, %select_n3A_191, %select_n3A_188 : vector<16xf32>
      %select_n3A_197 = arith.select %gt3A_196, %select_n3A_191, %select_n3A_188 : vector<16xi1>, vector<16xf32>
      %select_n3A_198 = arith.select %gt3A_196, %select_n3A_192, %select_n3A_189 : vector<16xi1>, vector<16xi32>
      %gt3A_199 = arith.cmpf ogt, %select_n3A_197, %select_n3A_194 : vector<16xf32>
      %select_n3A_200 = arith.select %gt3A_199, %select_n3A_197, %select_n3A_194 : vector<16xi1>, vector<16xf32>
      %select_n3A_201 = arith.select %gt3A_199, %select_n3A_198, %select_n3A_195 : vector<16xi1>, vector<16xi32>
      %add3A_202 = arith.constant 1 : i32
      %add3A_203 = arith.addi %mul3A_78, %add3A_202 : i32
      %get3A_204 = arith.index_cast %add3A_203 : i32 to index
      %get3A_205 = arith.constant 0 : index
      %get3A_206 = tpu.vector_load %arg5[%get3A_204, %get3A_205] {strides = array<i32>} : memref<128x256xf32, #tpu.memory_space<vmem>>, vector<16xf32>,
      %get3A_207 = arith.index_cast %add3A_203 : i32 to index
      %get3A_208 = arith.constant 16 : index
      %get3A_209 = tpu.vector_load %arg5[%get3A_207, %get3A_208] {strides = array<i32>} : memref<128x256xf32, #tpu.memory_space<vmem>>, vector<16xf32>,
      %get3A_210 = arith.index_cast %add3A_203 : i32 to index
      %get3A_211 = arith.constant 32 : index
      %get3A_212 = tpu.vector_load %arg5[%get3A_210, %get3A_211] {strides = array<i32>} : memref<128x256xf32, #tpu.memory_space<vmem>>, vector<16xf32>,
      %get3A_213 = arith.index_cast %add3A_203 : i32 to index
      %get3A_214 = arith.constant 48 : index
      %get3A_215 = tpu.vector_load %arg5[%get3A_213, %get3A_214] {strides = array<i32>} : memref<128x256xf32, #tpu.memory_space<vmem>>, vector<16xf32>,
      %get3A_216 = arith.index_cast %add3A_203 : i32 to index
      %get3A_217 = arith.constant 64 : index
      %get3A_218 = tpu.vector_load %arg5[%get3A_216, %get3A_217] {strides = array<i32>} : memref<128x256xf32, #tpu.memory_space<vmem>>, vector<16xf32>,
      %get3A_219 = arith.index_cast %add3A_203 : i32 to index
      %get3A_220 = arith.constant 80 : index
      %get3A_221 = tpu.vector_load %arg5[%get3A_219, %get3A_220] {strides = array<i32>} : memref<128x256xf32, #tpu.memory_space<vmem>>, vector<16xf32>,
      %get3A_222 = arith.index_cast %add3A_203 : i32 to index
      %get3A_223 = arith.constant 96 : index
      %get3A_224 = tpu.vector_load %arg5[%get3A_222, %get3A_223] {strides = array<i32>} : memref<128x256xf32, #tpu.memory_space<vmem>>, vector<16xf32>,
      %get3A_225 = arith.index_cast %add3A_203 : i32 to index
      %get3A_226 = arith.constant 112 : index
      %get3A_227 = tpu.vector_load %arg5[%get3A_225, %get3A_226] {strides = array<i32>} : memref<128x256xf32, #tpu.memory_space<vmem>>, vector<16xf32>,
      %get3A_228 = arith.index_cast %add3A_203 : i32 to index
      %get3A_229 = arith.constant 128 : index
      %get3A_230 = tpu.vector_load %arg5[%get3A_228, %get3A_229] {strides = array<i32>} : memref<128x256xf32, #tpu.memory_space<vmem>>, vector<16xf32>,
      %get3A_231 = arith.index_cast %add3A_203 : i32 to index
      %get3A_232 = arith.constant 144 : index
      %get3A_233 = tpu.vector_load %arg5[%get3A_231, %get3A_232] {strides = array<i32>} : memref<128x256xf32, #tpu.memory_space<vmem>>, vector<16xf32>,
      %get3A_234 = arith.index_cast %add3A_203 : i32 to index
      %get3A_235 = arith.constant 160 : index
      %get3A_236 = tpu.vector_load %arg5[%get3A_234, %get3A_235] {strides = array<i32>} : memref<128x256xf32, #tpu.memory_space<vmem>>, vector<16xf32>,
      %get3A_237 = arith.index_cast %add3A_203 : i32 to index
      %get3A_238 = arith.constant 176 : index
      %get3A_239 = tpu.vector_load %arg5[%get3A_237, %get3A_238] {strides = array<i32>} : memref<128x256xf32, #tpu.memory_space<vmem>>, vector<16xf32>,
      %get3A_240 = arith.index_cast %add3A_203 : i32 to index
      %get3A_241 = arith.constant 192 : index
      %get3A_242 = tpu.vector_load %arg5[%get3A_240, %get3A_241] {strides = array<i32>} : memref<128x256xf32, #tpu.memory_space<vmem>>, vector<16xf32>,
      %get3A_243 = arith.index_cast %add3A_203 : i32 to index
      %get3A_244 = arith.constant 208 : index
      %get3A_245 = tpu.vector_load %arg5[%get3A_243, %get3A_244] {strides = array<i32>} : memref<128x256xf32, #tpu.memory_space<vmem>>, vector<16xf32>,
      %get3A_246 = arith.index_cast %add3A_203 : i32 to index
      %get3A_247 = arith.constant 224 : index
      %get3A_248 = tpu.vector_load %arg5[%get3A_246, %get3A_247] {strides = array<i32>} : memref<128x256xf32, #tpu.memory_space<vmem>>, vector<16xf32>,
      %get3A_249 = arith.index_cast %add3A_203 : i32 to index
      %get3A_250 = arith.constant 240 : index
      %get3A_251 = tpu.vector_load %arg5[%get3A_249, %get3A_250] {strides = array<i32>} : memref<128x256xf32, #tpu.memory_space<vmem>>, vector<16xf32>,
      %gt3A_252 = arith.cmpf ogt, %get3A_209, %get3A_206 : vector<16xf32>
      %select_n3A_253 = arith.select %gt3A_252, %get3A_209, %get3A_206 : vector<16xi1>, vector<16xf32>
      %jit3A_254 = arith.constant 1 : i32
      %jit3A_255 = arith.constant 0 : i32
      %broadcast_in_dim3A_256 = vector.broadcast %jit3A_254 : i32 to vector<16xi32>
      %broadcast_in_dim3A_257 = vector.broadcast %jit3A_255 : i32 to vector<16xi32>
      %select_n3A_258 = arith.select %gt3A_252, %broadcast_in_dim3A_256, %broadcast_in_dim3A_257 : vector<16xi1>, vector<16xi32>
      %gt3A_259 = arith.cmpf ogt, %get3A_215, %get3A_212 : vector<16xf32>
      %select_n3A_260 = arith.select %gt3A_259, %get3A_215, %get3A_212 : vector<16xi1>, vector<16xf32>
      %jit3A_261 = arith.constant 3 : i32
      %jit3A_262 = arith.constant 2 : i32
      %broadcast_in_dim3A_263 = vector.broadcast %jit3A_261 : i32 to vector<16xi32>
      %broadcast_in_dim3A_264 = vector.broadcast %jit3A_262 : i32 to vector<16xi32>
      %select_n3A_265 = arith.select %gt3A_259, %broadcast_in_dim3A_263, %broadcast_in_dim3A_264 : vector<16xi1>, vector<16xi32>
      %gt3A_266 = arith.cmpf ogt, %get3A_221, %get3A_218 : vector<16xf32>
      %select_n3A_267 = arith.select %gt3A_266, %get3A_221, %get3A_218 : vector<16xi1>, vector<16xf32>
      %jit3A_268 = arith.constant 5 : i32
      %jit3A_269 = arith.constant 4 : i32
      %broadcast_in_dim3A_270 = vector.broadcast %jit3A_268 : i32 to vector<16xi32>
      %broadcast_in_dim3A_271 = vector.broadcast %jit3A_269 : i32 to vector<16xi32>
      %select_n3A_272 = arith.select %gt3A_266, %broadcast_in_dim3A_270, %broadcast_in_dim3A_271 : vector<16xi1>, vector<16xi32>
      %gt3A_273 = arith.cmpf ogt, %get3A_227, %get3A_224 : vector<16xf32>
      %select_n3A_274 = arith.select %gt3A_273, %get3A_227, %get3A_224 : vector<16xi1>, vector<16xf32>
      %jit3A_275 = arith.constant 7 : i32
      %jit3A_276 = arith.constant 6 : i32
      %broadcast_in_dim3A_277 = vector.broadcast %jit3A_275 : i32 to vector<16xi32>
      %broadcast_in_dim3A_278 = vector.broadcast %jit3A_276 : i32 to vector<16xi32>
      %select_n3A_279 = arith.select %gt3A_273, %broadcast_in_dim3A_277, %broadcast_in_dim3A_278 : vector<16xi1>, vector<16xi32>
      %gt3A_280 = arith.cmpf ogt, %get3A_233, %get3A_230 : vector<16xf32>
      %select_n3A_281 = arith.select %gt3A_280, %get3A_233, %get3A_230 : vector<16xi1>, vector<16xf32>
      %jit3A_282 = arith.constant 9 : i32
      %jit3A_283 = arith.constant 8 : i32
      %broadcast_in_dim3A_284 = vector.broadcast %jit3A_282 : i32 to vector<16xi32>
      %broadcast_in_dim3A_285 = vector.broadcast %jit3A_283 : i32 to vector<16xi32>
      %select_n3A_286 = arith.select %gt3A_280, %broadcast_in_dim3A_284, %broadcast_in_dim3A_285 : vector<16xi1>, vector<16xi32>
      %gt3A_287 = arith.cmpf ogt, %get3A_239, %get3A_236 : vector<16xf32>
      %select_n3A_288 = arith.select %gt3A_287, %get3A_239, %get3A_236 : vector<16xi1>, vector<16xf32>
      %jit3A_289 = arith.constant 11 : i32
      %jit3A_290 = arith.constant 10 : i32
      %broadcast_in_dim3A_291 = vector.broadcast %jit3A_289 : i32 to vector<16xi32>
      %broadcast_in_dim3A_292 = vector.broadcast %jit3A_290 : i32 to vector<16xi32>
      %select_n3A_293 = arith.select %gt3A_287, %broadcast_in_dim3A_291, %broadcast_in_dim3A_292 : vector<16xi1>, vector<16xi32>
      %gt3A_294 = arith.cmpf ogt, %get3A_245, %get3A_242 : vector<16xf32>
      %select_n3A_295 = arith.select %gt3A_294, %get3A_245, %get3A_242 : vector<16xi1>, vector<16xf32>
      %jit3A_296 = arith.constant 13 : i32
      %jit3A_297 = arith.constant 12 : i32
      %broadcast_in_dim3A_298 = vector.broadcast %jit3A_296 : i32 to vector<16xi32>
      %broadcast_in_dim3A_299 = vector.broadcast %jit3A_297 : i32 to vector<16xi32>
      %select_n3A_300 = arith.select %gt3A_294, %broadcast_in_dim3A_298, %broadcast_in_dim3A_299 : vector<16xi1>, vector<16xi32>
      %gt3A_301 = arith.cmpf ogt, %get3A_251, %get3A_248 : vector<16xf32>
      %select_n3A_302 = arith.select %gt3A_301, %get3A_251, %get3A_248 : vector<16xi1>, vector<16xf32>
      %jit3A_303 = arith.constant 15 : i32
      %jit3A_304 = arith.constant 14 : i32
      %broadcast_in_dim3A_305 = vector.broadcast %jit3A_303 : i32 to vector<16xi32>
      %broadcast_in_dim3A_306 = vector.broadcast %jit3A_304 : i32 to vector<16xi32>
      %select_n3A_307 = arith.select %gt3A_301, %broadcast_in_dim3A_305, %broadcast_in_dim3A_306 : vector<16xi1>, vector<16xi32>
      %gt3A_308 = arith.cmpf ogt, %select_n3A_260, %select_n3A_253 : vector<16xf32>
      %select_n3A_309 = arith.select %gt3A_308, %select_n3A_260, %select_n3A_253 : vector<16xi1>, vector<16xf32>
      %select_n3A_310 = arith.select %gt3A_308, %select_n3A_265, %select_n3A_258 : vector<16xi1>, vector<16xi32>
      %gt3A_311 = arith.cmpf ogt, %select_n3A_274, %select_n3A_267 : vector<16xf32>
      %select_n3A_312 = arith.select %gt3A_311, %select_n3A_274, %select_n3A_267 : vector<16xi1>, vector<16xf32>
      %select_n3A_313 = arith.select %gt3A_311, %select_n3A_279, %select_n3A_272 : vector<16xi1>, vector<16xi32>
      %gt3A_314 = arith.cmpf ogt, %select_n3A_288, %select_n3A_281 : vector<16xf32>
      %select_n3A_315 = arith.select %gt3A_314, %select_n3A_288, %select_n3A_281 : vector<16xi1>, vector<16xf32>
      %select_n3A_316 = arith.select %gt3A_314, %select_n3A_293, %select_n3A_286 : vector<16xi1>, vector<16xi32>
      %gt3A_317 = arith.cmpf ogt, %select_n3A_302, %select_n3A_295 : vector<16xf32>
      %select_n3A_318 = arith.select %gt3A_317, %select_n3A_302, %select_n3A_295 : vector<16xi1>, vector<16xf32>
      %select_n3A_319 = arith.select %gt3A_317, %select_n3A_307, %select_n3A_300 : vector<16xi1>, vector<16xi32>
      %gt3A_320 = arith.cmpf ogt, %select_n3A_312, %select_n3A_309 : vector<16xf32>
      %select_n3A_321 = arith.select %gt3A_320, %select_n3A_312, %select_n3A_309 : vector<16xi1>, vector<16xf32>
      %select_n3A_322 = arith.select %gt3A_320, %select_n3A_313, %select_n3A_310 : vector<16xi1>, vector<16xi32>
      %gt3A_323 = arith.cmpf ogt, %select_n3A_318, %select_n3A_315 : vector<16xf32>
      %select_n3A_324 = arith.select %gt3A_323, %select_n3A_318, %select_n3A_315 : vector<16xi1>, vector<16xf32>
      %select_n3A_325 = arith.select %gt3A_323, %select_n3A_319, %select_n3A_316 : vector<16xi1>, vector<16xi32>
      %gt3A_326 = arith.cmpf ogt, %select_n3A_324, %select_n3A_321 : vector<16xf32>
      %select_n3A_327 = arith.select %gt3A_326, %select_n3A_324, %select_n3A_321 : vector<16xi1>, vector<16xf32>
      %select_n3A_328 = arith.select %gt3A_326, %select_n3A_325, %select_n3A_322 : vector<16xi1>, vector<16xi32>
      %add3A_329 = arith.constant 2 : i32
      %add3A_330 = arith.addi %mul3A_78, %add3A_329 : i32
      %get3A_331 = arith.index_cast %add3A_330 : i32 to index
      %get3A_332 = arith.constant 0 : index
      %get3A_333 = tpu.vector_load %arg5[%get3A_331, %get3A_332] {strides = array<i32>} : memref<128x256xf32, #tpu.memory_space<vmem>>, vector<16xf32>,
      %get3A_334 = arith.index_cast %add3A_330 : i32 to index
      %get3A_335 = arith.constant 16 : index
      %get3A_336 = tpu.vector_load %arg5[%get3A_334, %get3A_335] {strides = array<i32>} : memref<128x256xf32, #tpu.memory_space<vmem>>, vector<16xf32>,
      %get3A_337 = arith.index_cast %add3A_330 : i32 to index
      %get3A_338 = arith.constant 32 : index
      %get3A_339 = tpu.vector_load %arg5[%get3A_337, %get3A_338] {strides = array<i32>} : memref<128x256xf32, #tpu.memory_space<vmem>>, vector<16xf32>,
      %get3A_340 = arith.index_cast %add3A_330 : i32 to index
      %get3A_341 = arith.constant 48 : index
      %get3A_342 = tpu.vector_load %arg5[%get3A_340, %get3A_341] {strides = array<i32>} : memref<128x256xf32, #tpu.memory_space<vmem>>, vector<16xf32>,
      %get3A_343 = arith.index_cast %add3A_330 : i32 to index
      %get3A_344 = arith.constant 64 : index
      %get3A_345 = tpu.vector_load %arg5[%get3A_343, %get3A_344] {strides = array<i32>} : memref<128x256xf32, #tpu.memory_space<vmem>>, vector<16xf32>,
      %get3A_346 = arith.index_cast %add3A_330 : i32 to index
      %get3A_347 = arith.constant 80 : index
      %get3A_348 = tpu.vector_load %arg5[%get3A_346, %get3A_347] {strides = array<i32>} : memref<128x256xf32, #tpu.memory_space<vmem>>, vector<16xf32>,
      %get3A_349 = arith.index_cast %add3A_330 : i32 to index
      %get3A_350 = arith.constant 96 : index
      %get3A_351 = tpu.vector_load %arg5[%get3A_349, %get3A_350] {strides = array<i32>} : memref<128x256xf32, #tpu.memory_space<vmem>>, vector<16xf32>,
      %get3A_352 = arith.index_cast %add3A_330 : i32 to index
      %get3A_353 = arith.constant 112 : index
      %get3A_354 = tpu.vector_load %arg5[%get3A_352, %get3A_353] {strides = array<i32>} : memref<128x256xf32, #tpu.memory_space<vmem>>, vector<16xf32>,
      %get3A_355 = arith.index_cast %add3A_330 : i32 to index
      %get3A_356 = arith.constant 128 : index
      %get3A_357 = tpu.vector_load %arg5[%get3A_355, %get3A_356] {strides = array<i32>} : memref<128x256xf32, #tpu.memory_space<vmem>>, vector<16xf32>,
      %get3A_358 = arith.index_cast %add3A_330 : i32 to index
      %get3A_359 = arith.constant 144 : index
      %get3A_360 = tpu.vector_load %arg5[%get3A_358, %get3A_359] {strides = array<i32>} : memref<128x256xf32, #tpu.memory_space<vmem>>, vector<16xf32>,
      %get3A_361 = arith.index_cast %add3A_330 : i32 to index
      %get3A_362 = arith.constant 160 : index
      %get3A_363 = tpu.vector_load %arg5[%get3A_361, %get3A_362] {strides = array<i32>} : memref<128x256xf32, #tpu.memory_space<vmem>>, vector<16xf32>,
      %get3A_364 = arith.index_cast %add3A_330 : i32 to index
      %get3A_365 = arith.constant 176 : index
      %get3A_366 = tpu.vector_load %arg5[%get3A_364, %get3A_365] {strides = array<i32>} : memref<128x256xf32, #tpu.memory_space<vmem>>, vector<16xf32>,
      %get3A_367 = arith.index_cast %add3A_330 : i32 to index
      %get3A_368 = arith.constant 192 : index
      %get3A_369 = tpu.vector_load %arg5[%get3A_367, %get3A_368] {strides = array<i32>} : memref<128x256xf32, #tpu.memory_space<vmem>>, vector<16xf32>,
      %get3A_370 = arith.index_cast %add3A_330 : i32 to index
      %get3A_371 = arith.constant 208 : index
      %get3A_372 = tpu.vector_load %arg5[%get3A_370, %get3A_371] {strides = array<i32>} : memref<128x256xf32, #tpu.memory_space<vmem>>, vector<16xf32>,
      %get3A_373 = arith.index_cast %add3A_330 : i32 to index
      %get3A_374 = arith.constant 224 : index
      %get3A_375 = tpu.vector_load %arg5[%get3A_373, %get3A_374] {strides = array<i32>} : memref<128x256xf32, #tpu.memory_space<vmem>>, vector<16xf32>,
      %get3A_376 = arith.index_cast %add3A_330 : i32 to index
      %get3A_377 = arith.constant 240 : index
      %get3A_378 = tpu.vector_load %arg5[%get3A_376, %get3A_377] {strides = array<i32>} : memref<128x256xf32, #tpu.memory_space<vmem>>, vector<16xf32>,
      %gt3A_379 = arith.cmpf ogt, %get3A_336, %get3A_333 : vector<16xf32>
      %select_n3A_380 = arith.select %gt3A_379, %get3A_336, %get3A_333 : vector<16xi1>, vector<16xf32>
      %jit3A_381 = arith.constant 1 : i32
      %jit3A_382 = arith.constant 0 : i32
      %broadcast_in_dim3A_383 = vector.broadcast %jit3A_381 : i32 to vector<16xi32>
      %broadcast_in_dim3A_384 = vector.broadcast %jit3A_382 : i32 to vector<16xi32>
      %select_n3A_385 = arith.select %gt3A_379, %broadcast_in_dim3A_383, %broadcast_in_dim3A_384 : vector<16xi1>, vector<16xi32>
      %gt3A_386 = arith.cmpf ogt, %get3A_342, %get3A_339 : vector<16xf32>
      %select_n3A_387 = arith.select %gt3A_386, %get3A_342, %get3A_339 : vector<16xi1>, vector<16xf32>
      %jit3A_388 = arith.constant 3 : i32
      %jit3A_389 = arith.constant 2 : i32
      %broadcast_in_dim3A_390 = vector.broadcast %jit3A_388 : i32 to vector<16xi32>
      %broadcast_in_dim3A_391 = vector.broadcast %jit3A_389 : i32 to vector<16xi32>
      %select_n3A_392 = arith.select %gt3A_386, %broadcast_in_dim3A_390, %broadcast_in_dim3A_391 : vector<16xi1>, vector<16xi32>
      %gt3A_393 = arith.cmpf ogt, %get3A_348, %get3A_345 : vector<16xf32>
      %select_n3A_394 = arith.select %gt3A_393, %get3A_348, %get3A_345 : vector<16xi1>, vector<16xf32>
      %jit3A_395 = arith.constant 5 : i32
      %jit3A_396 = arith.constant 4 : i32
      %broadcast_in_dim3A_397 = vector.broadcast %jit3A_395 : i32 to vector<16xi32>
      %broadcast_in_dim3A_398 = vector.broadcast %jit3A_396 : i32 to vector<16xi32>
      %select_n3A_399 = arith.select %gt3A_393, %broadcast_in_dim3A_397, %broadcast_in_dim3A_398 : vector<16xi1>, vector<16xi32>
      %gt3A_400 = arith.cmpf ogt, %get3A_354, %get3A_351 : vector<16xf32>
      %select_n3A_401 = arith.select %gt3A_400, %get3A_354, %get3A_351 : vector<16xi1>, vector<16xf32>
      %jit3A_402 = arith.constant 7 : i32
      %jit3A_403 = arith.constant 6 : i32
      %broadcast_in_dim3A_404 = vector.broadcast %jit3A_402 : i32 to vector<16xi32>
      %broadcast_in_dim3A_405 = vector.broadcast %jit3A_403 : i32 to vector<16xi32>
      %select_n3A_406 = arith.select %gt3A_400, %broadcast_in_dim3A_404, %broadcast_in_dim3A_405 : vector<16xi1>, vector<16xi32>
      %gt3A_407 = arith.cmpf ogt, %get3A_360, %get3A_357 : vector<16xf32>
      %select_n3A_408 = arith.select %gt3A_407, %get3A_360, %get3A_357 : vector<16xi1>, vector<16xf32>
      %jit3A_409 = arith.constant 9 : i32
      %jit3A_410 = arith.constant 8 : i32
      %broadcast_in_dim3A_411 = vector.broadcast %jit3A_409 : i32 to vector<16xi32>
      %broadcast_in_dim3A_412 = vector.broadcast %jit3A_410 : i32 to vector<16xi32>
      %select_n3A_413 = arith.select %gt3A_407, %broadcast_in_dim3A_411, %broadcast_in_dim3A_412 : vector<16xi1>, vector<16xi32>
      %gt3A_414 = arith.cmpf ogt, %get3A_366, %get3A_363 : vector<16xf32>
      %select_n3A_415 = arith.select %gt3A_414, %get3A_366, %get3A_363 : vector<16xi1>, vector<16xf32>
      %jit3A_416 = arith.constant 11 : i32
      %jit3A_417 = arith.constant 10 : i32
      %broadcast_in_dim3A_418 = vector.broadcast %jit3A_416 : i32 to vector<16xi32>
      %broadcast_in_dim3A_419 = vector.broadcast %jit3A_417 : i32 to vector<16xi32>
      %select_n3A_420 = arith.select %gt3A_414, %broadcast_in_dim3A_418, %broadcast_in_dim3A_419 : vector<16xi1>, vector<16xi32>
      %gt3A_421 = arith.cmpf ogt, %get3A_372, %get3A_369 : vector<16xf32>
      %select_n3A_422 = arith.select %gt3A_421, %get3A_372, %get3A_369 : vector<16xi1>, vector<16xf32>
      %jit3A_423 = arith.constant 13 : i32
      %jit3A_424 = arith.constant 12 : i32
      %broadcast_in_dim3A_425 = vector.broadcast %jit3A_423 : i32 to vector<16xi32>
      %broadcast_in_dim3A_426 = vector.broadcast %jit3A_424 : i32 to vector<16xi32>
      %select_n3A_427 = arith.select %gt3A_421, %broadcast_in_dim3A_425, %broadcast_in_dim3A_426 : vector<16xi1>, vector<16xi32>
      %gt3A_428 = arith.cmpf ogt, %get3A_378, %get3A_375 : vector<16xf32>
      %select_n3A_429 = arith.select %gt3A_428, %get3A_378, %get3A_375 : vector<16xi1>, vector<16xf32>
      %jit3A_430 = arith.constant 15 : i32
      %jit3A_431 = arith.constant 14 : i32
      %broadcast_in_dim3A_432 = vector.broadcast %jit3A_430 : i32 to vector<16xi32>
      %broadcast_in_dim3A_433 = vector.broadcast %jit3A_431 : i32 to vector<16xi32>
      %select_n3A_434 = arith.select %gt3A_428, %broadcast_in_dim3A_432, %broadcast_in_dim3A_433 : vector<16xi1>, vector<16xi32>
      %gt3A_435 = arith.cmpf ogt, %select_n3A_387, %select_n3A_380 : vector<16xf32>
      %select_n3A_436 = arith.select %gt3A_435, %select_n3A_387, %select_n3A_380 : vector<16xi1>, vector<16xf32>
      %select_n3A_437 = arith.select %gt3A_435, %select_n3A_392, %select_n3A_385 : vector<16xi1>, vector<16xi32>
      %gt3A_438 = arith.cmpf ogt, %select_n3A_401, %select_n3A_394 : vector<16xf32>
      %select_n3A_439 = arith.select %gt3A_438, %select_n3A_401, %select_n3A_394 : vector<16xi1>, vector<16xf32>
      %select_n3A_440 = arith.select %gt3A_438, %select_n3A_406, %select_n3A_399 : vector<16xi1>, vector<16xi32>
      %gt3A_441 = arith.cmpf ogt, %select_n3A_415, %select_n3A_408 : vector<16xf32>
      %select_n3A_442 = arith.select %gt3A_441, %select_n3A_415, %select_n3A_408 : vector<16xi1>, vector<16xf32>
      %select_n3A_443 = arith.select %gt3A_441, %select_n3A_420, %select_n3A_413 : vector<16xi1>, vector<16xi32>
      %gt3A_444 = arith.cmpf ogt, %select_n3A_429, %select_n3A_422 : vector<16xf32>
      %select_n3A_445 = arith.select %gt3A_444, %select_n3A_429, %select_n3A_422 : vector<16xi1>, vector<16xf32>
      %select_n3A_446 = arith.select %gt3A_444, %select_n3A_434, %select_n3A_427 : vector<16xi1>, vector<16xi32>
      %gt3A_447 = arith.cmpf ogt, %select_n3A_439, %select_n3A_436 : vector<16xf32>
      %select_n3A_448 = arith.select %gt3A_447, %select_n3A_439, %select_n3A_436 : vector<16xi1>, vector<16xf32>
      %select_n3A_449 = arith.select %gt3A_447, %select_n3A_440, %select_n3A_437 : vector<16xi1>, vector<16xi32>
      %gt3A_450 = arith.cmpf ogt, %select_n3A_445, %select_n3A_442 : vector<16xf32>
      %select_n3A_451 = arith.select %gt3A_450, %select_n3A_445, %select_n3A_442 : vector<16xi1>, vector<16xf32>
      %select_n3A_452 = arith.select %gt3A_450, %select_n3A_446, %select_n3A_443 : vector<16xi1>, vector<16xi32>
      %gt3A_453 = arith.cmpf ogt, %select_n3A_451, %select_n3A_448 : vector<16xf32>
      %select_n3A_454 = arith.select %gt3A_453, %select_n3A_451, %select_n3A_448 : vector<16xi1>, vector<16xf32>
      %select_n3A_455 = arith.select %gt3A_453, %select_n3A_452, %select_n3A_449 : vector<16xi1>, vector<16xi32>
      %add3A_456 = arith.constant 3 : i32
      %add3A_457 = arith.addi %mul3A_78, %add3A_456 : i32
      %get3A_458 = arith.index_cast %add3A_457 : i32 to index
      %get3A_459 = arith.constant 0 : index
      %get3A_460 = tpu.vector_load %arg5[%get3A_458, %get3A_459] {strides = array<i32>} : memref<128x256xf32, #tpu.memory_space<vmem>>, vector<16xf32>,
      %get3A_461 = arith.index_cast %add3A_457 : i32 to index
      %get3A_462 = arith.constant 16 : index
      %get3A_463 = tpu.vector_load %arg5[%get3A_461, %get3A_462] {strides = array<i32>} : memref<128x256xf32, #tpu.memory_space<vmem>>, vector<16xf32>,
      %get3A_464 = arith.index_cast %add3A_457 : i32 to index
      %get3A_465 = arith.constant 32 : index
      %get3A_466 = tpu.vector_load %arg5[%get3A_464, %get3A_465] {strides = array<i32>} : memref<128x256xf32, #tpu.memory_space<vmem>>, vector<16xf32>,
      %get3A_467 = arith.index_cast %add3A_457 : i32 to index
      %get3A_468 = arith.constant 48 : index
      %get3A_469 = tpu.vector_load %arg5[%get3A_467, %get3A_468] {strides = array<i32>} : memref<128x256xf32, #tpu.memory_space<vmem>>, vector<16xf32>,
      %get3A_470 = arith.index_cast %add3A_457 : i32 to index
      %get3A_471 = arith.constant 64 : index
      %get3A_472 = tpu.vector_load %arg5[%get3A_470, %get3A_471] {strides = array<i32>} : memref<128x256xf32, #tpu.memory_space<vmem>>, vector<16xf32>,
      %get3A_473 = arith.index_cast %add3A_457 : i32 to index
      %get3A_474 = arith.constant 80 : index
      %get3A_475 = tpu.vector_load %arg5[%get3A_473, %get3A_474] {strides = array<i32>} : memref<128x256xf32, #tpu.memory_space<vmem>>, vector<16xf32>,
      %get3A_476 = arith.index_cast %add3A_457 : i32 to index
      %get3A_477 = arith.constant 96 : index
      %get3A_478 = tpu.vector_load %arg5[%get3A_476, %get3A_477] {strides = array<i32>} : memref<128x256xf32, #tpu.memory_space<vmem>>, vector<16xf32>,
      %get3A_479 = arith.index_cast %add3A_457 : i32 to index
      %get3A_480 = arith.constant 112 : index
      %get3A_481 = tpu.vector_load %arg5[%get3A_479, %get3A_480] {strides = array<i32>} : memref<128x256xf32, #tpu.memory_space<vmem>>, vector<16xf32>,
      %get3A_482 = arith.index_cast %add3A_457 : i32 to index
      %get3A_483 = arith.constant 128 : index
      %get3A_484 = tpu.vector_load %arg5[%get3A_482, %get3A_483] {strides = array<i32>} : memref<128x256xf32, #tpu.memory_space<vmem>>, vector<16xf32>,
      %get3A_485 = arith.index_cast %add3A_457 : i32 to index
      %get3A_486 = arith.constant 144 : index
      %get3A_487 = tpu.vector_load %arg5[%get3A_485, %get3A_486] {strides = array<i32>} : memref<128x256xf32, #tpu.memory_space<vmem>>, vector<16xf32>,
      %get3A_488 = arith.index_cast %add3A_457 : i32 to index
      %get3A_489 = arith.constant 160 : index
      %get3A_490 = tpu.vector_load %arg5[%get3A_488, %get3A_489] {strides = array<i32>} : memref<128x256xf32, #tpu.memory_space<vmem>>, vector<16xf32>,
      %get3A_491 = arith.index_cast %add3A_457 : i32 to index
      %get3A_492 = arith.constant 176 : index
      %get3A_493 = tpu.vector_load %arg5[%get3A_491, %get3A_492] {strides = array<i32>} : memref<128x256xf32, #tpu.memory_space<vmem>>, vector<16xf32>,
      %get3A_494 = arith.index_cast %add3A_457 : i32 to index
      %get3A_495 = arith.constant 192 : index
      %get3A_496 = tpu.vector_load %arg5[%get3A_494, %get3A_495] {strides = array<i32>} : memref<128x256xf32, #tpu.memory_space<vmem>>, vector<16xf32>,
      %get3A_497 = arith.index_cast %add3A_457 : i32 to index
      %get3A_498 = arith.constant 208 : index
      %get3A_499 = tpu.vector_load %arg5[%get3A_497, %get3A_498] {strides = array<i32>} : memref<128x256xf32, #tpu.memory_space<vmem>>, vector<16xf32>,
      %get3A_500 = arith.index_cast %add3A_457 : i32 to index
      %get3A_501 = arith.constant 224 : index
      %get3A_502 = tpu.vector_load %arg5[%get3A_500, %get3A_501] {strides = array<i32>} : memref<128x256xf32, #tpu.memory_space<vmem>>, vector<16xf32>,
      %get3A_503 = arith.index_cast %add3A_457 : i32 to index
      %get3A_504 = arith.constant 240 : index
      %get3A_505 = tpu.vector_load %arg5[%get3A_503, %get3A_504] {strides = array<i32>} : memref<128x256xf32, #tpu.memory_space<vmem>>, vector<16xf32>,
      %gt3A_506 = arith.cmpf ogt, %get3A_463, %get3A_460 : vector<16xf32>
      %select_n3A_507 = arith.select %gt3A_506, %get3A_463, %get3A_460 : vector<16xi1>, vector<16xf32>
      %jit3A_508 = arith.constant 1 : i32
      %jit3A_509 = arith.constant 0 : i32
      %broadcast_in_dim3A_510 = vector.broadcast %jit3A_508 : i32 to vector<16xi32>
      %broadcast_in_dim3A_511 = vector.broadcast %jit3A_509 : i32 to vector<16xi32>
      %select_n3A_512 = arith.select %gt3A_506, %broadcast_in_dim3A_510, %broadcast_in_dim3A_511 : vector<16xi1>, vector<16xi32>
      %gt3A_513 = arith.cmpf ogt, %get3A_469, %get3A_466 : vector<16xf32>
      %select_n3A_514 = arith.select %gt3A_513, %get3A_469, %get3A_466 : vector<16xi1>, vector<16xf32>
      %jit3A_515 = arith.constant 3 : i32
      %jit3A_516 = arith.constant 2 : i32
      %broadcast_in_dim3A_517 = vector.broadcast %jit3A_515 : i32 to vector<16xi32>
      %broadcast_in_dim3A_518 = vector.broadcast %jit3A_516 : i32 to vector<16xi32>
      %select_n3A_519 = arith.select %gt3A_513, %broadcast_in_dim3A_517, %broadcast_in_dim3A_518 : vector<16xi1>, vector<16xi32>
      %gt3A_520 = arith.cmpf ogt, %get3A_475, %get3A_472 : vector<16xf32>
      %select_n3A_521 = arith.select %gt3A_520, %get3A_475, %get3A_472 : vector<16xi1>, vector<16xf32>
      %jit3A_522 = arith.constant 5 : i32
      %jit3A_523 = arith.constant 4 : i32
      %broadcast_in_dim3A_524 = vector.broadcast %jit3A_522 : i32 to vector<16xi32>
      %broadcast_in_dim3A_525 = vector.broadcast %jit3A_523 : i32 to vector<16xi32>
      %select_n3A_526 = arith.select %gt3A_520, %broadcast_in_dim3A_524, %broadcast_in_dim3A_525 : vector<16xi1>, vector<16xi32>
      %gt3A_527 = arith.cmpf ogt, %get3A_481, %get3A_478 : vector<16xf32>
      %select_n3A_528 = arith.select %gt3A_527, %get3A_481, %get3A_478 : vector<16xi1>, vector<16xf32>
      %jit3A_529 = arith.constant 7 : i32
      %jit3A_530 = arith.constant 6 : i32
      %broadcast_in_dim3A_531 = vector.broadcast %jit3A_529 : i32 to vector<16xi32>
      %broadcast_in_dim3A_532 = vector.broadcast %jit3A_530 : i32 to vector<16xi32>
      %select_n3A_533 = arith.select %gt3A_527, %broadcast_in_dim3A_531, %broadcast_in_dim3A_532 : vector<16xi1>, vector<16xi32>
      %gt3A_534 = arith.cmpf ogt, %get3A_487, %get3A_484 : vector<16xf32>
      %select_n3A_535 = arith.select %gt3A_534, %get3A_487, %get3A_484 : vector<16xi1>, vector<16xf32>
      %jit3A_536 = arith.constant 9 : i32
      %jit3A_537 = arith.constant 8 : i32
      %broadcast_in_dim3A_538 = vector.broadcast %jit3A_536 : i32 to vector<16xi32>
      %broadcast_in_dim3A_539 = vector.broadcast %jit3A_537 : i32 to vector<16xi32>
      %select_n3A_540 = arith.select %gt3A_534, %broadcast_in_dim3A_538, %broadcast_in_dim3A_539 : vector<16xi1>, vector<16xi32>
      %gt3A_541 = arith.cmpf ogt, %get3A_493, %get3A_490 : vector<16xf32>
      %select_n3A_542 = arith.select %gt3A_541, %get3A_493, %get3A_490 : vector<16xi1>, vector<16xf32>
      %jit3A_543 = arith.constant 11 : i32
      %jit3A_544 = arith.constant 10 : i32
      %broadcast_in_dim3A_545 = vector.broadcast %jit3A_543 : i32 to vector<16xi32>
      %broadcast_in_dim3A_546 = vector.broadcast %jit3A_544 : i32 to vector<16xi32>
      %select_n3A_547 = arith.select %gt3A_541, %broadcast_in_dim3A_545, %broadcast_in_dim3A_546 : vector<16xi1>, vector<16xi32>
      %gt3A_548 = arith.cmpf ogt, %get3A_499, %get3A_496 : vector<16xf32>
      %select_n3A_549 = arith.select %gt3A_548, %get3A_499, %get3A_496 : vector<16xi1>, vector<16xf32>
      %jit3A_550 = arith.constant 13 : i32
      %jit3A_551 = arith.constant 12 : i32
      %broadcast_in_dim3A_552 = vector.broadcast %jit3A_550 : i32 to vector<16xi32>
      %broadcast_in_dim3A_553 = vector.broadcast %jit3A_551 : i32 to vector<16xi32>
      %select_n3A_554 = arith.select %gt3A_548, %broadcast_in_dim3A_552, %broadcast_in_dim3A_553 : vector<16xi1>, vector<16xi32>
      %gt3A_555 = arith.cmpf ogt, %get3A_505, %get3A_502 : vector<16xf32>
      %select_n3A_556 = arith.select %gt3A_555, %get3A_505, %get3A_502 : vector<16xi1>, vector<16xf32>
      %jit3A_557 = arith.constant 15 : i32
      %jit3A_558 = arith.constant 14 : i32
      %broadcast_in_dim3A_559 = vector.broadcast %jit3A_557 : i32 to vector<16xi32>
      %broadcast_in_dim3A_560 = vector.broadcast %jit3A_558 : i32 to vector<16xi32>
      %select_n3A_561 = arith.select %gt3A_555, %broadcast_in_dim3A_559, %broadcast_in_dim3A_560 : vector<16xi1>, vector<16xi32>
      %gt3A_562 = arith.cmpf ogt, %select_n3A_514, %select_n3A_507 : vector<16xf32>
      %select_n3A_563 = arith.select %gt3A_562, %select_n3A_514, %select_n3A_507 : vector<16xi1>, vector<16xf32>
      %select_n3A_564 = arith.select %gt3A_562, %select_n3A_519, %select_n3A_512 : vector<16xi1>, vector<16xi32>
      %gt3A_565 = arith.cmpf ogt, %select_n3A_528, %select_n3A_521 : vector<16xf32>
      %select_n3A_566 = arith.select %gt3A_565, %select_n3A_528, %select_n3A_521 : vector<16xi1>, vector<16xf32>
      %select_n3A_567 = arith.select %gt3A_565, %select_n3A_533, %select_n3A_526 : vector<16xi1>, vector<16xi32>
      %gt3A_568 = arith.cmpf ogt, %select_n3A_542, %select_n3A_535 : vector<16xf32>
      %select_n3A_569 = arith.select %gt3A_568, %select_n3A_542, %select_n3A_535 : vector<16xi1>, vector<16xf32>
      %select_n3A_570 = arith.select %gt3A_568, %select_n3A_547, %select_n3A_540 : vector<16xi1>, vector<16xi32>
      %gt3A_571 = arith.cmpf ogt, %select_n3A_556, %select_n3A_549 : vector<16xf32>
      %select_n3A_572 = arith.select %gt3A_571, %select_n3A_556, %select_n3A_549 : vector<16xi1>, vector<16xf32>
      %select_n3A_573 = arith.select %gt3A_571, %select_n3A_561, %select_n3A_554 : vector<16xi1>, vector<16xi32>
      %gt3A_574 = arith.cmpf ogt, %select_n3A_566, %select_n3A_563 : vector<16xf32>
      %select_n3A_575 = arith.select %gt3A_574, %select_n3A_566, %select_n3A_563 : vector<16xi1>, vector<16xf32>
      %select_n3A_576 = arith.select %gt3A_574, %select_n3A_567, %select_n3A_564 : vector<16xi1>, vector<16xi32>
      %gt3A_577 = arith.cmpf ogt, %select_n3A_572, %select_n3A_569 : vector<16xf32>
      %select_n3A_578 = arith.select %gt3A_577, %select_n3A_572, %select_n3A_569 : vector<16xi1>, vector<16xf32>
      %select_n3A_579 = arith.select %gt3A_577, %select_n3A_573, %select_n3A_570 : vector<16xi1>, vector<16xi32>
      %gt3A_580 = arith.cmpf ogt, %select_n3A_578, %select_n3A_575 : vector<16xf32>
      %select_n3A_581 = arith.select %gt3A_580, %select_n3A_578, %select_n3A_575 : vector<16xi1>, vector<16xf32>
      %select_n3A_582 = arith.select %gt3A_580, %select_n3A_579, %select_n3A_576 : vector<16xi1>, vector<16xi32>
      %reduce_max3A = arith.constant true
      %reduce_max3A_583 = vector.broadcast %reduce_max3A : i1 to vector<16xi1>
      %reduce_max3A_584 = tpu.scan <max>, %select_n3A_200 masked %reduce_max3A_583 : vector<16xf32>, vector<16xi1> -> vector<16xf32>
      %reduce_max3A_585 = vector.extract %reduce_max3A_584[15] : f32 from vector<16xf32>
      %reduce_max3A_586 = arith.constant true
      %reduce_max3A_587 = vector.broadcast %reduce_max3A_586 : i1 to vector<16xi1>
      %reduce_max3A_588 = tpu.scan <max>, %select_n3A_327 masked %reduce_max3A_587 : vector<16xf32>, vector<16xi1> -> vector<16xf32>
      %reduce_max3A_589 = vector.extract %reduce_max3A_588[15] : f32 from vector<16xf32>
      %reduce_max3A_590 = arith.constant true
      %reduce_max3A_591 = vector.broadcast %reduce_max3A_590 : i1 to vector<16xi1>
      %reduce_max3A_592 = tpu.scan <max>, %select_n3A_454 masked %reduce_max3A_591 : vector<16xf32>, vector<16xi1> -> vector<16xf32>
      %reduce_max3A_593 = vector.extract %reduce_max3A_592[15] : f32 from vector<16xf32>
      %reduce_max3A_594 = arith.constant true
      %reduce_max3A_595 = vector.broadcast %reduce_max3A_594 : i1 to vector<16xi1>
      %reduce_max3A_596 = tpu.scan <max>, %select_n3A_581 masked %reduce_max3A_595 : vector<16xf32>, vector<16xi1> -> vector<16xf32>
      %reduce_max3A_597 = vector.extract %reduce_max3A_596[15] : f32 from vector<16xf32>
      %eq3A = vector.broadcast %reduce_max3A_585 : f32 to vector<16xf32>
      %eq3A_598 = arith.cmpf oeq, %select_n3A_200, %eq3A : vector<16xf32>
      %mul3A_599 = arith.constant 16 : i32
      %mul3A_600 = vector.broadcast %mul3A_599 : i32 to vector<16xi32>
      %mul3A_601 = arith.muli %select_n3A_201, %mul3A_600 : vector<16xi32>
      %add3A_602 = arith.addi %mul3A_601, %iota3A : vector<16xi32>
      %jit3A_603 = arith.constant 256 : i32
      %broadcast_in_dim3A_604 = vector.broadcast %jit3A_603 : i32 to vector<16xi32>
      %select_n3A_605 = arith.select %eq3A_598, %add3A_602, %broadcast_in_dim3A_604 : vector<16xi1>, vector<16xi32>
      %eq3A_606 = vector.broadcast %reduce_max3A_589 : f32 to vector<16xf32>
      %eq3A_607 = arith.cmpf oeq, %select_n3A_327, %eq3A_606 : vector<16xf32>
      %mul3A_608 = arith.constant 16 : i32
      %mul3A_609 = vector.broadcast %mul3A_608 : i32 to vector<16xi32>
      %mul3A_610 = arith.muli %select_n3A_328, %mul3A_609 : vector<16xi32>
      %add3A_611 = arith.addi %mul3A_610, %iota3A : vector<16xi32>
      %jit3A_612 = arith.constant 256 : i32
      %broadcast_in_dim3A_613 = vector.broadcast %jit3A_612 : i32 to vector<16xi32>
      %select_n3A_614 = arith.select %eq3A_607, %add3A_611, %broadcast_in_dim3A_613 : vector<16xi1>, vector<16xi32>
      %eq3A_615 = vector.broadcast %reduce_max3A_593 : f32 to vector<16xf32>
      %eq3A_616 = arith.cmpf oeq, %select_n3A_454, %eq3A_615 : vector<16xf32>
      %mul3A_617 = arith.constant 16 : i32
      %mul3A_618 = vector.broadcast %mul3A_617 : i32 to vector<16xi32>
      %mul3A_619 = arith.muli %select_n3A_455, %mul3A_618 : vector<16xi32>
      %add3A_620 = arith.addi %mul3A_619, %iota3A : vector<16xi32>
      %jit3A_621 = arith.constant 256 : i32
      %broadcast_in_dim3A_622 = vector.broadcast %jit3A_621 : i32 to vector<16xi32>
      %select_n3A_623 = arith.select %eq3A_616, %add3A_620, %broadcast_in_dim3A_622 : vector<16xi1>, vector<16xi32>
      %eq3A_624 = vector.broadcast %reduce_max3A_597 : f32 to vector<16xf32>
      %eq3A_625 = arith.cmpf oeq, %select_n3A_581, %eq3A_624 : vector<16xf32>
      %mul3A_626 = arith.constant 16 : i32
      %mul3A_627 = vector.broadcast %mul3A_626 : i32 to vector<16xi32>
      %mul3A_628 = arith.muli %select_n3A_582, %mul3A_627 : vector<16xi32>
      %add3A_629 = arith.addi %mul3A_628, %iota3A : vector<16xi32>
      %jit3A_630 = arith.constant 256 : i32
      %broadcast_in_dim3A_631 = vector.broadcast %jit3A_630 : i32 to vector<16xi32>
      %select_n3A_632 = arith.select %eq3A_625, %add3A_629, %broadcast_in_dim3A_631 : vector<16xi1>, vector<16xi32>
      %reduce_min3A = arith.constant true
      %reduce_min3A_633 = vector.broadcast %reduce_min3A : i1 to vector<16xi1>
      %reduce_min3A_634 = arith.constant -2147483648 : i32
      %reduce_min3A_635 = vector.broadcast %reduce_min3A_634 : i32 to vector<16xi32>
      %reduce_min3A_636 = arith.xori %select_n3A_605, %reduce_min3A_635 : vector<16xi32>
      %reduce_min3A_637 = tpu.scan <min>, %reduce_min3A_636 masked %reduce_min3A_633 : vector<16xi32>, vector<16xi1> -> vector<16xi32>
      %reduce_min3A_638 = arith.xori %reduce_min3A_637, %reduce_min3A_635 : vector<16xi32>
      %reduce_min3A_639 = vector.extract %reduce_min3A_638[15] : i32 from vector<16xi32>
      %reduce_min3A_640 = arith.constant true
      %reduce_min3A_641 = vector.broadcast %reduce_min3A_640 : i1 to vector<16xi1>
      %reduce_min3A_642 = arith.constant -2147483648 : i32
      %reduce_min3A_643 = vector.broadcast %reduce_min3A_642 : i32 to vector<16xi32>
      %reduce_min3A_644 = arith.xori %select_n3A_614, %reduce_min3A_643 : vector<16xi32>
      %reduce_min3A_645 = tpu.scan <min>, %reduce_min3A_644 masked %reduce_min3A_641 : vector<16xi32>, vector<16xi1> -> vector<16xi32>
      %reduce_min3A_646 = arith.xori %reduce_min3A_645, %reduce_min3A_643 : vector<16xi32>
      %reduce_min3A_647 = vector.extract %reduce_min3A_646[15] : i32 from vector<16xi32>
      %reduce_min3A_648 = arith.constant true
      %reduce_min3A_649 = vector.broadcast %reduce_min3A_648 : i1 to vector<16xi1>
      %reduce_min3A_650 = arith.constant -2147483648 : i32
      %reduce_min3A_651 = vector.broadcast %reduce_min3A_650 : i32 to vector<16xi32>
      %reduce_min3A_652 = arith.xori %select_n3A_623, %reduce_min3A_651 : vector<16xi32>
      %reduce_min3A_653 = tpu.scan <min>, %reduce_min3A_652 masked %reduce_min3A_649 : vector<16xi32>, vector<16xi1> -> vector<16xi32>
      %reduce_min3A_654 = arith.xori %reduce_min3A_653, %reduce_min3A_651 : vector<16xi32>
      %reduce_min3A_655 = vector.extract %reduce_min3A_654[15] : i32 from vector<16xi32>
      %reduce_min3A_656 = arith.constant true
      %reduce_min3A_657 = vector.broadcast %reduce_min3A_656 : i1 to vector<16xi1>
      %reduce_min3A_658 = arith.constant -2147483648 : i32
      %reduce_min3A_659 = vector.broadcast %reduce_min3A_658 : i32 to vector<16xi32>
      %reduce_min3A_660 = arith.xori %select_n3A_632, %reduce_min3A_659 : vector<16xi32>
      %reduce_min3A_661 = tpu.scan <min>, %reduce_min3A_660 masked %reduce_min3A_657 : vector<16xi32>, vector<16xi1> -> vector<16xi32>
      %reduce_min3A_662 = arith.xori %reduce_min3A_661, %reduce_min3A_659 : vector<16xi32>
      %reduce_min3A_663 = vector.extract %reduce_min3A_662[15] : i32 from vector<16xi32>
      %mul3A_664 = arith.constant 2 : i32
      %mul3A_665 = arith.muli %mul3A_664, %reduce_min3A_639 : i32
      %get3A_666 = arith.index_cast %mul3A_665 : i32 to index
      %get3A_667 = tpu.vector_load %arg7[%get3A_666] {strides = array<i32>} : memref<528xf32, #tpu.memory_space<vmem>>, vector<16xf32>,
      %add3A_668 = arith.constant 256 : i32
      %add3A_669 = arith.addi %add3A_668, %mul3A_78 : i32
      %add3A_670 = arith.constant 0 : i32
      %add3A_671 = arith.addi %add3A_669, %add3A_670 : i32
      %mul3A_672 = arith.constant 2 : i32
      %mul3A_673 = arith.muli %add3A_671, %mul3A_672 : i32
      %add3A_674 = vector.broadcast %mul3A_673 : i32 to vector<16xi32>
      %add3A_675 = arith.addi %iota3A, %add3A_674 : vector<16xi32>
      tpu.vector_store_idx %arg8[%add3A_675], %get3A_667 masked %lt3A_10 : memref<1024xf32, #tpu.memory_space<vmem>>[vector<16xi32>], vector<16xf32>, vector<16xi1>
      %mul3A_676 = arith.constant 2 : i32
      %mul3A_677 = arith.muli %mul3A_676, %reduce_min3A_647 : i32
      %get3A_678 = arith.index_cast %mul3A_677 : i32 to index
      %get3A_679 = tpu.vector_load %arg7[%get3A_678] {strides = array<i32>} : memref<528xf32, #tpu.memory_space<vmem>>, vector<16xf32>,
      %add3A_680 = arith.constant 256 : i32
      %add3A_681 = arith.addi %add3A_680, %mul3A_78 : i32
      %add3A_682 = arith.constant 1 : i32
      %add3A_683 = arith.addi %add3A_681, %add3A_682 : i32
      %mul3A_684 = arith.constant 2 : i32
      %mul3A_685 = arith.muli %add3A_683, %mul3A_684 : i32
      %add3A_686 = vector.broadcast %mul3A_685 : i32 to vector<16xi32>
      %add3A_687 = arith.addi %iota3A, %add3A_686 : vector<16xi32>
      tpu.vector_store_idx %arg8[%add3A_687], %get3A_679 masked %lt3A_10 : memref<1024xf32, #tpu.memory_space<vmem>>[vector<16xi32>], vector<16xf32>, vector<16xi1>
      %mul3A_688 = arith.constant 2 : i32
      %mul3A_689 = arith.muli %mul3A_688, %reduce_min3A_655 : i32
      %get3A_690 = arith.index_cast %mul3A_689 : i32 to index
      %get3A_691 = tpu.vector_load %arg7[%get3A_690] {strides = array<i32>} : memref<528xf32, #tpu.memory_space<vmem>>, vector<16xf32>,
      %add3A_692 = arith.constant 256 : i32
      %add3A_693 = arith.addi %add3A_692, %mul3A_78 : i32
      %add3A_694 = arith.constant 2 : i32
      %add3A_695 = arith.addi %add3A_693, %add3A_694 : i32
      %mul3A_696 = arith.constant 2 : i32
      %mul3A_697 = arith.muli %add3A_695, %mul3A_696 : i32
      %add3A_698 = vector.broadcast %mul3A_697 : i32 to vector<16xi32>
      %add3A_699 = arith.addi %iota3A, %add3A_698 : vector<16xi32>
      tpu.vector_store_idx %arg8[%add3A_699], %get3A_691 masked %lt3A_10 : memref<1024xf32, #tpu.memory_space<vmem>>[vector<16xi32>], vector<16xf32>, vector<16xi1>
      %mul3A_700 = arith.constant 2 : i32
      %mul3A_701 = arith.muli %mul3A_700, %reduce_min3A_663 : i32
      %get3A_702 = arith.index_cast %mul3A_701 : i32 to index
      %get3A_703 = tpu.vector_load %arg7[%get3A_702] {strides = array<i32>} : memref<528xf32, #tpu.memory_space<vmem>>, vector<16xf32>,
      %add3A_704 = arith.constant 256 : i32
      %add3A_705 = arith.addi %add3A_704, %mul3A_78 : i32
      %add3A_706 = arith.constant 3 : i32
      %add3A_707 = arith.addi %add3A_705, %add3A_706 : i32
      %mul3A_708 = arith.constant 2 : i32
      %mul3A_709 = arith.muli %add3A_707, %mul3A_708 : i32
      %add3A_710 = vector.broadcast %mul3A_709 : i32 to vector<16xi32>
      %add3A_711 = arith.addi %iota3A, %add3A_710 : vector<16xi32>
      tpu.vector_store_idx %arg8[%add3A_711], %get3A_703 masked %lt3A_10 : memref<1024xf32, #tpu.memory_space<vmem>>[vector<16xi32>], vector<16xf32>, vector<16xi1>
      %scan3A_712 = arith.constant 0 : i32
      scf.yield %scan3A_712 : i32
    }
    %scan3A_59 = arith.constant 32 : i32
    %dma_wait3A_60 = arith.constant 0 : i32
    %dma_wait3A_61 = tpu.memref_slice %arg2[%add3A_44, %dma_wait3A_60] : memref<16384x256xf32, #tpu.memory_space<hbm>> -> memref<128x256xf32, #tpu.memory_space<hbm>>
    %dma_wait3A_62 = arith.constant 0 : i32
    %dma_wait3A_63 = tpu.memref_slice %arg2[%add3A_44, %dma_wait3A_62] : memref<16384x256xf32, #tpu.memory_space<hbm>> -> memref<128x256xf32, #tpu.memory_space<hbm>>
    tpu.wait_dma2 semaphore(%arg10 : memref<!tpu.dma_semaphore, #tpu.memory_space<semaphore_mem>>) src(%dma_wait3A_63 : memref<128x256xf32, #tpu.memory_space<hbm>>) dst(%arg6 : memref<128x256xf32, #tpu.memory_space<vmem>>)
    %scan3A_64 = arith.constant 0 : i32
    %scan3A_65 = arith.constant 0 : i32
    %scan3A_66 = arith.constant 32 : i32
    %scan3A_67 = arith.addi %scan3A_65, %scan3A_66 : i32
    %scan3A_68 = arith.constant 1 : i32
    %scan3A_69 = scf.for %scan3A_75 = %scan3A_65 to %scan3A_67 step %scan3A_68 iter_args(%scan3A_76 = %scan3A_64) -> (i32)  : i32 {
      %mul3A_77 = arith.constant 4 : i32
      %mul3A_78 = arith.muli %scan3A_75, %mul3A_77 : i32
      %add3A_79 = arith.constant 0 : i32
      %add3A_80 = arith.addi %mul3A_78, %add3A_79 : i32
      %get3A = arith.index_cast %add3A_80 : i32 to index
      %get3A_81 = arith.constant 0 : index
      %get3A_82 = tpu.vector_load %arg6[%get3A, %get3A_81] {strides = array<i32>} : memref<128x256xf32, #tpu.memory_space<vmem>>, vector<16xf32>,
      %get3A_83 = arith.index_cast %add3A_80 : i32 to index
      %get3A_84 = arith.constant 16 : index
      %get3A_85 = tpu.vector_load %arg6[%get3A_83, %get3A_84] {strides = array<i32>} : memref<128x256xf32, #tpu.memory_space<vmem>>, vector<16xf32>,
      %get3A_86 = arith.index_cast %add3A_80 : i32 to index
      %get3A_87 = arith.constant 32 : index
      %get3A_88 = tpu.vector_load %arg6[%get3A_86, %get3A_87] {strides = array<i32>} : memref<128x256xf32, #tpu.memory_space<vmem>>, vector<16xf32>,
      %get3A_89 = arith.index_cast %add3A_80 : i32 to index
      %get3A_90 = arith.constant 48 : index
      %get3A_91 = tpu.vector_load %arg6[%get3A_89, %get3A_90] {strides = array<i32>} : memref<128x256xf32, #tpu.memory_space<vmem>>, vector<16xf32>,
      %get3A_92 = arith.index_cast %add3A_80 : i32 to index
      %get3A_93 = arith.constant 64 : index
      %get3A_94 = tpu.vector_load %arg6[%get3A_92, %get3A_93] {strides = array<i32>} : memref<128x256xf32, #tpu.memory_space<vmem>>, vector<16xf32>,
      %get3A_95 = arith.index_cast %add3A_80 : i32 to index
      %get3A_96 = arith.constant 80 : index
      %get3A_97 = tpu.vector_load %arg6[%get3A_95, %get3A_96] {strides = array<i32>} : memref<128x256xf32, #tpu.memory_space<vmem>>, vector<16xf32>,
      %get3A_98 = arith.index_cast %add3A_80 : i32 to index
      %get3A_99 = arith.constant 96 : index
      %get3A_100 = tpu.vector_load %arg6[%get3A_98, %get3A_99] {strides = array<i32>} : memref<128x256xf32, #tpu.memory_space<vmem>>, vector<16xf32>,
      %get3A_101 = arith.index_cast %add3A_80 : i32 to index
      %get3A_102 = arith.constant 112 : index
      %get3A_103 = tpu.vector_load %arg6[%get3A_101, %get3A_102] {strides = array<i32>} : memref<128x256xf32, #tpu.memory_space<vmem>>, vector<16xf32>,
      %get3A_104 = arith.index_cast %add3A_80 : i32 to index
      %get3A_105 = arith.constant 128 : index
      %get3A_106 = tpu.vector_load %arg6[%get3A_104, %get3A_105] {strides = array<i32>} : memref<128x256xf32, #tpu.memory_space<vmem>>, vector<16xf32>,
      %get3A_107 = arith.index_cast %add3A_80 : i32 to index
      %get3A_108 = arith.constant 144 : index
      %get3A_109 = tpu.vector_load %arg6[%get3A_107, %get3A_108] {strides = array<i32>} : memref<128x256xf32, #tpu.memory_space<vmem>>, vector<16xf32>,
      %get3A_110 = arith.index_cast %add3A_80 : i32 to index
      %get3A_111 = arith.constant 160 : index
      %get3A_112 = tpu.vector_load %arg6[%get3A_110, %get3A_111] {strides = array<i32>} : memref<128x256xf32, #tpu.memory_space<vmem>>, vector<16xf32>,
      %get3A_113 = arith.index_cast %add3A_80 : i32 to index
      %get3A_114 = arith.constant 176 : index
      %get3A_115 = tpu.vector_load %arg6[%get3A_113, %get3A_114] {strides = array<i32>} : memref<128x256xf32, #tpu.memory_space<vmem>>, vector<16xf32>,
      %get3A_116 = arith.index_cast %add3A_80 : i32 to index
      %get3A_117 = arith.constant 192 : index
      %get3A_118 = tpu.vector_load %arg6[%get3A_116, %get3A_117] {strides = array<i32>} : memref<128x256xf32, #tpu.memory_space<vmem>>, vector<16xf32>,
      %get3A_119 = arith.index_cast %add3A_80 : i32 to index
      %get3A_120 = arith.constant 208 : index
      %get3A_121 = tpu.vector_load %arg6[%get3A_119, %get3A_120] {strides = array<i32>} : memref<128x256xf32, #tpu.memory_space<vmem>>, vector<16xf32>,
      %get3A_122 = arith.index_cast %add3A_80 : i32 to index
      %get3A_123 = arith.constant 224 : index
      %get3A_124 = tpu.vector_load %arg6[%get3A_122, %get3A_123] {strides = array<i32>} : memref<128x256xf32, #tpu.memory_space<vmem>>, vector<16xf32>,
      %get3A_125 = arith.index_cast %add3A_80 : i32 to index
      %get3A_126 = arith.constant 240 : index
      %get3A_127 = tpu.vector_load %arg6[%get3A_125, %get3A_126] {strides = array<i32>} : memref<128x256xf32, #tpu.memory_space<vmem>>, vector<16xf32>,
      %gt3A = arith.cmpf ogt, %get3A_85, %get3A_82 : vector<16xf32>
      %select_n3A = arith.select %gt3A, %get3A_85, %get3A_82 : vector<16xi1>, vector<16xf32>
      %jit3A = arith.constant 1 : i32
      %jit3A_128 = arith.constant 0 : i32
      %broadcast_in_dim3A_129 = vector.broadcast %jit3A : i32 to vector<16xi32>
      %broadcast_in_dim3A_130 = vector.broadcast %jit3A_128 : i32 to vector<16xi32>
      %select_n3A_131 = arith.select %gt3A, %broadcast_in_dim3A_129, %broadcast_in_dim3A_130 : vector<16xi1>, vector<16xi32>
      %gt3A_132 = arith.cmpf ogt, %get3A_91, %get3A_88 : vector<16xf32>
      %select_n3A_133 = arith.select %gt3A_132, %get3A_91, %get3A_88 : vector<16xi1>, vector<16xf32>
      %jit3A_134 = arith.constant 3 : i32
      %jit3A_135 = arith.constant 2 : i32
      %broadcast_in_dim3A_136 = vector.broadcast %jit3A_134 : i32 to vector<16xi32>
      %broadcast_in_dim3A_137 = vector.broadcast %jit3A_135 : i32 to vector<16xi32>
      %select_n3A_138 = arith.select %gt3A_132, %broadcast_in_dim3A_136, %broadcast_in_dim3A_137 : vector<16xi1>, vector<16xi32>
      %gt3A_139 = arith.cmpf ogt, %get3A_97, %get3A_94 : vector<16xf32>
      %select_n3A_140 = arith.select %gt3A_139, %get3A_97, %get3A_94 : vector<16xi1>, vector<16xf32>
      %jit3A_141 = arith.constant 5 : i32
      %jit3A_142 = arith.constant 4 : i32
      %broadcast_in_dim3A_143 = vector.broadcast %jit3A_141 : i32 to vector<16xi32>
      %broadcast_in_dim3A_144 = vector.broadcast %jit3A_142 : i32 to vector<16xi32>
      %select_n3A_145 = arith.select %gt3A_139, %broadcast_in_dim3A_143, %broadcast_in_dim3A_144 : vector<16xi1>, vector<16xi32>
      %gt3A_146 = arith.cmpf ogt, %get3A_103, %get3A_100 : vector<16xf32>
      %select_n3A_147 = arith.select %gt3A_146, %get3A_103, %get3A_100 : vector<16xi1>, vector<16xf32>
      %jit3A_148 = arith.constant 7 : i32
      %jit3A_149 = arith.constant 6 : i32
      %broadcast_in_dim3A_150 = vector.broadcast %jit3A_148 : i32 to vector<16xi32>
      %broadcast_in_dim3A_151 = vector.broadcast %jit3A_149 : i32 to vector<16xi32>
      %select_n3A_152 = arith.select %gt3A_146, %broadcast_in_dim3A_150, %broadcast_in_dim3A_151 : vector<16xi1>, vector<16xi32>
      %gt3A_153 = arith.cmpf ogt, %get3A_109, %get3A_106 : vector<16xf32>
      %select_n3A_154 = arith.select %gt3A_153, %get3A_109, %get3A_106 : vector<16xi1>, vector<16xf32>
      %jit3A_155 = arith.constant 9 : i32
      %jit3A_156 = arith.constant 8 : i32
      %broadcast_in_dim3A_157 = vector.broadcast %jit3A_155 : i32 to vector<16xi32>
      %broadcast_in_dim3A_158 = vector.broadcast %jit3A_156 : i32 to vector<16xi32>
      %select_n3A_159 = arith.select %gt3A_153, %broadcast_in_dim3A_157, %broadcast_in_dim3A_158 : vector<16xi1>, vector<16xi32>
      %gt3A_160 = arith.cmpf ogt, %get3A_115, %get3A_112 : vector<16xf32>
      %select_n3A_161 = arith.select %gt3A_160, %get3A_115, %get3A_112 : vector<16xi1>, vector<16xf32>
      %jit3A_162 = arith.constant 11 : i32
      %jit3A_163 = arith.constant 10 : i32
      %broadcast_in_dim3A_164 = vector.broadcast %jit3A_162 : i32 to vector<16xi32>
      %broadcast_in_dim3A_165 = vector.broadcast %jit3A_163 : i32 to vector<16xi32>
      %select_n3A_166 = arith.select %gt3A_160, %broadcast_in_dim3A_164, %broadcast_in_dim3A_165 : vector<16xi1>, vector<16xi32>
      %gt3A_167 = arith.cmpf ogt, %get3A_121, %get3A_118 : vector<16xf32>
      %select_n3A_168 = arith.select %gt3A_167, %get3A_121, %get3A_118 : vector<16xi1>, vector<16xf32>
      %jit3A_169 = arith.constant 13 : i32
      %jit3A_170 = arith.constant 12 : i32
      %broadcast_in_dim3A_171 = vector.broadcast %jit3A_169 : i32 to vector<16xi32>
      %broadcast_in_dim3A_172 = vector.broadcast %jit3A_170 : i32 to vector<16xi32>
      %select_n3A_173 = arith.select %gt3A_167, %broadcast_in_dim3A_171, %broadcast_in_dim3A_172 : vector<16xi1>, vector<16xi32>
      %gt3A_174 = arith.cmpf ogt, %get3A_127, %get3A_124 : vector<16xf32>
      %select_n3A_175 = arith.select %gt3A_174, %get3A_127, %get3A_124 : vector<16xi1>, vector<16xf32>
      %jit3A_176 = arith.constant 15 : i32
      %jit3A_177 = arith.constant 14 : i32
      %broadcast_in_dim3A_178 = vector.broadcast %jit3A_176 : i32 to vector<16xi32>
      %broadcast_in_dim3A_179 = vector.broadcast %jit3A_177 : i32 to vector<16xi32>
      %select_n3A_180 = arith.select %gt3A_174, %broadcast_in_dim3A_178, %broadcast_in_dim3A_179 : vector<16xi1>, vector<16xi32>
      %gt3A_181 = arith.cmpf ogt, %select_n3A_133, %select_n3A : vector<16xf32>
      %select_n3A_182 = arith.select %gt3A_181, %select_n3A_133, %select_n3A : vector<16xi1>, vector<16xf32>
      %select_n3A_183 = arith.select %gt3A_181, %select_n3A_138, %select_n3A_131 : vector<16xi1>, vector<16xi32>
      %gt3A_184 = arith.cmpf ogt, %select_n3A_147, %select_n3A_140 : vector<16xf32>
      %select_n3A_185 = arith.select %gt3A_184, %select_n3A_147, %select_n3A_140 : vector<16xi1>, vector<16xf32>
      %select_n3A_186 = arith.select %gt3A_184, %select_n3A_152, %select_n3A_145 : vector<16xi1>, vector<16xi32>
      %gt3A_187 = arith.cmpf ogt, %select_n3A_161, %select_n3A_154 : vector<16xf32>
      %select_n3A_188 = arith.select %gt3A_187, %select_n3A_161, %select_n3A_154 : vector<16xi1>, vector<16xf32>
      %select_n3A_189 = arith.select %gt3A_187, %select_n3A_166, %select_n3A_159 : vector<16xi1>, vector<16xi32>
      %gt3A_190 = arith.cmpf ogt, %select_n3A_175, %select_n3A_168 : vector<16xf32>
      %select_n3A_191 = arith.select %gt3A_190, %select_n3A_175, %select_n3A_168 : vector<16xi1>, vector<16xf32>
      %select_n3A_192 = arith.select %gt3A_190, %select_n3A_180, %select_n3A_173 : vector<16xi1>, vector<16xi32>
      %gt3A_193 = arith.cmpf ogt, %select_n3A_185, %select_n3A_182 : vector<16xf32>
      %select_n3A_194 = arith.select %gt3A_193, %select_n3A_185, %select_n3A_182 : vector<16xi1>, vector<16xf32>
      %select_n3A_195 = arith.select %gt3A_193, %select_n3A_186, %select_n3A_183 : vector<16xi1>, vector<16xi32>
      %gt3A_196 = arith.cmpf ogt, %select_n3A_191, %select_n3A_188 : vector<16xf32>
      %select_n3A_197 = arith.select %gt3A_196, %select_n3A_191, %select_n3A_188 : vector<16xi1>, vector<16xf32>
      %select_n3A_198 = arith.select %gt3A_196, %select_n3A_192, %select_n3A_189 : vector<16xi1>, vector<16xi32>
      %gt3A_199 = arith.cmpf ogt, %select_n3A_197, %select_n3A_194 : vector<16xf32>
      %select_n3A_200 = arith.select %gt3A_199, %select_n3A_197, %select_n3A_194 : vector<16xi1>, vector<16xf32>
      %select_n3A_201 = arith.select %gt3A_199, %select_n3A_198, %select_n3A_195 : vector<16xi1>, vector<16xi32>
      %add3A_202 = arith.constant 1 : i32
      %add3A_203 = arith.addi %mul3A_78, %add3A_202 : i32
      %get3A_204 = arith.index_cast %add3A_203 : i32 to index
      %get3A_205 = arith.constant 0 : index
      %get3A_206 = tpu.vector_load %arg6[%get3A_204, %get3A_205] {strides = array<i32>} : memref<128x256xf32, #tpu.memory_space<vmem>>, vector<16xf32>,
      %get3A_207 = arith.index_cast %add3A_203 : i32 to index
      %get3A_208 = arith.constant 16 : index
      %get3A_209 = tpu.vector_load %arg6[%get3A_207, %get3A_208] {strides = array<i32>} : memref<128x256xf32, #tpu.memory_space<vmem>>, vector<16xf32>,
      %get3A_210 = arith.index_cast %add3A_203 : i32 to index
      %get3A_211 = arith.constant 32 : index
      %get3A_212 = tpu.vector_load %arg6[%get3A_210, %get3A_211] {strides = array<i32>} : memref<128x256xf32, #tpu.memory_space<vmem>>, vector<16xf32>,
      %get3A_213 = arith.index_cast %add3A_203 : i32 to index
      %get3A_214 = arith.constant 48 : index
      %get3A_215 = tpu.vector_load %arg6[%get3A_213, %get3A_214] {strides = array<i32>} : memref<128x256xf32, #tpu.memory_space<vmem>>, vector<16xf32>,
      %get3A_216 = arith.index_cast %add3A_203 : i32 to index
      %get3A_217 = arith.constant 64 : index
      %get3A_218 = tpu.vector_load %arg6[%get3A_216, %get3A_217] {strides = array<i32>} : memref<128x256xf32, #tpu.memory_space<vmem>>, vector<16xf32>,
      %get3A_219 = arith.index_cast %add3A_203 : i32 to index
      %get3A_220 = arith.constant 80 : index
      %get3A_221 = tpu.vector_load %arg6[%get3A_219, %get3A_220] {strides = array<i32>} : memref<128x256xf32, #tpu.memory_space<vmem>>, vector<16xf32>,
      %get3A_222 = arith.index_cast %add3A_203 : i32 to index
      %get3A_223 = arith.constant 96 : index
      %get3A_224 = tpu.vector_load %arg6[%get3A_222, %get3A_223] {strides = array<i32>} : memref<128x256xf32, #tpu.memory_space<vmem>>, vector<16xf32>,
      %get3A_225 = arith.index_cast %add3A_203 : i32 to index
      %get3A_226 = arith.constant 112 : index
      %get3A_227 = tpu.vector_load %arg6[%get3A_225, %get3A_226] {strides = array<i32>} : memref<128x256xf32, #tpu.memory_space<vmem>>, vector<16xf32>,
      %get3A_228 = arith.index_cast %add3A_203 : i32 to index
      %get3A_229 = arith.constant 128 : index
      %get3A_230 = tpu.vector_load %arg6[%get3A_228, %get3A_229] {strides = array<i32>} : memref<128x256xf32, #tpu.memory_space<vmem>>, vector<16xf32>,
      %get3A_231 = arith.index_cast %add3A_203 : i32 to index
      %get3A_232 = arith.constant 144 : index
      %get3A_233 = tpu.vector_load %arg6[%get3A_231, %get3A_232] {strides = array<i32>} : memref<128x256xf32, #tpu.memory_space<vmem>>, vector<16xf32>,
      %get3A_234 = arith.index_cast %add3A_203 : i32 to index
      %get3A_235 = arith.constant 160 : index
      %get3A_236 = tpu.vector_load %arg6[%get3A_234, %get3A_235] {strides = array<i32>} : memref<128x256xf32, #tpu.memory_space<vmem>>, vector<16xf32>,
      %get3A_237 = arith.index_cast %add3A_203 : i32 to index
      %get3A_238 = arith.constant 176 : index
      %get3A_239 = tpu.vector_load %arg6[%get3A_237, %get3A_238] {strides = array<i32>} : memref<128x256xf32, #tpu.memory_space<vmem>>, vector<16xf32>,
      %get3A_240 = arith.index_cast %add3A_203 : i32 to index
      %get3A_241 = arith.constant 192 : index
      %get3A_242 = tpu.vector_load %arg6[%get3A_240, %get3A_241] {strides = array<i32>} : memref<128x256xf32, #tpu.memory_space<vmem>>, vector<16xf32>,
      %get3A_243 = arith.index_cast %add3A_203 : i32 to index
      %get3A_244 = arith.constant 208 : index
      %get3A_245 = tpu.vector_load %arg6[%get3A_243, %get3A_244] {strides = array<i32>} : memref<128x256xf32, #tpu.memory_space<vmem>>, vector<16xf32>,
      %get3A_246 = arith.index_cast %add3A_203 : i32 to index
      %get3A_247 = arith.constant 224 : index
      %get3A_248 = tpu.vector_load %arg6[%get3A_246, %get3A_247] {strides = array<i32>} : memref<128x256xf32, #tpu.memory_space<vmem>>, vector<16xf32>,
      %get3A_249 = arith.index_cast %add3A_203 : i32 to index
      %get3A_250 = arith.constant 240 : index
      %get3A_251 = tpu.vector_load %arg6[%get3A_249, %get3A_250] {strides = array<i32>} : memref<128x256xf32, #tpu.memory_space<vmem>>, vector<16xf32>,
      %gt3A_252 = arith.cmpf ogt, %get3A_209, %get3A_206 : vector<16xf32>
      %select_n3A_253 = arith.select %gt3A_252, %get3A_209, %get3A_206 : vector<16xi1>, vector<16xf32>
      %jit3A_254 = arith.constant 1 : i32
      %jit3A_255 = arith.constant 0 : i32
      %broadcast_in_dim3A_256 = vector.broadcast %jit3A_254 : i32 to vector<16xi32>
      %broadcast_in_dim3A_257 = vector.broadcast %jit3A_255 : i32 to vector<16xi32>
      %select_n3A_258 = arith.select %gt3A_252, %broadcast_in_dim3A_256, %broadcast_in_dim3A_257 : vector<16xi1>, vector<16xi32>
      %gt3A_259 = arith.cmpf ogt, %get3A_215, %get3A_212 : vector<16xf32>
      %select_n3A_260 = arith.select %gt3A_259, %get3A_215, %get3A_212 : vector<16xi1>, vector<16xf32>
      %jit3A_261 = arith.constant 3 : i32
      %jit3A_262 = arith.constant 2 : i32
      %broadcast_in_dim3A_263 = vector.broadcast %jit3A_261 : i32 to vector<16xi32>
      %broadcast_in_dim3A_264 = vector.broadcast %jit3A_262 : i32 to vector<16xi32>
      %select_n3A_265 = arith.select %gt3A_259, %broadcast_in_dim3A_263, %broadcast_in_dim3A_264 : vector<16xi1>, vector<16xi32>
      %gt3A_266 = arith.cmpf ogt, %get3A_221, %get3A_218 : vector<16xf32>
      %select_n3A_267 = arith.select %gt3A_266, %get3A_221, %get3A_218 : vector<16xi1>, vector<16xf32>
      %jit3A_268 = arith.constant 5 : i32
      %jit3A_269 = arith.constant 4 : i32
      %broadcast_in_dim3A_270 = vector.broadcast %jit3A_268 : i32 to vector<16xi32>
      %broadcast_in_dim3A_271 = vector.broadcast %jit3A_269 : i32 to vector<16xi32>
      %select_n3A_272 = arith.select %gt3A_266, %broadcast_in_dim3A_270, %broadcast_in_dim3A_271 : vector<16xi1>, vector<16xi32>
      %gt3A_273 = arith.cmpf ogt, %get3A_227, %get3A_224 : vector<16xf32>
      %select_n3A_274 = arith.select %gt3A_273, %get3A_227, %get3A_224 : vector<16xi1>, vector<16xf32>
      %jit3A_275 = arith.constant 7 : i32
      %jit3A_276 = arith.constant 6 : i32
      %broadcast_in_dim3A_277 = vector.broadcast %jit3A_275 : i32 to vector<16xi32>
      %broadcast_in_dim3A_278 = vector.broadcast %jit3A_276 : i32 to vector<16xi32>
      %select_n3A_279 = arith.select %gt3A_273, %broadcast_in_dim3A_277, %broadcast_in_dim3A_278 : vector<16xi1>, vector<16xi32>
      %gt3A_280 = arith.cmpf ogt, %get3A_233, %get3A_230 : vector<16xf32>
      %select_n3A_281 = arith.select %gt3A_280, %get3A_233, %get3A_230 : vector<16xi1>, vector<16xf32>
      %jit3A_282 = arith.constant 9 : i32
      %jit3A_283 = arith.constant 8 : i32
      %broadcast_in_dim3A_284 = vector.broadcast %jit3A_282 : i32 to vector<16xi32>
      %broadcast_in_dim3A_285 = vector.broadcast %jit3A_283 : i32 to vector<16xi32>
      %select_n3A_286 = arith.select %gt3A_280, %broadcast_in_dim3A_284, %broadcast_in_dim3A_285 : vector<16xi1>, vector<16xi32>
      %gt3A_287 = arith.cmpf ogt, %get3A_239, %get3A_236 : vector<16xf32>
      %select_n3A_288 = arith.select %gt3A_287, %get3A_239, %get3A_236 : vector<16xi1>, vector<16xf32>
      %jit3A_289 = arith.constant 11 : i32
      %jit3A_290 = arith.constant 10 : i32
      %broadcast_in_dim3A_291 = vector.broadcast %jit3A_289 : i32 to vector<16xi32>
      %broadcast_in_dim3A_292 = vector.broadcast %jit3A_290 : i32 to vector<16xi32>
      %select_n3A_293 = arith.select %gt3A_287, %broadcast_in_dim3A_291, %broadcast_in_dim3A_292 : vector<16xi1>, vector<16xi32>
      %gt3A_294 = arith.cmpf ogt, %get3A_245, %get3A_242 : vector<16xf32>
      %select_n3A_295 = arith.select %gt3A_294, %get3A_245, %get3A_242 : vector<16xi1>, vector<16xf32>
      %jit3A_296 = arith.constant 13 : i32
      %jit3A_297 = arith.constant 12 : i32
      %broadcast_in_dim3A_298 = vector.broadcast %jit3A_296 : i32 to vector<16xi32>
      %broadcast_in_dim3A_299 = vector.broadcast %jit3A_297 : i32 to vector<16xi32>
      %select_n3A_300 = arith.select %gt3A_294, %broadcast_in_dim3A_298, %broadcast_in_dim3A_299 : vector<16xi1>, vector<16xi32>
      %gt3A_301 = arith.cmpf ogt, %get3A_251, %get3A_248 : vector<16xf32>
      %select_n3A_302 = arith.select %gt3A_301, %get3A_251, %get3A_248 : vector<16xi1>, vector<16xf32>
      %jit3A_303 = arith.constant 15 : i32
      %jit3A_304 = arith.constant 14 : i32
      %broadcast_in_dim3A_305 = vector.broadcast %jit3A_303 : i32 to vector<16xi32>
      %broadcast_in_dim3A_306 = vector.broadcast %jit3A_304 : i32 to vector<16xi32>
      %select_n3A_307 = arith.select %gt3A_301, %broadcast_in_dim3A_305, %broadcast_in_dim3A_306 : vector<16xi1>, vector<16xi32>
      %gt3A_308 = arith.cmpf ogt, %select_n3A_260, %select_n3A_253 : vector<16xf32>
      %select_n3A_309 = arith.select %gt3A_308, %select_n3A_260, %select_n3A_253 : vector<16xi1>, vector<16xf32>
      %select_n3A_310 = arith.select %gt3A_308, %select_n3A_265, %select_n3A_258 : vector<16xi1>, vector<16xi32>
      %gt3A_311 = arith.cmpf ogt, %select_n3A_274, %select_n3A_267 : vector<16xf32>
      %select_n3A_312 = arith.select %gt3A_311, %select_n3A_274, %select_n3A_267 : vector<16xi1>, vector<16xf32>
      %select_n3A_313 = arith.select %gt3A_311, %select_n3A_279, %select_n3A_272 : vector<16xi1>, vector<16xi32>
      %gt3A_314 = arith.cmpf ogt, %select_n3A_288, %select_n3A_281 : vector<16xf32>
      %select_n3A_315 = arith.select %gt3A_314, %select_n3A_288, %select_n3A_281 : vector<16xi1>, vector<16xf32>
      %select_n3A_316 = arith.select %gt3A_314, %select_n3A_293, %select_n3A_286 : vector<16xi1>, vector<16xi32>
      %gt3A_317 = arith.cmpf ogt, %select_n3A_302, %select_n3A_295 : vector<16xf32>
      %select_n3A_318 = arith.select %gt3A_317, %select_n3A_302, %select_n3A_295 : vector<16xi1>, vector<16xf32>
      %select_n3A_319 = arith.select %gt3A_317, %select_n3A_307, %select_n3A_300 : vector<16xi1>, vector<16xi32>
      %gt3A_320 = arith.cmpf ogt, %select_n3A_312, %select_n3A_309 : vector<16xf32>
      %select_n3A_321 = arith.select %gt3A_320, %select_n3A_312, %select_n3A_309 : vector<16xi1>, vector<16xf32>
      %select_n3A_322 = arith.select %gt3A_320, %select_n3A_313, %select_n3A_310 : vector<16xi1>, vector<16xi32>
      %gt3A_323 = arith.cmpf ogt, %select_n3A_318, %select_n3A_315 : vector<16xf32>
      %select_n3A_324 = arith.select %gt3A_323, %select_n3A_318, %select_n3A_315 : vector<16xi1>, vector<16xf32>
      %select_n3A_325 = arith.select %gt3A_323, %select_n3A_319, %select_n3A_316 : vector<16xi1>, vector<16xi32>
      %gt3A_326 = arith.cmpf ogt, %select_n3A_324, %select_n3A_321 : vector<16xf32>
      %select_n3A_327 = arith.select %gt3A_326, %select_n3A_324, %select_n3A_321 : vector<16xi1>, vector<16xf32>
      %select_n3A_328 = arith.select %gt3A_326, %select_n3A_325, %select_n3A_322 : vector<16xi1>, vector<16xi32>
      %add3A_329 = arith.constant 2 : i32
      %add3A_330 = arith.addi %mul3A_78, %add3A_329 : i32
      %get3A_331 = arith.index_cast %add3A_330 : i32 to index
      %get3A_332 = arith.constant 0 : index
      %get3A_333 = tpu.vector_load %arg6[%get3A_331, %get3A_332] {strides = array<i32>} : memref<128x256xf32, #tpu.memory_space<vmem>>, vector<16xf32>,
      %get3A_334 = arith.index_cast %add3A_330 : i32 to index
      %get3A_335 = arith.constant 16 : index
      %get3A_336 = tpu.vector_load %arg6[%get3A_334, %get3A_335] {strides = array<i32>} : memref<128x256xf32, #tpu.memory_space<vmem>>, vector<16xf32>,
      %get3A_337 = arith.index_cast %add3A_330 : i32 to index
      %get3A_338 = arith.constant 32 : index
      %get3A_339 = tpu.vector_load %arg6[%get3A_337, %get3A_338] {strides = array<i32>} : memref<128x256xf32, #tpu.memory_space<vmem>>, vector<16xf32>,
      %get3A_340 = arith.index_cast %add3A_330 : i32 to index
      %get3A_341 = arith.constant 48 : index
      %get3A_342 = tpu.vector_load %arg6[%get3A_340, %get3A_341] {strides = array<i32>} : memref<128x256xf32, #tpu.memory_space<vmem>>, vector<16xf32>,
      %get3A_343 = arith.index_cast %add3A_330 : i32 to index
      %get3A_344 = arith.constant 64 : index
      %get3A_345 = tpu.vector_load %arg6[%get3A_343, %get3A_344] {strides = array<i32>} : memref<128x256xf32, #tpu.memory_space<vmem>>, vector<16xf32>,
      %get3A_346 = arith.index_cast %add3A_330 : i32 to index
      %get3A_347 = arith.constant 80 : index
      %get3A_348 = tpu.vector_load %arg6[%get3A_346, %get3A_347] {strides = array<i32>} : memref<128x256xf32, #tpu.memory_space<vmem>>, vector<16xf32>,
      %get3A_349 = arith.index_cast %add3A_330 : i32 to index
      %get3A_350 = arith.constant 96 : index
      %get3A_351 = tpu.vector_load %arg6[%get3A_349, %get3A_350] {strides = array<i32>} : memref<128x256xf32, #tpu.memory_space<vmem>>, vector<16xf32>,
      %get3A_352 = arith.index_cast %add3A_330 : i32 to index
      %get3A_353 = arith.constant 112 : index
      %get3A_354 = tpu.vector_load %arg6[%get3A_352, %get3A_353] {strides = array<i32>} : memref<128x256xf32, #tpu.memory_space<vmem>>, vector<16xf32>,
      %get3A_355 = arith.index_cast %add3A_330 : i32 to index
      %get3A_356 = arith.constant 128 : index
      %get3A_357 = tpu.vector_load %arg6[%get3A_355, %get3A_356] {strides = array<i32>} : memref<128x256xf32, #tpu.memory_space<vmem>>, vector<16xf32>,
      %get3A_358 = arith.index_cast %add3A_330 : i32 to index
      %get3A_359 = arith.constant 144 : index
      %get3A_360 = tpu.vector_load %arg6[%get3A_358, %get3A_359] {strides = array<i32>} : memref<128x256xf32, #tpu.memory_space<vmem>>, vector<16xf32>,
      %get3A_361 = arith.index_cast %add3A_330 : i32 to index
      %get3A_362 = arith.constant 160 : index
      %get3A_363 = tpu.vector_load %arg6[%get3A_361, %get3A_362] {strides = array<i32>} : memref<128x256xf32, #tpu.memory_space<vmem>>, vector<16xf32>,
      %get3A_364 = arith.index_cast %add3A_330 : i32 to index
      %get3A_365 = arith.constant 176 : index
      %get3A_366 = tpu.vector_load %arg6[%get3A_364, %get3A_365] {strides = array<i32>} : memref<128x256xf32, #tpu.memory_space<vmem>>, vector<16xf32>,
      %get3A_367 = arith.index_cast %add3A_330 : i32 to index
      %get3A_368 = arith.constant 192 : index
      %get3A_369 = tpu.vector_load %arg6[%get3A_367, %get3A_368] {strides = array<i32>} : memref<128x256xf32, #tpu.memory_space<vmem>>, vector<16xf32>,
      %get3A_370 = arith.index_cast %add3A_330 : i32 to index
      %get3A_371 = arith.constant 208 : index
      %get3A_372 = tpu.vector_load %arg6[%get3A_370, %get3A_371] {strides = array<i32>} : memref<128x256xf32, #tpu.memory_space<vmem>>, vector<16xf32>,
      %get3A_373 = arith.index_cast %add3A_330 : i32 to index
      %get3A_374 = arith.constant 224 : index
      %get3A_375 = tpu.vector_load %arg6[%get3A_373, %get3A_374] {strides = array<i32>} : memref<128x256xf32, #tpu.memory_space<vmem>>, vector<16xf32>,
      %get3A_376 = arith.index_cast %add3A_330 : i32 to index
      %get3A_377 = arith.constant 240 : index
      %get3A_378 = tpu.vector_load %arg6[%get3A_376, %get3A_377] {strides = array<i32>} : memref<128x256xf32, #tpu.memory_space<vmem>>, vector<16xf32>,
      %gt3A_379 = arith.cmpf ogt, %get3A_336, %get3A_333 : vector<16xf32>
      %select_n3A_380 = arith.select %gt3A_379, %get3A_336, %get3A_333 : vector<16xi1>, vector<16xf32>
      %jit3A_381 = arith.constant 1 : i32
      %jit3A_382 = arith.constant 0 : i32
      %broadcast_in_dim3A_383 = vector.broadcast %jit3A_381 : i32 to vector<16xi32>
      %broadcast_in_dim3A_384 = vector.broadcast %jit3A_382 : i32 to vector<16xi32>
      %select_n3A_385 = arith.select %gt3A_379, %broadcast_in_dim3A_383, %broadcast_in_dim3A_384 : vector<16xi1>, vector<16xi32>
      %gt3A_386 = arith.cmpf ogt, %get3A_342, %get3A_339 : vector<16xf32>
      %select_n3A_387 = arith.select %gt3A_386, %get3A_342, %get3A_339 : vector<16xi1>, vector<16xf32>
      %jit3A_388 = arith.constant 3 : i32
      %jit3A_389 = arith.constant 2 : i32
      %broadcast_in_dim3A_390 = vector.broadcast %jit3A_388 : i32 to vector<16xi32>
      %broadcast_in_dim3A_391 = vector.broadcast %jit3A_389 : i32 to vector<16xi32>
      %select_n3A_392 = arith.select %gt3A_386, %broadcast_in_dim3A_390, %broadcast_in_dim3A_391 : vector<16xi1>, vector<16xi32>
      %gt3A_393 = arith.cmpf ogt, %get3A_348, %get3A_345 : vector<16xf32>
      %select_n3A_394 = arith.select %gt3A_393, %get3A_348, %get3A_345 : vector<16xi1>, vector<16xf32>
      %jit3A_395 = arith.constant 5 : i32
      %jit3A_396 = arith.constant 4 : i32
      %broadcast_in_dim3A_397 = vector.broadcast %jit3A_395 : i32 to vector<16xi32>
      %broadcast_in_dim3A_398 = vector.broadcast %jit3A_396 : i32 to vector<16xi32>
      %select_n3A_399 = arith.select %gt3A_393, %broadcast_in_dim3A_397, %broadcast_in_dim3A_398 : vector<16xi1>, vector<16xi32>
      %gt3A_400 = arith.cmpf ogt, %get3A_354, %get3A_351 : vector<16xf32>
      %select_n3A_401 = arith.select %gt3A_400, %get3A_354, %get3A_351 : vector<16xi1>, vector<16xf32>
      %jit3A_402 = arith.constant 7 : i32
      %jit3A_403 = arith.constant 6 : i32
      %broadcast_in_dim3A_404 = vector.broadcast %jit3A_402 : i32 to vector<16xi32>
      %broadcast_in_dim3A_405 = vector.broadcast %jit3A_403 : i32 to vector<16xi32>
      %select_n3A_406 = arith.select %gt3A_400, %broadcast_in_dim3A_404, %broadcast_in_dim3A_405 : vector<16xi1>, vector<16xi32>
      %gt3A_407 = arith.cmpf ogt, %get3A_360, %get3A_357 : vector<16xf32>
      %select_n3A_408 = arith.select %gt3A_407, %get3A_360, %get3A_357 : vector<16xi1>, vector<16xf32>
      %jit3A_409 = arith.constant 9 : i32
      %jit3A_410 = arith.constant 8 : i32
      %broadcast_in_dim3A_411 = vector.broadcast %jit3A_409 : i32 to vector<16xi32>
      %broadcast_in_dim3A_412 = vector.broadcast %jit3A_410 : i32 to vector<16xi32>
      %select_n3A_413 = arith.select %gt3A_407, %broadcast_in_dim3A_411, %broadcast_in_dim3A_412 : vector<16xi1>, vector<16xi32>
      %gt3A_414 = arith.cmpf ogt, %get3A_366, %get3A_363 : vector<16xf32>
      %select_n3A_415 = arith.select %gt3A_414, %get3A_366, %get3A_363 : vector<16xi1>, vector<16xf32>
      %jit3A_416 = arith.constant 11 : i32
      %jit3A_417 = arith.constant 10 : i32
      %broadcast_in_dim3A_418 = vector.broadcast %jit3A_416 : i32 to vector<16xi32>
      %broadcast_in_dim3A_419 = vector.broadcast %jit3A_417 : i32 to vector<16xi32>
      %select_n3A_420 = arith.select %gt3A_414, %broadcast_in_dim3A_418, %broadcast_in_dim3A_419 : vector<16xi1>, vector<16xi32>
      %gt3A_421 = arith.cmpf ogt, %get3A_372, %get3A_369 : vector<16xf32>
      %select_n3A_422 = arith.select %gt3A_421, %get3A_372, %get3A_369 : vector<16xi1>, vector<16xf32>
      %jit3A_423 = arith.constant 13 : i32
      %jit3A_424 = arith.constant 12 : i32
      %broadcast_in_dim3A_425 = vector.broadcast %jit3A_423 : i32 to vector<16xi32>
      %broadcast_in_dim3A_426 = vector.broadcast %jit3A_424 : i32 to vector<16xi32>
      %select_n3A_427 = arith.select %gt3A_421, %broadcast_in_dim3A_425, %broadcast_in_dim3A_426 : vector<16xi1>, vector<16xi32>
      %gt3A_428 = arith.cmpf ogt, %get3A_378, %get3A_375 : vector<16xf32>
      %select_n3A_429 = arith.select %gt3A_428, %get3A_378, %get3A_375 : vector<16xi1>, vector<16xf32>
      %jit3A_430 = arith.constant 15 : i32
      %jit3A_431 = arith.constant 14 : i32
      %broadcast_in_dim3A_432 = vector.broadcast %jit3A_430 : i32 to vector<16xi32>
      %broadcast_in_dim3A_433 = vector.broadcast %jit3A_431 : i32 to vector<16xi32>
      %select_n3A_434 = arith.select %gt3A_428, %broadcast_in_dim3A_432, %broadcast_in_dim3A_433 : vector<16xi1>, vector<16xi32>
      %gt3A_435 = arith.cmpf ogt, %select_n3A_387, %select_n3A_380 : vector<16xf32>
      %select_n3A_436 = arith.select %gt3A_435, %select_n3A_387, %select_n3A_380 : vector<16xi1>, vector<16xf32>
      %select_n3A_437 = arith.select %gt3A_435, %select_n3A_392, %select_n3A_385 : vector<16xi1>, vector<16xi32>
      %gt3A_438 = arith.cmpf ogt, %select_n3A_401, %select_n3A_394 : vector<16xf32>
      %select_n3A_439 = arith.select %gt3A_438, %select_n3A_401, %select_n3A_394 : vector<16xi1>, vector<16xf32>
      %select_n3A_440 = arith.select %gt3A_438, %select_n3A_406, %select_n3A_399 : vector<16xi1>, vector<16xi32>
      %gt3A_441 = arith.cmpf ogt, %select_n3A_415, %select_n3A_408 : vector<16xf32>
      %select_n3A_442 = arith.select %gt3A_441, %select_n3A_415, %select_n3A_408 : vector<16xi1>, vector<16xf32>
      %select_n3A_443 = arith.select %gt3A_441, %select_n3A_420, %select_n3A_413 : vector<16xi1>, vector<16xi32>
      %gt3A_444 = arith.cmpf ogt, %select_n3A_429, %select_n3A_422 : vector<16xf32>
      %select_n3A_445 = arith.select %gt3A_444, %select_n3A_429, %select_n3A_422 : vector<16xi1>, vector<16xf32>
      %select_n3A_446 = arith.select %gt3A_444, %select_n3A_434, %select_n3A_427 : vector<16xi1>, vector<16xi32>
      %gt3A_447 = arith.cmpf ogt, %select_n3A_439, %select_n3A_436 : vector<16xf32>
      %select_n3A_448 = arith.select %gt3A_447, %select_n3A_439, %select_n3A_436 : vector<16xi1>, vector<16xf32>
      %select_n3A_449 = arith.select %gt3A_447, %select_n3A_440, %select_n3A_437 : vector<16xi1>, vector<16xi32>
      %gt3A_450 = arith.cmpf ogt, %select_n3A_445, %select_n3A_442 : vector<16xf32>
      %select_n3A_451 = arith.select %gt3A_450, %select_n3A_445, %select_n3A_442 : vector<16xi1>, vector<16xf32>
      %select_n3A_452 = arith.select %gt3A_450, %select_n3A_446, %select_n3A_443 : vector<16xi1>, vector<16xi32>
      %gt3A_453 = arith.cmpf ogt, %select_n3A_451, %select_n3A_448 : vector<16xf32>
      %select_n3A_454 = arith.select %gt3A_453, %select_n3A_451, %select_n3A_448 : vector<16xi1>, vector<16xf32>
      %select_n3A_455 = arith.select %gt3A_453, %select_n3A_452, %select_n3A_449 : vector<16xi1>, vector<16xi32>
      %add3A_456 = arith.constant 3 : i32
      %add3A_457 = arith.addi %mul3A_78, %add3A_456 : i32
      %get3A_458 = arith.index_cast %add3A_457 : i32 to index
      %get3A_459 = arith.constant 0 : index
      %get3A_460 = tpu.vector_load %arg6[%get3A_458, %get3A_459] {strides = array<i32>} : memref<128x256xf32, #tpu.memory_space<vmem>>, vector<16xf32>,
      %get3A_461 = arith.index_cast %add3A_457 : i32 to index
      %get3A_462 = arith.constant 16 : index
      %get3A_463 = tpu.vector_load %arg6[%get3A_461, %get3A_462] {strides = array<i32>} : memref<128x256xf32, #tpu.memory_space<vmem>>, vector<16xf32>,
      %get3A_464 = arith.index_cast %add3A_457 : i32 to index
      %get3A_465 = arith.constant 32 : index
      %get3A_466 = tpu.vector_load %arg6[%get3A_464, %get3A_465] {strides = array<i32>} : memref<128x256xf32, #tpu.memory_space<vmem>>, vector<16xf32>,
      %get3A_467 = arith.index_cast %add3A_457 : i32 to index
      %get3A_468 = arith.constant 48 : index
      %get3A_469 = tpu.vector_load %arg6[%get3A_467, %get3A_468] {strides = array<i32>} : memref<128x256xf32, #tpu.memory_space<vmem>>, vector<16xf32>,
      %get3A_470 = arith.index_cast %add3A_457 : i32 to index
      %get3A_471 = arith.constant 64 : index
      %get3A_472 = tpu.vector_load %arg6[%get3A_470, %get3A_471] {strides = array<i32>} : memref<128x256xf32, #tpu.memory_space<vmem>>, vector<16xf32>,
      %get3A_473 = arith.index_cast %add3A_457 : i32 to index
      %get3A_474 = arith.constant 80 : index
      %get3A_475 = tpu.vector_load %arg6[%get3A_473, %get3A_474] {strides = array<i32>} : memref<128x256xf32, #tpu.memory_space<vmem>>, vector<16xf32>,
      %get3A_476 = arith.index_cast %add3A_457 : i32 to index
      %get3A_477 = arith.constant 96 : index
      %get3A_478 = tpu.vector_load %arg6[%get3A_476, %get3A_477] {strides = array<i32>} : memref<128x256xf32, #tpu.memory_space<vmem>>, vector<16xf32>,
      %get3A_479 = arith.index_cast %add3A_457 : i32 to index
      %get3A_480 = arith.constant 112 : index
      %get3A_481 = tpu.vector_load %arg6[%get3A_479, %get3A_480] {strides = array<i32>} : memref<128x256xf32, #tpu.memory_space<vmem>>, vector<16xf32>,
      %get3A_482 = arith.index_cast %add3A_457 : i32 to index
      %get3A_483 = arith.constant 128 : index
      %get3A_484 = tpu.vector_load %arg6[%get3A_482, %get3A_483] {strides = array<i32>} : memref<128x256xf32, #tpu.memory_space<vmem>>, vector<16xf32>,
      %get3A_485 = arith.index_cast %add3A_457 : i32 to index
      %get3A_486 = arith.constant 144 : index
      %get3A_487 = tpu.vector_load %arg6[%get3A_485, %get3A_486] {strides = array<i32>} : memref<128x256xf32, #tpu.memory_space<vmem>>, vector<16xf32>,
      %get3A_488 = arith.index_cast %add3A_457 : i32 to index
      %get3A_489 = arith.constant 160 : index
      %get3A_490 = tpu.vector_load %arg6[%get3A_488, %get3A_489] {strides = array<i32>} : memref<128x256xf32, #tpu.memory_space<vmem>>, vector<16xf32>,
      %get3A_491 = arith.index_cast %add3A_457 : i32 to index
      %get3A_492 = arith.constant 176 : index
      %get3A_493 = tpu.vector_load %arg6[%get3A_491, %get3A_492] {strides = array<i32>} : memref<128x256xf32, #tpu.memory_space<vmem>>, vector<16xf32>,
      %get3A_494 = arith.index_cast %add3A_457 : i32 to index
      %get3A_495 = arith.constant 192 : index
      %get3A_496 = tpu.vector_load %arg6[%get3A_494, %get3A_495] {strides = array<i32>} : memref<128x256xf32, #tpu.memory_space<vmem>>, vector<16xf32>,
      %get3A_497 = arith.index_cast %add3A_457 : i32 to index
      %get3A_498 = arith.constant 208 : index
      %get3A_499 = tpu.vector_load %arg6[%get3A_497, %get3A_498] {strides = array<i32>} : memref<128x256xf32, #tpu.memory_space<vmem>>, vector<16xf32>,
      %get3A_500 = arith.index_cast %add3A_457 : i32 to index
      %get3A_501 = arith.constant 224 : index
      %get3A_502 = tpu.vector_load %arg6[%get3A_500, %get3A_501] {strides = array<i32>} : memref<128x256xf32, #tpu.memory_space<vmem>>, vector<16xf32>,
      %get3A_503 = arith.index_cast %add3A_457 : i32 to index
      %get3A_504 = arith.constant 240 : index
      %get3A_505 = tpu.vector_load %arg6[%get3A_503, %get3A_504] {strides = array<i32>} : memref<128x256xf32, #tpu.memory_space<vmem>>, vector<16xf32>,
      %gt3A_506 = arith.cmpf ogt, %get3A_463, %get3A_460 : vector<16xf32>
      %select_n3A_507 = arith.select %gt3A_506, %get3A_463, %get3A_460 : vector<16xi1>, vector<16xf32>
      %jit3A_508 = arith.constant 1 : i32
      %jit3A_509 = arith.constant 0 : i32
      %broadcast_in_dim3A_510 = vector.broadcast %jit3A_508 : i32 to vector<16xi32>
      %broadcast_in_dim3A_511 = vector.broadcast %jit3A_509 : i32 to vector<16xi32>
      %select_n3A_512 = arith.select %gt3A_506, %broadcast_in_dim3A_510, %broadcast_in_dim3A_511 : vector<16xi1>, vector<16xi32>
      %gt3A_513 = arith.cmpf ogt, %get3A_469, %get3A_466 : vector<16xf32>
      %select_n3A_514 = arith.select %gt3A_513, %get3A_469, %get3A_466 : vector<16xi1>, vector<16xf32>
      %jit3A_515 = arith.constant 3 : i32
      %jit3A_516 = arith.constant 2 : i32
      %broadcast_in_dim3A_517 = vector.broadcast %jit3A_515 : i32 to vector<16xi32>
      %broadcast_in_dim3A_518 = vector.broadcast %jit3A_516 : i32 to vector<16xi32>
      %select_n3A_519 = arith.select %gt3A_513, %broadcast_in_dim3A_517, %broadcast_in_dim3A_518 : vector<16xi1>, vector<16xi32>
      %gt3A_520 = arith.cmpf ogt, %get3A_475, %get3A_472 : vector<16xf32>
      %select_n3A_521 = arith.select %gt3A_520, %get3A_475, %get3A_472 : vector<16xi1>, vector<16xf32>
      %jit3A_522 = arith.constant 5 : i32
      %jit3A_523 = arith.constant 4 : i32
      %broadcast_in_dim3A_524 = vector.broadcast %jit3A_522 : i32 to vector<16xi32>
      %broadcast_in_dim3A_525 = vector.broadcast %jit3A_523 : i32 to vector<16xi32>
      %select_n3A_526 = arith.select %gt3A_520, %broadcast_in_dim3A_524, %broadcast_in_dim3A_525 : vector<16xi1>, vector<16xi32>
      %gt3A_527 = arith.cmpf ogt, %get3A_481, %get3A_478 : vector<16xf32>
      %select_n3A_528 = arith.select %gt3A_527, %get3A_481, %get3A_478 : vector<16xi1>, vector<16xf32>
      %jit3A_529 = arith.constant 7 : i32
      %jit3A_530 = arith.constant 6 : i32
      %broadcast_in_dim3A_531 = vector.broadcast %jit3A_529 : i32 to vector<16xi32>
      %broadcast_in_dim3A_532 = vector.broadcast %jit3A_530 : i32 to vector<16xi32>
      %select_n3A_533 = arith.select %gt3A_527, %broadcast_in_dim3A_531, %broadcast_in_dim3A_532 : vector<16xi1>, vector<16xi32>
      %gt3A_534 = arith.cmpf ogt, %get3A_487, %get3A_484 : vector<16xf32>
      %select_n3A_535 = arith.select %gt3A_534, %get3A_487, %get3A_484 : vector<16xi1>, vector<16xf32>
      %jit3A_536 = arith.constant 9 : i32
      %jit3A_537 = arith.constant 8 : i32
      %broadcast_in_dim3A_538 = vector.broadcast %jit3A_536 : i32 to vector<16xi32>
      %broadcast_in_dim3A_539 = vector.broadcast %jit3A_537 : i32 to vector<16xi32>
      %select_n3A_540 = arith.select %gt3A_534, %broadcast_in_dim3A_538, %broadcast_in_dim3A_539 : vector<16xi1>, vector<16xi32>
      %gt3A_541 = arith.cmpf ogt, %get3A_493, %get3A_490 : vector<16xf32>
      %select_n3A_542 = arith.select %gt3A_541, %get3A_493, %get3A_490 : vector<16xi1>, vector<16xf32>
      %jit3A_543 = arith.constant 11 : i32
      %jit3A_544 = arith.constant 10 : i32
      %broadcast_in_dim3A_545 = vector.broadcast %jit3A_543 : i32 to vector<16xi32>
      %broadcast_in_dim3A_546 = vector.broadcast %jit3A_544 : i32 to vector<16xi32>
      %select_n3A_547 = arith.select %gt3A_541, %broadcast_in_dim3A_545, %broadcast_in_dim3A_546 : vector<16xi1>, vector<16xi32>
      %gt3A_548 = arith.cmpf ogt, %get3A_499, %get3A_496 : vector<16xf32>
      %select_n3A_549 = arith.select %gt3A_548, %get3A_499, %get3A_496 : vector<16xi1>, vector<16xf32>
      %jit3A_550 = arith.constant 13 : i32
      %jit3A_551 = arith.constant 12 : i32
      %broadcast_in_dim3A_552 = vector.broadcast %jit3A_550 : i32 to vector<16xi32>
      %broadcast_in_dim3A_553 = vector.broadcast %jit3A_551 : i32 to vector<16xi32>
      %select_n3A_554 = arith.select %gt3A_548, %broadcast_in_dim3A_552, %broadcast_in_dim3A_553 : vector<16xi1>, vector<16xi32>
      %gt3A_555 = arith.cmpf ogt, %get3A_505, %get3A_502 : vector<16xf32>
      %select_n3A_556 = arith.select %gt3A_555, %get3A_505, %get3A_502 : vector<16xi1>, vector<16xf32>
      %jit3A_557 = arith.constant 15 : i32
      %jit3A_558 = arith.constant 14 : i32
      %broadcast_in_dim3A_559 = vector.broadcast %jit3A_557 : i32 to vector<16xi32>
      %broadcast_in_dim3A_560 = vector.broadcast %jit3A_558 : i32 to vector<16xi32>
      %select_n3A_561 = arith.select %gt3A_555, %broadcast_in_dim3A_559, %broadcast_in_dim3A_560 : vector<16xi1>, vector<16xi32>
      %gt3A_562 = arith.cmpf ogt, %select_n3A_514, %select_n3A_507 : vector<16xf32>
      %select_n3A_563 = arith.select %gt3A_562, %select_n3A_514, %select_n3A_507 : vector<16xi1>, vector<16xf32>
      %select_n3A_564 = arith.select %gt3A_562, %select_n3A_519, %select_n3A_512 : vector<16xi1>, vector<16xi32>
      %gt3A_565 = arith.cmpf ogt, %select_n3A_528, %select_n3A_521 : vector<16xf32>
      %select_n3A_566 = arith.select %gt3A_565, %select_n3A_528, %select_n3A_521 : vector<16xi1>, vector<16xf32>
      %select_n3A_567 = arith.select %gt3A_565, %select_n3A_533, %select_n3A_526 : vector<16xi1>, vector<16xi32>
      %gt3A_568 = arith.cmpf ogt, %select_n3A_542, %select_n3A_535 : vector<16xf32>
      %select_n3A_569 = arith.select %gt3A_568, %select_n3A_542, %select_n3A_535 : vector<16xi1>, vector<16xf32>
      %select_n3A_570 = arith.select %gt3A_568, %select_n3A_547, %select_n3A_540 : vector<16xi1>, vector<16xi32>
      %gt3A_571 = arith.cmpf ogt, %select_n3A_556, %select_n3A_549 : vector<16xf32>
      %select_n3A_572 = arith.select %gt3A_571, %select_n3A_556, %select_n3A_549 : vector<16xi1>, vector<16xf32>
      %select_n3A_573 = arith.select %gt3A_571, %select_n3A_561, %select_n3A_554 : vector<16xi1>, vector<16xi32>
      %gt3A_574 = arith.cmpf ogt, %select_n3A_566, %select_n3A_563 : vector<16xf32>
      %select_n3A_575 = arith.select %gt3A_574, %select_n3A_566, %select_n3A_563 : vector<16xi1>, vector<16xf32>
      %select_n3A_576 = arith.select %gt3A_574, %select_n3A_567, %select_n3A_564 : vector<16xi1>, vector<16xi32>
      %gt3A_577 = arith.cmpf ogt, %select_n3A_572, %select_n3A_569 : vector<16xf32>
      %select_n3A_578 = arith.select %gt3A_577, %select_n3A_572, %select_n3A_569 : vector<16xi1>, vector<16xf32>
      %select_n3A_579 = arith.select %gt3A_577, %select_n3A_573, %select_n3A_570 : vector<16xi1>, vector<16xi32>
      %gt3A_580 = arith.cmpf ogt, %select_n3A_578, %select_n3A_575 : vector<16xf32>
      %select_n3A_581 = arith.select %gt3A_580, %select_n3A_578, %select_n3A_575 : vector<16xi1>, vector<16xf32>
      %select_n3A_582 = arith.select %gt3A_580, %select_n3A_579, %select_n3A_576 : vector<16xi1>, vector<16xi32>
      %reduce_max3A = arith.constant true
      %reduce_max3A_583 = vector.broadcast %reduce_max3A : i1 to vector<16xi1>
      %reduce_max3A_584 = tpu.scan <max>, %select_n3A_200 masked %reduce_max3A_583 : vector<16xf32>, vector<16xi1> -> vector<16xf32>
      %reduce_max3A_585 = vector.extract %reduce_max3A_584[15] : f32 from vector<16xf32>
      %reduce_max3A_586 = arith.constant true
      %reduce_max3A_587 = vector.broadcast %reduce_max3A_586 : i1 to vector<16xi1>
      %reduce_max3A_588 = tpu.scan <max>, %select_n3A_327 masked %reduce_max3A_587 : vector<16xf32>, vector<16xi1> -> vector<16xf32>
      %reduce_max3A_589 = vector.extract %reduce_max3A_588[15] : f32 from vector<16xf32>
      %reduce_max3A_590 = arith.constant true
      %reduce_max3A_591 = vector.broadcast %reduce_max3A_590 : i1 to vector<16xi1>
      %reduce_max3A_592 = tpu.scan <max>, %select_n3A_454 masked %reduce_max3A_591 : vector<16xf32>, vector<16xi1> -> vector<16xf32>
      %reduce_max3A_593 = vector.extract %reduce_max3A_592[15] : f32 from vector<16xf32>
      %reduce_max3A_594 = arith.constant true
      %reduce_max3A_595 = vector.broadcast %reduce_max3A_594 : i1 to vector<16xi1>
      %reduce_max3A_596 = tpu.scan <max>, %select_n3A_581 masked %reduce_max3A_595 : vector<16xf32>, vector<16xi1> -> vector<16xf32>
      %reduce_max3A_597 = vector.extract %reduce_max3A_596[15] : f32 from vector<16xf32>
      %eq3A = vector.broadcast %reduce_max3A_585 : f32 to vector<16xf32>
      %eq3A_598 = arith.cmpf oeq, %select_n3A_200, %eq3A : vector<16xf32>
      %mul3A_599 = arith.constant 16 : i32
      %mul3A_600 = vector.broadcast %mul3A_599 : i32 to vector<16xi32>
      %mul3A_601 = arith.muli %select_n3A_201, %mul3A_600 : vector<16xi32>
      %add3A_602 = arith.addi %mul3A_601, %iota3A : vector<16xi32>
      %jit3A_603 = arith.constant 256 : i32
      %broadcast_in_dim3A_604 = vector.broadcast %jit3A_603 : i32 to vector<16xi32>
      %select_n3A_605 = arith.select %eq3A_598, %add3A_602, %broadcast_in_dim3A_604 : vector<16xi1>, vector<16xi32>
      %eq3A_606 = vector.broadcast %reduce_max3A_589 : f32 to vector<16xf32>
      %eq3A_607 = arith.cmpf oeq, %select_n3A_327, %eq3A_606 : vector<16xf32>
      %mul3A_608 = arith.constant 16 : i32
      %mul3A_609 = vector.broadcast %mul3A_608 : i32 to vector<16xi32>
      %mul3A_610 = arith.muli %select_n3A_328, %mul3A_609 : vector<16xi32>
      %add3A_611 = arith.addi %mul3A_610, %iota3A : vector<16xi32>
      %jit3A_612 = arith.constant 256 : i32
      %broadcast_in_dim3A_613 = vector.broadcast %jit3A_612 : i32 to vector<16xi32>
      %select_n3A_614 = arith.select %eq3A_607, %add3A_611, %broadcast_in_dim3A_613 : vector<16xi1>, vector<16xi32>
      %eq3A_615 = vector.broadcast %reduce_max3A_593 : f32 to vector<16xf32>
      %eq3A_616 = arith.cmpf oeq, %select_n3A_454, %eq3A_615 : vector<16xf32>
      %mul3A_617 = arith.constant 16 : i32
      %mul3A_618 = vector.broadcast %mul3A_617 : i32 to vector<16xi32>
      %mul3A_619 = arith.muli %select_n3A_455, %mul3A_618 : vector<16xi32>
      %add3A_620 = arith.addi %mul3A_619, %iota3A : vector<16xi32>
      %jit3A_621 = arith.constant 256 : i32
      %broadcast_in_dim3A_622 = vector.broadcast %jit3A_621 : i32 to vector<16xi32>
      %select_n3A_623 = arith.select %eq3A_616, %add3A_620, %broadcast_in_dim3A_622 : vector<16xi1>, vector<16xi32>
      %eq3A_624 = vector.broadcast %reduce_max3A_597 : f32 to vector<16xf32>
      %eq3A_625 = arith.cmpf oeq, %select_n3A_581, %eq3A_624 : vector<16xf32>
      %mul3A_626 = arith.constant 16 : i32
      %mul3A_627 = vector.broadcast %mul3A_626 : i32 to vector<16xi32>
      %mul3A_628 = arith.muli %select_n3A_582, %mul3A_627 : vector<16xi32>
      %add3A_629 = arith.addi %mul3A_628, %iota3A : vector<16xi32>
      %jit3A_630 = arith.constant 256 : i32
      %broadcast_in_dim3A_631 = vector.broadcast %jit3A_630 : i32 to vector<16xi32>
      %select_n3A_632 = arith.select %eq3A_625, %add3A_629, %broadcast_in_dim3A_631 : vector<16xi1>, vector<16xi32>
      %reduce_min3A = arith.constant true
      %reduce_min3A_633 = vector.broadcast %reduce_min3A : i1 to vector<16xi1>
      %reduce_min3A_634 = arith.constant -2147483648 : i32
      %reduce_min3A_635 = vector.broadcast %reduce_min3A_634 : i32 to vector<16xi32>
      %reduce_min3A_636 = arith.xori %select_n3A_605, %reduce_min3A_635 : vector<16xi32>
      %reduce_min3A_637 = tpu.scan <min>, %reduce_min3A_636 masked %reduce_min3A_633 : vector<16xi32>, vector<16xi1> -> vector<16xi32>
      %reduce_min3A_638 = arith.xori %reduce_min3A_637, %reduce_min3A_635 : vector<16xi32>
      %reduce_min3A_639 = vector.extract %reduce_min3A_638[15] : i32 from vector<16xi32>
      %reduce_min3A_640 = arith.constant true
      %reduce_min3A_641 = vector.broadcast %reduce_min3A_640 : i1 to vector<16xi1>
      %reduce_min3A_642 = arith.constant -2147483648 : i32
      %reduce_min3A_643 = vector.broadcast %reduce_min3A_642 : i32 to vector<16xi32>
      %reduce_min3A_644 = arith.xori %select_n3A_614, %reduce_min3A_643 : vector<16xi32>
      %reduce_min3A_645 = tpu.scan <min>, %reduce_min3A_644 masked %reduce_min3A_641 : vector<16xi32>, vector<16xi1> -> vector<16xi32>
      %reduce_min3A_646 = arith.xori %reduce_min3A_645, %reduce_min3A_643 : vector<16xi32>
      %reduce_min3A_647 = vector.extract %reduce_min3A_646[15] : i32 from vector<16xi32>
      %reduce_min3A_648 = arith.constant true
      %reduce_min3A_649 = vector.broadcast %reduce_min3A_648 : i1 to vector<16xi1>
      %reduce_min3A_650 = arith.constant -2147483648 : i32
      %reduce_min3A_651 = vector.broadcast %reduce_min3A_650 : i32 to vector<16xi32>
      %reduce_min3A_652 = arith.xori %select_n3A_623, %reduce_min3A_651 : vector<16xi32>
      %reduce_min3A_653 = tpu.scan <min>, %reduce_min3A_652 masked %reduce_min3A_649 : vector<16xi32>, vector<16xi1> -> vector<16xi32>
      %reduce_min3A_654 = arith.xori %reduce_min3A_653, %reduce_min3A_651 : vector<16xi32>
      %reduce_min3A_655 = vector.extract %reduce_min3A_654[15] : i32 from vector<16xi32>
      %reduce_min3A_656 = arith.constant true
      %reduce_min3A_657 = vector.broadcast %reduce_min3A_656 : i1 to vector<16xi1>
      %reduce_min3A_658 = arith.constant -2147483648 : i32
      %reduce_min3A_659 = vector.broadcast %reduce_min3A_658 : i32 to vector<16xi32>
      %reduce_min3A_660 = arith.xori %select_n3A_632, %reduce_min3A_659 : vector<16xi32>
      %reduce_min3A_661 = tpu.scan <min>, %reduce_min3A_660 masked %reduce_min3A_657 : vector<16xi32>, vector<16xi1> -> vector<16xi32>
      %reduce_min3A_662 = arith.xori %reduce_min3A_661, %reduce_min3A_659 : vector<16xi32>
      %reduce_min3A_663 = vector.extract %reduce_min3A_662[15] : i32 from vector<16xi32>
      %mul3A_664 = arith.constant 2 : i32
      %mul3A_665 = arith.muli %mul3A_664, %reduce_min3A_639 : i32
      %get3A_666 = arith.index_cast %mul3A_665 : i32 to index
      %get3A_667 = tpu.vector_load %arg7[%get3A_666] {strides = array<i32>} : memref<528xf32, #tpu.memory_space<vmem>>, vector<16xf32>,
      %add3A_668 = arith.constant 384 : i32
      %add3A_669 = arith.addi %add3A_668, %mul3A_78 : i32
      %add3A_670 = arith.constant 0 : i32
      %add3A_671 = arith.addi %add3A_669, %add3A_670 : i32
      %mul3A_672 = arith.constant 2 : i32
      %mul3A_673 = arith.muli %add3A_671, %mul3A_672 : i32
      %add3A_674 = vector.broadcast %mul3A_673 : i32 to vector<16xi32>
      %add3A_675 = arith.addi %iota3A, %add3A_674 : vector<16xi32>
      tpu.vector_store_idx %arg8[%add3A_675], %get3A_667 masked %lt3A_10 : memref<1024xf32, #tpu.memory_space<vmem>>[vector<16xi32>], vector<16xf32>, vector<16xi1>
      %mul3A_676 = arith.constant 2 : i32
      %mul3A_677 = arith.muli %mul3A_676, %reduce_min3A_647 : i32
      %get3A_678 = arith.index_cast %mul3A_677 : i32 to index
      %get3A_679 = tpu.vector_load %arg7[%get3A_678] {strides = array<i32>} : memref<528xf32, #tpu.memory_space<vmem>>, vector<16xf32>,
      %add3A_680 = arith.constant 384 : i32
      %add3A_681 = arith.addi %add3A_680, %mul3A_78 : i32
      %add3A_682 = arith.constant 1 : i32
      %add3A_683 = arith.addi %add3A_681, %add3A_682 : i32
      %mul3A_684 = arith.constant 2 : i32
      %mul3A_685 = arith.muli %add3A_683, %mul3A_684 : i32
      %add3A_686 = vector.broadcast %mul3A_685 : i32 to vector<16xi32>
      %add3A_687 = arith.addi %iota3A, %add3A_686 : vector<16xi32>
      tpu.vector_store_idx %arg8[%add3A_687], %get3A_679 masked %lt3A_10 : memref<1024xf32, #tpu.memory_space<vmem>>[vector<16xi32>], vector<16xf32>, vector<16xi1>
      %mul3A_688 = arith.constant 2 : i32
      %mul3A_689 = arith.muli %mul3A_688, %reduce_min3A_655 : i32
      %get3A_690 = arith.index_cast %mul3A_689 : i32 to index
      %get3A_691 = tpu.vector_load %arg7[%get3A_690] {strides = array<i32>} : memref<528xf32, #tpu.memory_space<vmem>>, vector<16xf32>,
      %add3A_692 = arith.constant 384 : i32
      %add3A_693 = arith.addi %add3A_692, %mul3A_78 : i32
      %add3A_694 = arith.constant 2 : i32
      %add3A_695 = arith.addi %add3A_693, %add3A_694 : i32
      %mul3A_696 = arith.constant 2 : i32
      %mul3A_697 = arith.muli %add3A_695, %mul3A_696 : i32
      %add3A_698 = vector.broadcast %mul3A_697 : i32 to vector<16xi32>
      %add3A_699 = arith.addi %iota3A, %add3A_698 : vector<16xi32>
      tpu.vector_store_idx %arg8[%add3A_699], %get3A_691 masked %lt3A_10 : memref<1024xf32, #tpu.memory_space<vmem>>[vector<16xi32>], vector<16xf32>, vector<16xi1>
      %mul3A_700 = arith.constant 2 : i32
      %mul3A_701 = arith.muli %mul3A_700, %reduce_min3A_663 : i32
      %get3A_702 = arith.index_cast %mul3A_701 : i32 to index
      %get3A_703 = tpu.vector_load %arg7[%get3A_702] {strides = array<i32>} : memref<528xf32, #tpu.memory_space<vmem>>, vector<16xf32>,
      %add3A_704 = arith.constant 384 : i32
      %add3A_705 = arith.addi %add3A_704, %mul3A_78 : i32
      %add3A_706 = arith.constant 3 : i32
      %add3A_707 = arith.addi %add3A_705, %add3A_706 : i32
      %mul3A_708 = arith.constant 2 : i32
      %mul3A_709 = arith.muli %add3A_707, %mul3A_708 : i32
      %add3A_710 = vector.broadcast %mul3A_709 : i32 to vector<16xi32>
      %add3A_711 = arith.addi %iota3A, %add3A_710 : vector<16xi32>
      tpu.vector_store_idx %arg8[%add3A_711], %get3A_703 masked %lt3A_10 : memref<1024xf32, #tpu.memory_space<vmem>>[vector<16xi32>], vector<16xf32>, vector<16xi1>
      %scan3A_712 = arith.constant 0 : i32
      scf.yield %scan3A_712 : i32
    }
    %scan3A_70 = arith.constant 32 : i32
    %mul3A_71 = arith.constant 512 : i32
    %mul3A_72 = arith.muli %add3A, %mul3A_71 : i32
    %mul3A_73 = arith.constant 2 : i32
    %mul3A_74 = arith.muli %mul3A_72, %mul3A_73 : i32
    "tpu.region"() ({
      %run_scoped3A = tpu.sem_alloc : memref<!tpu.dma_semaphore, #tpu.memory_space<semaphore_mem>>
      %dma_start3A_75 = tpu.memref_slice %arg4[%mul3A_74] : memref<32768xf32, #tpu.memory_space<hbm>> -> memref<1024xf32, #tpu.memory_space<hbm>>
      %dma_start3A_76 = tpu.memref_slice %arg4[%mul3A_74] : memref<32768xf32, #tpu.memory_space<hbm>> -> memref<1024xf32, #tpu.memory_space<hbm>>
      tpu.enqueue_dma source(%arg8 : memref<1024xf32, #tpu.memory_space<vmem>>) target(%dma_start3A_76 : memref<1024xf32, #tpu.memory_space<hbm>>) target_semaphore(%run_scoped3A : memref<!tpu.dma_semaphore, #tpu.memory_space<semaphore_mem>>)
      %dma_wait3A_77 = tpu.memref_slice %arg4[%mul3A_74] : memref<32768xf32, #tpu.memory_space<hbm>> -> memref<1024xf32, #tpu.memory_space<hbm>>
      %dma_wait3A_78 = tpu.memref_slice %arg4[%mul3A_74] : memref<32768xf32, #tpu.memory_space<hbm>> -> memref<1024xf32, #tpu.memory_space<hbm>>
      tpu.wait_dma2 semaphore(%run_scoped3A : memref<!tpu.dma_semaphore, #tpu.memory_space<semaphore_mem>>) src(%arg8 : memref<1024xf32, #tpu.memory_space<vmem>>) dst(%dma_wait3A_78 : memref<1024xf32, #tpu.memory_space<hbm>>)
      tpu.yield
    }) : () -> ()
    return
  }
}

</mosaic_0001>

<sc_bundles>
// kernel: kernel.3.cloned.1.call-start
scs
__scs_entry_jumppad:
0x0: {  	(pc) =	sbr.rel $0x88, $3  }
0x1: {  	(tag) =	ssettag $0x0;
	lr =	simm.s32 $0x1  }
0x2: {  	[smem:$0x3F9F] =	sst lr;
	_ =	strace $0xD0000000  }
0x3: {  	_ = 	snop  }
0x4: {  	_ = 	snop  }
0x5: {  	_ = 	snop  }
0x6: {  	_ = 	snop  }
0x7: {  	_ = 	snop  }
__scs_overlays_trampoline_lowered:
0x8: {  	[smem:$0x3FAE] =	sst s0  }
0x9: {  	[smem:$0x3FAF] =	sst s1  }
0xa: {  	[smem:$0x3FB0] =	sst s2  }
0xb: {  	[smem:$0x3FB1] =	sst s3  }
0xc: {  	[smem:$0x3FB2] =	sst s4  }
0xd: {  	[smem:$0x3FB3] =	sst s5  }
0xe: {  	[smem:$0x3FB4] =	sst s6  }
0xf: {  	[smem:$0x3FB5] =	sst s7  }
0x10: {  	[smem:$0x3FB6] =	sst s8  }
0x11: {  	[smem:$0x3FB7] =	sst s9;
	s0 =	simm.s32 @!p0 $0x0  }
0x12: {  	s1 =	sld [smem:$0x3F9D];
	s0 =	simm.s32 @p0 $0x1  }
0x13: {  	[smem:$0x3FB8] =	sst s0;
	s0 =	simm.s32 @!p1 $0x0  }
0x14: {  	s2 =	sld [smem:$0x3F9C];
	s0 =	simm.s32 @p1 $0x1  }
0x15: {  	[smem:$0x3FB9] =	sst s0;
	s0 =	simm.s32 @!p2 $0x0  }
0x16: {  	s3 =	sld [smem:$0x3FDB];
	s0 =	simm.s32 @p2 $0x1  }
0x17: {  	s4 =	simm.s32 $0x1BF5;
	[smem:$0x3FBB] =	sst s0  }
0x18: {  	s0 =	sld [smem:$0x3F9E];
	_ =	swait.ge [sflag:s4], $0x0  }
0x19: {  	s7 =	sld [smem:$0x3F9F]  }
0x1a: {  	s8 =	sadd.s32 $0xFFFFE003, lr  }
0x1b: {  	s9 =	sadd.s32 $0xFFFFFEF7, lr;
	s5 =	simm.s32 $0xFFFFFFFF;
	p2 =	slt.u32 s8, $0xFFFFF086  }
0x1c: {  	p1 =	slt.u32 s9, $0xF7A;
	s5 =	simm.s32 @!p2 $0x0  }
0x1d: {  	s5 =	simm.s32 @p1 $0x1;
	p0 =	seq.s32 s7, s2  }
0x1e: {  	s7 =	smul.u32 @!p0 $0xF7A, s2;
	p2 =	seq.s32 @!p0 s5, $0x0  }
0x1f: {  	s9 =	smul.u32 $0xF7A, s1;
	s8 =	simm.s32 @!p0 $0x1BF5;
	p2 =	por !p2, p0  }
0x20: {  	[sflag:s8] =	ssyncset.s32 @!p0 $0xFFFFF086;
	s6 =	sadd.s32 @!p0 s3, s7;
	s7 =	simm.s32 @!p0 $0x108  }
0x21: {  	s3 =	sadd.s32 s3, s9;
	s6 =	sadd.s32 @!p0 $0x88, s6;
	s7 =	simm.s32 @p2 $0x1082  }
0x22: {  	[simem:s7], [sflag:s8] =	dma.local @!p0 [hbm:s6], $0xF7A  }
0x23: {  	s9 =	sor.u32 $0xD0000000, s2;
	s6 =	simm.s32 $0x108;
	_ =	swait.ge @!p0 [sflag:s8], $0x0  }
0x24: {  	s3 =	sadd.s32 $0x88, s3;
	s6 =	simm.s32 @!p1 $0x1082;
	[sflag:s4] =	ssyncset.s32 $0xFFFFF086  }
0x25: {  	[simem:s6], [sflag:s4] =	dma.local [hbm:s3], $0xF7A  }
0x26: {  	[smem:$0x3F9F] =	sst s1;
	(tag) =	ssettag s2;
	_ =	strace s9  }
0x27: {  	s1 =	sld [smem:$0x3FAF]  }
0x28: {  	s2 =	sld [smem:$0x3FB0]  }
0x29: {  	s4 =	sld [smem:$0x3FB2]  }
0x2a: {  	p0 =	seq.s32 s5, $0x0;
	s5 =	sld [smem:$0x3FB3]  }
0x2b: {  	s6 =	sld [smem:$0x3FB4]  }
0x2c: {  	s7 =	sld [smem:$0x3FB5]  }
0x2d: {  	s3 =	simm.s32 $0x108;
	s8 =	sld [smem:$0x3FB6]  }
0x2e: {  	s3 =	simm.s32 @!p0 $0x1082;
	s9 =	sld [smem:$0x3FB7]  }
0x2f: {  	lr =	sadd.s32 s0, s3;
	s0 =	sld [smem:$0x3FAE]  }
0x30: {  	s3 =	sld [smem:$0x3FB1]  }
0x31: {  	[smem:$0x3FBA] =	sst s10  }
0x32: {  	s10 =	sld [smem:$0x3FB8];
	_ =	sdelay $0x3  }
0x33: {  	p0 =	seq.s32 s10, $0x1;
	s10 =	sld [smem:$0x3FBA];
	_ =	sdelay $0x3  }
0x34: {  	[smem:$0x3FBA] =	sst s10  }
0x35: {  	s10 =	sld [smem:$0x3FB9];
	_ =	sdelay $0x3  }
0x36: {  	p1 =	seq.s32 s10, $0x1;
	s10 =	sld [smem:$0x3FBA];
	_ =	sdelay $0x3  }
0x37: {  	[smem:$0x3FBA] =	sst s10  }
0x38: {  	s10 =	sld [smem:$0x3FBB]  }
0x39: {  	_ = 	snop;
	(pc) =	sbr.ind lr, $3  }
0x3a: {  	_ = 	snop  }
0x3b: {  	_ = 	snop  }
0x3c: {  	p2 =	seq.s32 s10, $0x1;
	s10 =	sld [smem:$0x3FBA]  }
0x3d: {  	_ =	shalt  }
0x3e: {  	_ =	shalt  }
0x3f: {  	_ =	shalt  }
0x40: {  	_ =	shalt  }
0x41: {  	_ =	shalt  }
0x42: {  	_ =	shalt  }
0x43: {  	_ =	shalt  }
0x44: {  	_ =	shalt  }
0x45: {  	_ =	shalt  }
0x46: {  	_ =	shalt  }
0x47: {  	_ =	shalt  }
0x48: {  	_ =	shalt  }
0x49: {  	_ =	shalt  }
0x4a: {  	_ =	shalt  }
0x4b: {  	_ =	shalt  }
0x4c: {  	_ =	shalt  }
0x4d: {  	_ =	shalt  }
0x4e: {  	_ =	shalt  }
0x4f: {  	_ =	shalt  }
0x50: {  	_ =	shalt  }
0x51: {  	_ =	shalt  }
0x52: {  	_ =	shalt  }
0x53: {  	_ =	shalt  }
0x54: {  	_ =	shalt  }
0x55: {  	_ =	shalt  }
0x56: {  	_ =	shalt  }
0x57: {  	_ =	shalt  }
0x58: {  	_ =	shalt  }
0x59: {  	_ =	shalt  }
0x5a: {  	_ =	shalt  }
0x5b: {  	_ =	shalt  }
0x5c: {  	_ =	shalt  }
0x5d: {  	_ =	shalt  }
0x5e: {  	_ =	shalt  }
0x5f: {  	_ =	shalt  }
0x60: {  	_ =	shalt  }
0x61: {  	_ =	shalt  }
0x62: {  	_ =	shalt  }
0x63: {  	_ =	shalt  }
0x64: {  	_ =	shalt  }
0x65: {  	_ =	shalt  }
0x66: {  	_ =	shalt  }
0x67: {  	_ =	shalt  }
0x68: {  	_ =	shalt  }
0x69: {  	_ =	shalt  }
0x6a: {  	_ =	shalt  }
0x6b: {  	_ =	shalt  }
0x6c: {  	_ =	shalt  }
0x6d: {  	_ =	shalt  }
0x6e: {  	_ =	shalt  }
0x6f: {  	_ =	shalt  }
0x70: {  	_ =	shalt  }
0x71: {  	_ =	shalt  }
0x72: {  	_ =	shalt  }
0x73: {  	_ =	shalt  }
0x74: {  	_ =	shalt  }
0x75: {  	_ =	shalt  }
0x76: {  	_ =	shalt  }
0x77: {  	_ =	shalt  }
0x78: {  	_ =	shalt  }
0x79: {  	_ =	shalt  }
0x7a: {  	_ =	shalt  }
0x7b: {  	_ =	shalt  }
0x7c: {  	_ =	shalt  }
0x7d: {  	_ =	shalt  }
0x7e: {  	_ =	shalt  }
0x7f: {  	_ =	shalt  }
0x80: {  	_ =	shalt  }
0x81: {  	_ =	shalt  }
0x82: {  	_ =	shalt  }
0x83: {  	_ =	shalt  }
0x84: {  	_ =	shalt  }
0x85: {  	_ =	shalt  }
0x86: {  	_ =	shalt  }
0x87: {  	_ =	shalt  }
.Lfunc_end0:
.L_simem_size_0:
called_computation_lowered:
.L_overlay_start_0:
0x88: {  	s2 =	sld [smem:$0x3FD9]  }
0x89: {  	s3 =	sld [smem:$0x3FFE];
	_ =	sdelay $0x1  }
0x8a: {  	s1 =	srdreg.scid  }
0x8b: {  	s0 =	sand.u32 $0x1, s1  }
0x8c: {  	s17 =	sshll.u32 s0, $0xA;
	s2 =	sadd.s32 s3, s2  }
0x8d: {  	s2 =	sadd.s32 s2, s17  }
0x8e: {  	[smem:$0x3FC6] =	sst s2  }
0x8f: {  	_ = 	snop  }
0x90: {  	s2 =	sld [smem:$0x3FC9]  }
0x91: {  	s18 =	sld [smem:$0x3FD0];
	(tm) =	ssettm $0x1  }
0x92: {  	s4 =	sld [smem:$0x3FFB];
	_ =	sdelay $0x3  }
0x93: {  	_ =	strace s4  }
0x94: {  	s4 =	sld [smem:$0x3FFC];
	_ =	sdelay $0x3  }
0x95: {  	_ =	strace s4  }
0x96: {  	s4 =	sld [smem:$0x3FFD];
	_ =	sdelay $0x3  }
0x97: {  	_ =	strace s4  }
0x98: {  	_ =	strace $0x8FFFFFFF  }
0x99: {  	s19 =	sld [smem:$0x3FDB];
	_ =	sdelay $0x1  }
0x9a: {  	s5 =	simm.s32 $_scs_section_size  }
0x9b: {  	s6 =	simm.s32 $_size__tile_overlayer_lowered;
	s7 =	simm.s32 $_tile_overlayer_lowered  }
0x9c: {  	s22 =	simm.s32 $0x1BFF;
	s21 =	sshll.u32 s7, $0x1;
	s4 =	sadd.s32 s5, s19  }
0x9d: {  	s8 =	simm.s32 $0x0;
	s20 =	sshll.u32 s6, $0x1;
	s6 =	sadd.s32 s21, s4  }
0x9e: {  	[timem:s8], [sflag:s22] =	dma.local [hbm:s6], s20  }
0x9f: {  	_ =	swait.ge [sflag:s22], s20  }
0xa0: {  	s5 =	ssub.s32 $0x0, s20;
	[sflag:s22] =	ssyncset.done $0x0  }
0xa1: {  	[sflag:s22] =	ssyncadd.s32 s5;
	_ =	sdelay $0x1  }
0xa2: {  	s23 =	simm.s32 $0x1B8B  }
0xa3: {  	_ =	swait.ge [sflag:s23], $0x1  }
0xa4: {  	[sflag:s23] =	ssyncset.done $0x0  }
0xa5: {  	s25 =	simm.s32 $0x1B8E;
	s24 =	sld [smem:$0x3FFE];
	[sflag:s23] =	ssyncadd.s32 $0xFFFFFFFF  }
0xa6: {  	s26 =	simm.s32 $execute0_lowered;
	[smem:$0x3FD2] =	sst s25  }
0xa7: {  	s6 =	sshll.u32 s26, $0x1;
	_ =	strace $0x80000046;
	[dreg:$0x1] =	wrdreg $0xFFFFFFFF  }
0xa8: {  	s28 =	simm.s32 $_size_execute0_lowered;
	s4 =	sadd.s32 s4, s6;
	[dreg:$0x0] =	wrdreg $0x0  }
0xa9: {  	s6 =	sshll.u32 s28, $0x1;
	[dreg:$0x2] =	wrdreg s4  }
0xaa: {  	[dreg:$0x3] =	wrdreg s6  }
0xab: {  	[dreg:$0x4] =	wrdreg $0xC0  }
0xac: {  	_ =	task [dreg:s8], $0x5FFFF  }
0xad: {  	[dreg:$0x1] =	wrdreg $0xFFFFFFFF  }
0xae: {  	[dreg:$0x0] =	wrdreg $0x60  }
0xaf: {  	[dreg:$0x2] =	wrdreg s2  }
0xb0: {  	[dreg:$0x3] =	wrdreg s24  }
0xb1: {  	[dreg:$0x4] =	wrdreg s18  }
0xb2: {  	[dreg:$0x5] =	wrdreg $0x9  }
0xb3: {  	_ =	task.clear_ibuf [dreg:s8], $0x6FFFF;
	_ =	strace $0x90000046  }
0xb4: {  	s29 =	simm.s32 $0x9;
	_ =	strace $0x80000048  }
0xb5: {  	_ =	swait.ge [sflag:s29], $0x1  }
0xb6: {  	[sflag:s29] =	ssyncadd.s32 $0xFFFFFFFF  }
0xb7: {  	_ =	strace $0x90000048  }
0xb8: {  	_ =	sfence  }
0xb9: {  	s30 =	sld [smem:$0x0];
	_ =	sdelay $0x2  }
0xba: {  	s31 =	sshll.u32 s1, $0xD;
	s1 =	sshrl.u32 s1, $0x2  }
0xbb: {  	s3 =	sand.u32 $0x4000, s31;
	s1 =	sadd.s32 s1, s30  }
0xbc: {  	s0 =	sor.u32 s3, s0;
	s1 =	sshll.u32 s1, $0x11  }
0xbd: {  	s0 =	sor.u32 s1, s0  }
0xbe: {  	s0 =	sadd.s32 $0x8F2B, s0  }
0xbf: {  	[sflag:s0] =	ssyncadd.remote.s32 $0x1  }
0xc0: {  	_ =	sfence.sel $0xFFFF  }
0xc1: {  	[dreg:$0x0] =	wrdreg $0xFFFFFFFF;
	(pc) =	sbr.abs _section_cstart, $3  }
0xc2: {  	[dreg:$0x1] =	wrdreg $0xFFFFFFFF  }
0xc3: {  	_ =	task.clear_ibuf [dreg:s8], $0x2FFFF;
	_ =	strace $0x9FFFFFFF  }
0xc4: {  	(tm) =	ssettm $0x7FFFFFFF  }
0xc5: {  	_ =	shalt  }
tec
execute0_lowered:
.L_overlay_start_1:
0x0: {  	(tag) =	ssettag $0x1  }
0x1: {  	s3 =	rddreg [dreg:$0x0]  }
0x2: {  	s4 =	rddreg [dreg:$0x1]  }
0x3: {  	s1 =	srdreg.scid;
	s0 =	stileid.u32  }
0x4: {  	s8 =	rddreg [dreg:$0x2];
	s2 =	simm.s32 $0x0;
	s11 =	simm.s32 $0x3  }
0x5: {  	s12 =	simm.s32 $0x8000;
	s13 =	simm.s32 $0x1;
	s14 =	simm.s32 $0x10280  }
0x6: {  	s15 =	simm.s32 $0x2;
	s5 =	sand.u32 $0x1, s1;
	s1 =	rddreg [dreg:$0x3]  }
0x7: {  	s16 =	simm.s32 $0x0;
	s6 =	sshll.u32 s0, $0x1;
	[smem:$0x7FF] =	sst s2  }
0x8: {  	s4 =	sadd.s32 $0x400, s4;
	s9 =	sor.u32 s5, s6;
	s5 =	ssub.s32 $0x2, s5  }
0x9: {  	v0 =	vimm.s32 $0x0;
	_ =	strace $0x80000047;
	s6 =	sshll.u32 s9, $0xE;
	s7 =	sshrl.u32 s5, $0x1  }
0xa: {  	v1 =	vimm.s32 $0x2;
	v2 =	vimm.s32 $0x4;
	v3 =	vimm.s32 $0x6;
	s9 =	sshll.u32 s9, $0x7;
	s3 =	sadd.s32 s3, s6;
	s10 =	ssub.s32 s5, s7  }
0xb: {  	v4 =	vimm.s32 $0x8;
	v5 =	vimm.s32 $0xA;
	v6 =	vlaneseq.u32;
	s8 =	sadd.s32 s8, s9;
	s5 =	sadd.s32 $0x1000, s3;
	s6 =	sadd.s32 $0x2000, s3  }
0xc: {  	v7 =	vimm.s32 $0xC;
	v8 =	vimm.s32 $0xE;
	v9 =	vor.u32 $0x80000000, v6;
	s7 =	sadd.s32 $0x3000, s3;
	s9 =	smax.u32 s10, $0x1;
	s10 =	simm.s32 $0x10000  }
.LBB2_1:
0xd: {  	[tilespmem:s2], [sflag:$0x1] =	stream.linear.gather [hbm4b:s3+s2], $0x8000, $0x38;
	[tilespmem:$0x10680] =	vst v63  }
0xe: {  	_ = 	snop  }
0xf: {  	[tilespmem:s10], [sflag:$0x3] =	stream.linear.gather [hbm4b:s4+s2], $0x200, $0x38;
	[tilespmem:$0x10680] =	vst v63  }
0x10: {  	_ =	swait.ge [sflag:s11], $0x200  }
0x11: {  	[sflag:s11] =	ssyncset.done $0x0  }
0x12: {  	[sflag:s11] =	ssyncadd.s32 $0xFFFFFE00  }
0x13: {  	[tilespmem:s12], [sflag:$0x2] =	stream.linear.gather [hbm4b:s5+s2], $0x8000, $0x38;
	[tilespmem:$0x10680] =	vst v63  }
0x14: {  	p0 =	por $0x0, $0x0;
	s17 =	simm.s32 $0x0;
	_ =	swait.ge [sflag:s13], $0x8000  }
0x15: {  	s18 =	simm.s32 $0x0;
	s19 =	simm.s32 $0x0;
	[sflag:s13] =	ssyncset.done $0x0  }
0x16: {  	s20 =	simm.s32 $0x0;
	s21 =	simm.s32 $0x0;
	[sflag:s13] =	ssyncadd.s32 $0xFFFF8000  }
.LBB2_2:
0x17: {  	s22 =	sand.u32 $0x7800, s21;
	s23 =	sand.u32 $0x200, s19  }
0x18: {  	s23 =	sor.u32 s23, s22  }
0x19: {  	v10 =	vld [tilespmem:s23+$0x0]  }
0x1a: {  	v11 =	vld [tilespmem:s23+$0x10]  }
0x1b: {  	v12 =	vld [tilespmem:s23+$0x20]  }
0x1c: {  	s24 =	simm.s32 $0x1;
	v13 =	vld [tilespmem:s23+$0x30]  }
0x1d: {  	s24 =	simm.s32 @!p0 $0x0;
	v14 =	vld [tilespmem:s23+$0x40]  }
0x1e: {  	s24 =	sshll.u32 s24, $0x9;
	v15 =	vld [tilespmem:s23+$0x50]  }
0x1f: {  	v16 =	vld [tilespmem:s23+$0x60];
	s24 =	sadd.s32 s24, s21  }
0x20: {  	v17 =	vld [tilespmem:s23+$0x70];
	s31 =	sor.u32 $0x400, s24  }
0x21: {  	s25 =	sor.u32 $0x410, s24;
	v18 =	vld [tilespmem:s31+$0x0]  }
0x22: {  	s26 =	sor.u32 $0x420, s24;
	v19 =	vld [tilespmem:s25+$0x0]  }
0x23: {  	s28 =	sor.u32 $0x430, s24;
	v20 =	vld [tilespmem:s26+$0x0]  }
0x24: {  	s29 =	sor.u32 $0x440, s24;
	v21 =	vld [tilespmem:s28+$0x0]  }
0x25: {  	s30 =	sor.u32 $0x450, s24;
	v22 =	vld [tilespmem:s29+$0x0]  }
0x26: {  	v23 =	vld [tilespmem:s30+$0x0];
	s31 =	sor.u32 $0x460, s24;
	s25 =	sadd.s32 $0x80, s19  }
0x27: {  	s26 =	sor.u32 $0x470, s24;
	v24 =	vld [tilespmem:s31+$0x0];
	s28 =	sand.u32 $0x280, s25  }
0x28: {  	v25 =	vld [tilespmem:s26+$0x0];
	s24 =	sor.u32 s28, s22  }
0x29: {  	v41 =	vimm.s32 $0x0;
	vm0 =	vgt.f32 v11, v10;
	vm1 =	vgt.f32 v13, v12;
	v26 =	vld [tilespmem:s24+$0x0]  }
0x2a: {  	vm7 =	vgt.f32 v15, v14;
	vm8 =	vgt.f32 v17, v16;
	v27 =	vld [tilespmem:s24+$0x10];
	v10 =	vsel vm0, v11, v10  }
0x2b: {  	v28 =	vld [tilespmem:s24+$0x20];
	v11 =	vsel vm0, $0x1, v0;
	v12 =	vsel vm1, v13, v12;
	v37 =	vsel vm1, $0x3, v1  }
0x2c: {  	s29 =	sand.u32 $0x7, s18;
	v29 =	vld [tilespmem:s24+$0x30];
	v14 =	vsel vm7, v15, v14;
	v38 =	vsel vm7, $0x5, v2;
	v16 =	vsel vm8, v17, v16  }
0x2d: {  	s23 =	sshll.u32 s29, $0x7;
	v30 =	vld [tilespmem:s24+$0x40];
	v39 =	vsel vm8, $0x7, v3;
	vm3 =	vgt.f32 v12, v10;
	vm4 =	vgt.f32 v16, v14  }
0x2e: {  	s23 =	sadd.s32 s21, s23;
	v31 =	vld [tilespmem:s24+$0x50];
	vm9 =	vgt.f32 v19, v18;
	vm10 =	vgt.f32 v21, v20;
	vm11 =	vgt.f32 v23, v22  }
0x2f: {  	v32 =	vld [tilespmem:s24+$0x60];
	s25 =	sadd.s32 $0x80, s23;
	v10 =	vsel vm3, v12, v10;
	v11 =	vsel vm3, v37, v11;
	v14 =	vsel vm4, v16, v14  }
0x30: {  	v33 =	vld [tilespmem:s24+$0x70];
	s30 =	sor.u32 $0x400, s25;
	v59 =	vsel vm4, v39, v38;
	v18 =	vsel vm9, v19, v18;
	v40 =	vsel vm9, $0x9, v4  }
0x31: {  	s31 =	sor.u32 $0x410, s25;
	v34 =	vld [tilespmem:s30+$0x0];
	v20 =	vsel vm10, v21, v20;
	v22 =	vsel vm11, v23, v22;
	vm2 =	vgt.f32 v25, v24  }
0x32: {  	s26 =	sor.u32 $0x420, s25;
	v35 =	vld [tilespmem:s31+$0x0];
	v58 =	vsel vm10, $0xB, v5;
	v60 =	vsel vm11, $0xD, v7;
	vm14 =	vgt.f32 v14, v10  }
0x33: {  	s28 =	sor.u32 $0x430, s25;
	v36 =	vld [tilespmem:s26+$0x0];
	v24 =	vsel vm2, v25, v24;
	vm12 =	vgt.f32 v20, v18;
	v63 =	vsel vm2, $0xF, v8  }
0x34: {  	s23 =	sadd.s32 $0x180, s23;
	s29 =	sor.u32 $0x440, s25;
	v56 =	vld [tilespmem:s28+$0x0];
	v10 =	vsel vm14, v14, v10;
	v11 =	vsel vm14, v59, v11;
	vm13 =	vgt.f32 v24, v22  }
0x35: {  	s24 =	sor.u32 $0x400, s23;
	v15 =	vld [tilespmem:s29+$0x0];
	v18 =	vsel vm12, v20, v18;
	v62 =	vsel vm12, v58, v40;
	vm5 =	vgt.f32 v27, v26  }
0x36: {  	s30 =	sor.u32 $0x450, s25;
	v42 =	vld [tilespmem:s24+$0x0];
	vm6 =	vgt.f32 v29, v28;
	vm7 =	vgt.f32 v31, v30;
	vm8 =	vgt.f32 v33, v32  }
0x37: {  	s31 =	sor.u32 $0x460, s25;
	s26 =	sadd.s32 $0x100, s19;
	v17 =	vld [tilespmem:s30+$0x0];
	v61 =	vsel vm13, v24, v22;
	v44 =	vsel vm13, v63, v60;
	v46 =	vsel vm5, v27, v26  }
0x38: {  	s28 =	sor.u32 $0x470, s25;
	v19 =	vld [tilespmem:s31+$0x0];
	s29 =	sand.u32 $0x300, s26;
	v47 =	vsel vm5, $0x1, v0;
	v48 =	vsel vm6, v29, v28;
	v50 =	vsel vm6, $0x3, v1  }
0x39: {  	v57 =	vld [tilespmem:s28+$0x0];
	s30 =	sor.u32 s29, s22;
	v30 =	vsel vm7, v31, v30;
	v52 =	vsel vm7, $0x5, v2;
	v32 =	vsel vm8, v33, v32  }
0x3a: {  	v23 =	vld [tilespmem:s30+$0x0];
	v54 =	vsel vm8, $0x7, v3;
	v63 =	vimm.s32 $0x0;
	v31 =	vimm.s32 $0x0  }
0x3b: {  	v12 =	vld [tilespmem:s30+$0x10];
	vm15 =	vgt.f32 v61, v18;
	vm9 =	vgt.f32 v35, v34;
	vm10 =	vgt.f32 v56, v36  }
0x3c: {  	v16 =	vld [tilespmem:s30+$0x20];
	vm13 =	vgt.f32 v48, v46;
	vm14 =	vgt.f32 v32, v30;
	v43 =	vsel vm15, v61, v18  }
0x3d: {  	s31 =	sand.u32 $0x3, s17;
	v38 =	vld [tilespmem:s30+$0x30];
	v20 =	vsel vm15, v44, v62;
	v34 =	vsel vm9, v35, v34;
	v13 =	vsel vm10, v56, v36  }
0x3e: {  	s25 =	sshll.u32 s31, $0x8;
	v25 =	vld [tilespmem:s30+$0x50];
	vm11 =	vgt.f32 v17, v15;
	vm12 =	vgt.f32 v57, v19;
	v59 =	vsel vm9, $0x9, v4  }
0x3f: {  	s25 =	sadd.s32 s21, s25;
	v45 =	vld [tilespmem:s30+$0x70];
	v26 =	vsel vm13, v50, v47;
	v60 =	vsel vm10, $0xB, v5;
	v30 =	vsel vm14, v32, v30  }
0x40: {  	v22 =	vld [tilespmem:s30+$0x40];
	s25 =	sadd.s32 $0x100, s25;
	v39 =	vsel vm14, v54, v52;
	v52 =	vimm.s32 $0x0;
	vm4 =	vgt.f32 v43, v10  }
0x41: {  	s26 =	sor.u32 $0x400, s25;
	v18 =	vld [tilespmem:s30+$0x60];
	v15 =	vsel vm11, v17, v15;
	v57 =	vsel vm12, v57, v19;
	vm15 =	vgt.f32 v13, v34  }
0x42: {  	s28 =	sor.u32 $0x410, s25;
	v14 =	vld [tilespmem:s26+$0x0];
	v61 =	vsel vm11, $0xD, v7;
	v62 =	vsel vm12, $0xF, v8;
	v10 =	vsel vm4, v43, v10  }
0x43: {  	s29 =	sor.u32 $0x420, s25;
	v24 =	vld [tilespmem:s28+$0x0];
	v11 =	vsel vm4, v20, v11;
	v20 =	vsel vm13, v48, v46;
	vm4 =	vgt.f32 v57, v15  }
0x44: {  	s31 =	sor.u32 $0x440, s25;
	v49 =	vld [tilespmem:s29+$0x0];
	v13 =	vsel vm15, v13, v34;
	v21 =	vsel vm15, v60, v59;
	vm8 =	vgt.f32 v12, v23  }
0x45: {  	s30 =	sor.u32 $0x430, s25;
	v53 =	vld [tilespmem:s31+$0x0];
	vm9 =	vgt.f32 v38, v16;
	v43 =	vimm.s32 $0x0;
	v46 =	vimm.s32 $0x0  }
0x46: {  	s26 =	sor.u32 $0x450, s25;
	v51 =	vld [tilespmem:s30+$0x0];
	v59 =	vimm.s32 $0x0;
	v60 =	vimm.s32 $0x0;
	v15 =	vsel vm4, v57, v15  }
0x47: {  	s28 =	sor.u32 $0x460, s25;
	v55 =	vld [tilespmem:s26+$0x0];
	vm5 =	vgt.f32 v30, v20;
	v12 =	vsel vm8, v12, v23;
	vm10 =	vgt.f32 v25, v22  }
0x48: {  	v56 =	vld [tilespmem:s28+$0x0];
	s30 =	sor.u32 $0x470, s25;
	v16 =	vsel vm9, v38, v16;
	vm6 =	vgt.f32 v15, v13;
	v20 =	vsel vm5, v30, v20  }
0x49: {  	s25 =	sor.u32 $0x410, s23;
	v58 =	vld [tilespmem:s30+$0x0];
	v30 =	vsel vm4, v62, v61;
	v26 =	vsel vm5, v39, v26;
	v39 =	vimm.s32 $0x0  }
0x4a: {  	s26 =	sor.u32 $0x420, s23;
	v44 =	vld [tilespmem:s25+$0x0];
	v22 =	vsel vm10, v25, v22;
	vm4 =	vgt.f32 v16, v12;
	v62 =	vimm.s32 $0x0  }
0x4b: {  	s29 =	sadd.s32 $0x180, s19;
	s28 =	sor.u32 $0x430, s23;
	v47 =	vld [tilespmem:s26+$0x0];
	v13 =	vsel vm6, v15, v13;
	v21 =	vsel vm6, v30, v21;
	v30 =	vimm.s32 $0x0  }
0x4c: {  	s31 =	sand.u32 $0x380, s29;
	s29 =	sor.u32 $0x440, s23;
	v50 =	vld [tilespmem:s28+$0x0];
	v23 =	vsel vm9, $0xFFFFFFFF, v39;
	vm11 =	vgt.f32 v45, v18;
	vm12 =	vgt.f32 v24, v14  }
0x4d: {  	s22 =	sor.u32 s31, s22;
	v54 =	vld [tilespmem:s29+$0x0];
	v12 =	vsel vm4, v16, v12;
	vm7 =	vgt.f32 v13, v20;
	[tilespmem:$0x1FF10] =	vst v23;
	v23 =	vsel vm10, $0xFFFFFFFF, v41  }
0x4e: {  	v27 =	vld [tilespmem:s22+$0x0];
	v25 =	vsel vm11, $0xFFFFFFFF, v43;
	v18 =	vsel vm11, v45, v18;
	v45 =	vimm.s32 $0x0  }
0x4f: {  	v32 =	vld [tilespmem:s22+$0x10];
	vm13 =	vgt.f32 v51, v49;
	v14 =	vsel vm12, v24, v14;
	vm14 =	vgt.f32 v55, v53  }
0x50: {  	v40 =	vld [tilespmem:s22+$0x20];
	v34 =	vsel vm7, $0xFFFFFFFF, v63;
	v13 =	vsel vm7, v13, v20;
	v20 =	vsel vm8, $0xFFFFFFFF, v30  }
0x51: {  	v17 =	vld [tilespmem:s22+$0x30];
	v30 =	vsel vm12, $0xFFFFFFFF, v45;
	v48 =	vsel vm13, v51, v49;
	v49 =	vimm.s32 $0x0  }
0x52: {  	s31 =	sor.u32 $0x460, s23;
	v29 =	vld [tilespmem:s22+$0x40];
	v51 =	vsel vm14, v55, v53;
	vm15 =	vgt.f32 v58, v56;
	v53 =	vimm.s32 $0x0  }
0x53: {  	v57 =	vld [tilespmem:s31+$0x0];
	[tilespmem:$0x1FF20] =	vst v23;
	vm5 =	vgt.f32 v18, v22;
	v55 =	vimm.s32 $0x0;
	v63 =	vimm.s32 $0x0  }
0x54: {  	v15 =	vld [tilespmem:s22+$0x50];
	vm12 =	vgt.f32 v44, v42;
	[tilespmem:$0x1FF40] =	vst v30;
	v30 =	vsel vm13, $0xFFFFFFFF, v46;
	v28 =	vsel vm14, $0xFFFFFFFF, v49  }
0x55: {  	[tilespmem:$0x1FEF0] =	vst v34;
	v34 =	vld [tilespmem:s22+$0x60];
	v33 =	vsel vm15, $0xFFFFFFFF, v52;
	v19 =	vsel vm15, v58, v56;
	v16 =	vsel vm5, $0xFFFFFFFF, v55  }
0x56: {  	s30 =	sor.u32 $0x450, s23;
	[tilespmem:$0x1FF00] =	vst v20;
	v20 =	vld [tilespmem:s22+$0x70];
	v18 =	vsel vm5, v18, v22;
	vm7 =	vgt.f32 v48, v14;
	vm6 =	vgt.f32 v32, v27  }
0x57: {  	s23 =	sor.u32 $0x470, s23;
	v56 =	vld [tilespmem:s30+$0x0];
	vm9 =	vgt.f32 v17, v40;
	v23 =	vsel vm12, v44, v42;
	[tilespmem:$0x1FF70] =	vst v33;
	v33 =	vsel vm4, $0xFFFFFFFF, v53  }
0x58: {  	v58 =	vld [tilespmem:s23+$0x0];
	vm14 =	vgt.f32 v19, v51;
	v14 =	vsel vm7, v48, v14;
	vm8 =	vgt.f32 v18, v12  }
0x59: {  	v61 =	vsel vm6, v32, v27;
	v17 =	vsel vm9, v17, v40;
	v19 =	vsel vm14, v19, v51  }
0x5a: {  	(xrf0) =	vmax.scan.msk.f32 $0xffff, v10;
	v12 =	vsel vm8, v18, v12;
	v18 =	vsel vm6, $0xFFFFFFFF, v59;
	vm10 =	vgt.f32 v15, v29  }
0x5b: {  	[tilespmem:$0x1FFA0] =	vst v18;
	v18 =	vsel vm9, $0xFFFFFFFF, v60;
	v27 =	vsel vm10, $0xFFFFFFFF, v62;
	vm9 =	vgt.f32 v50, v47  }
0x5c: {  	v15 =	vsel vm10, v15, v29;
	v32 =	vsel vm9, v50, v47;
	vm11 =	vgt.f32 v20, v34  }
0x5d: {  	[tilespmem:$0x1FFC0] =	vst v27;
	vm10 =	vgt.f32 v56, v54;
	vm13 =	vgt.f32 v58, v57;
	v27 =	vsel vm11, $0xFFFFFFFF, v63  }
0x5e: {  	[tilespmem:$0x1FF90] =	vst v16;
	v20 =	vsel vm11, v20, v34;
	v34 =	vimm.s32 $0x0;
	v16 =	vsel vm10, v56, v54  }
0x5f: {  	vm11 =	vgt.f32 v17, v61;
	[tilespmem:$0x1FFD0] =	vst v27;
	v27 =	vsel vm12, $0xFFFFFFFF, v31;
	vm12 =	vgt.f32 v20, v15  }
0x60: {  	v22 =	vsel vm13, v58, v57;
	v17 =	vsel vm11, v17, v61;
	v15 =	vsel vm12, v20, v15  }
0x61: {  	v36, _, _ =	vpop (xrf0);
	vm6 =	vgt.f32 v22, v16;
	[tilespmem:$0x1FFE0] =	vst v27;
	v27 =	vsel vm13, $0xFFFFFFFF, v34;
	vm5 =	vgt.f32 v15, v17  }
0x62: {  	vm13 =	vgt.f32 v32, v23;
	v15 =	vsel vm5, v15, v17;
	v17 =	vbroadcast v36, $0xF  }
0x63: {  	vm2 =	vgt.f32 v19, v14;
	v16 =	vsel vm6, v22, v16;
	v35 =	vsel vm13, v32, v23  }
0x64: {  	v14 =	vsel vm2, v19, v14;
	vm4 =	vgt.f32 v16, v35;
	vm0 =	veq.f32 v10, v17;
	v10 =	vld [tilespmem:$0x1FEF0]  }
0x65: {  	v38 =	vld [tilespmem:$0x1FF00];
	vm1 =	vgt.f32 v14, v12;
	v16 =	vsel vm4, v16, v35  }
0x66: {  	v11 =	vshll.u32 v11, $0x4;
	v39 =	vld [tilespmem:$0x1FF10];
	(xrf0) =	vmax.scan.msk.f32 $0xffff, v13;
	v12 =	vsel vm1, v14, v12;
	vm3 =	vgt.f32 v16, v15  }
0x67: {  	v11 =	vor.u32 v9, v11;
	[tilespmem:$0x1FF30] =	vst v25;
	v40 =	vld [tilespmem:$0x1FF20];
	(xrf0) =	vmax.scan.msk.f32 $0xffff, v12;
	v37 =	vsel vm3, v16, v15  }
0x68: {  	v41 =	vld [tilespmem:$0x1FF30];
	v11 =	vnsel vm0, $0x80000100, v11;
	(xrf0) =	vmax.scan.msk.f32 $0xffff, v37  }
0x69: {  	[tilespmem:$0x1FF50] =	vst v30;
	(xrf0) =	vmin.scan.msk.u32 $0xffff, v11;
	v11 =	vld [tilespmem:$0x1FF40];
	vm15 =	vnez.u8 v10  }
0x6a: {  	[tilespmem:$0x1FF60] =	vst v28;
	v42 =	vld [tilespmem:$0x1FF50];
	v10 =	vsel vm15, v21, v26;
	vm15 =	vnez.u8 v38  }
0x6b: {  	v43 =	vld [tilespmem:$0x1FF60];
	v15 =	vsel vm15, $0x1, v0;
	vm15 =	vnez.u8 v39  }
0x6c: {  	v45 =	vld [tilespmem:$0x1FF70];
	v59 =	vsel vm9, $0xB, v5;
	v16 =	vsel vm15, $0x3, v1;
	vm15 =	vnez.u8 v40  }
0x6d: {  	[tilespmem:$0x1FF80] =	vst v33;
	v48 =	vld [tilespmem:$0x1FF90];
	v60 =	vsel vm10, $0xD, v7;
	v44, _, _ =	vpop (xrf0);
	v17 =	vsel vm15, $0x5, v2;
	vm15 =	vnez.u8 v41  }
0x6e: {  	v46 =	vld [tilespmem:$0x1FF80];
	[tilespmem:$0x1FFB0] =	vst v18;
	v47 =	vbroadcast v44, $0xF;
	v50, _, _ =	vpop (xrf0);
	v18 =	vsel vm15, $0x7, v3;
	vm15 =	vnez.u8 v11  }
0x6f: {  	v56 =	vld [tilespmem:$0x1FFD0];
	v57 =	vbroadcast v50, $0xF;
	v11 =	vsel vm15, $0x9, v4;
	vm15 =	vnez.u8 v42  }
0x70: {  	v54 =	vld [tilespmem:$0x1FFB0];
	v10 =	vshll.u32 v10, $0x4;
	v19 =	vsel vm15, $0xB, v5;
	vm15 =	vnez.u8 v43  }
0x71: {  	v55 =	vld [tilespmem:$0x1FFC0];
	[tilespmem:$0x1FFF0] =	vst v27;
	vm10 =	veq.f32 v12, v57;
	v10 =	vor.u32 v9, v10;
	v20 =	vsel vm15, $0xD, v7  }
0x72: {  	v61 =	vld [tilespmem:$0x1FFF0];
	v52, _, _ =	vpop (xrf0);
	vm15 =	vnez.u8 v45;
	v11 =	vsel vm7, v19, v11;
	vm7 =	veq.f32 v13, v47  }
0x73: {  	v53, _, _ =	vpop (xrf0);
	v22 =	vsel vm15, $0xF, v8;
	vm15 =	vnez.u8 v46;
	v10 =	vnsel vm7, $0x80000100, v10  }
0x74: {  	(v2sf) =	vpush v53, $0xF;
	vm7 =	vnez.u8 v56;
	v15 =	vsel vm15, v16, v15;
	(xrf0) =	vmin.scan.msk.u32 $0xffff, v10;
	v10 =	vld [tilespmem:$0x1FFA0]  }
0x75: {  	v58 =	vld [tilespmem:$0x1FFE0];
	vm15 =	vnez.u8 v48;
	v49 =	vsel vm14, v22, v20;
	vm14 =	vnez.u8 v54  }
0x76: {  	v17 =	vsel vm15, v18, v17;
	v11 =	vsel vm2, v49, v11;
	v16 =	vsel vm14, $0x3, v1  }
0x77: {  	vm15 =	vnez.u8 v55;
	vm14 =	vnez.u8 v61;
	v51 =	vsel vm8, v17, v15  }
0x78: {  	v13 =	vsel vm15, $0x5, v2;
	v17 =	vsel vm7, $0x7, v3;
	v11 =	vsel vm1, v11, v51  }
0x79: {  	v12 =	vsel vm14, $0xF, v8;
	v11 =	vshll.u32 v11, $0x4;
	vm8 =	vnez.u8 v10  }
0x7a: {  	v11 =	vor.u32 v9, v11;
	v10 =	vsel vm8, $0x1, v0;
	vm8 =	vnez.u8 v58  }
0x7b: {  	v13 =	vsel vm12, v17, v13;
	v11 =	vnsel vm10, $0x80000100, v11;
	v19 =	vsel vm8, $0x9, v4  }
0x7c: {  	v12 =	vsel vm6, v12, v60;
	v63, _, _ =	vpop (xrf0);
	v10 =	vsel vm11, v16, v10;
	(xrf0) =	vmin.scan.msk.u32 $0xffff, v11;
	v62 =	vsel vm13, v59, v19  }
0x7d: {  	(v2sf) =	vpush v63, $0xF;
	v10 =	vsel vm5, v13, v10;
	v11 =	vsel vm4, v12, v62  }
0x7e: {  	v10 =	vsel vm3, v11, v10;
	v11 =	vbroadcast v52, $0xF  }
0x7f: {  	v10 =	vshll.u32 v10, $0x4  }
0x80: {  	vm15 =	veq.f32 v37, v11;
	v10 =	vor.u32 v9, v10  }
0x81: {  	v10 =	vnsel vm15, $0x80000100, v10  }
0x82: {  	v11, _, _ =	vpop (xrf0);
	(xrf0) =	vmin.scan.msk.u32 $0xffff, v10  }
0x83: {  	(v2sf) =	vpush v11, $0xF;
	_ =	sdelay $0x2  }
0x84: {  	s24 =	spop (v2sf)  }
0x85: {  	s22 =	sshll.u32 s24, $0x3  }
0x86: {  	s22 =	sshra.s32 s22, $0x2;
	v10, _, _ =	vpop (xrf0)  }
0x87: {  	v11 =	vadd.s32 s20, v6;
	(v2sf) =	vpush v10, $0xF;
	v10 =	vld [tilespmem:s22+$0x10000];
	_ =	sdelay $0x2  }
0x88: {  	s25 =	spop (v2sf)  }
0x89: {  	s22 =	sshll.u32 s25, $0x3  }
0x8a: {  	s26 =	sadd.s32 $0x2, s20;
	s22 =	sshra.s32 s22, $0x2;
	[tilespmem:v11+s14+$0x0] =	vst.idx.msk $0x3, v10  }
0x8b: {  	v11 =	vadd.s32 s26, v6;
	v10 =	vld [tilespmem:s22+$0x10000];
	_ =	sdelay $0x2  }
0x8c: {  	s28 =	spop (v2sf)  }
0x8d: {  	s22 =	sshll.u32 s28, $0x3  }
0x8e: {  	s29 =	sadd.s32 $0x4, s20;
	[tilespmem:v11+s14+$0x0] =	vst.idx.msk $0x3, v10;
	s22 =	sshra.s32 s22, $0x2  }
0x8f: {  	v11 =	vadd.s32 s29, v6;
	v10 =	vld [tilespmem:s22+$0x10000];
	_ =	sdelay $0x2  }
0x90: {  	s30 =	spop (v2sf)  }
0x91: {  	s22 =	sshll.u32 s30, $0x3  }
0x92: {  	s31 =	sadd.s32 $0x6, s20;
	[tilespmem:v11+s14+$0x0] =	vst.idx.msk $0x3, v10;
	s22 =	sshra.s32 s22, $0x2  }
0x93: {  	p1 =	sne.s32 s21, $0x7C00;
	v11 =	vadd.s32 s31, v6;
	v10 =	vld [tilespmem:s22+$0x10000]  }
.Ltmp0:
0x94: {  	_ = 	snop;
	(pc) =	sbr.rel @p1 .LBB2_2-.Ltmp0, $3  }
0x95: {  	_ =	sdelay $0x1  }
0x96: {  	p0 =	por !p0, !p0;
	s18 =	sadd.s32 $0x4, s18;
	s17 =	sadd.s32 $0x2, s17  }
0x97: {  	s21 =	sadd.s32 $0x400, s21;
	s19 =	sadd.s32 $0x200, s19;
	s20 =	sadd.s32 $0x8, s20;
	[tilespmem:v11+s14+$0x0] =	vst.idx.msk $0x3, v10  }
0x98: {  	s17 =	simm.s32 $0x0  }
0x99: {  	[tilespmem:s17], [sflag:$0x1] =	stream.linear.gather [hbm4b:s6+s17], $0x8000, $0x38;
	[tilespmem:$0x10680] =	vst v63  }
0x9a: {  	_ =	swait.ge [sflag:s15], $0x8000  }
0x9b: {  	p0 =	por $0x0, $0x0;
	[sflag:s15] =	ssyncset.done $0x0  }
0x9c: {  	s18 =	simm.s32 $0x106;
	s19 =	simm.s32 $0x0;
	[sflag:s15] =	ssyncadd.s32 $0xFFFF8000  }
.LBB2_4:
0x9d: {  	s20 =	sand.u32 $0x7800, s19;
	s21 =	sand.u32 $0x200, s17  }
0x9e: {  	s20 =	sor.u32 s21, s20  }
0x9f: {  	v10 =	vld [tilespmem:s20+$0x8000]  }
0xa0: {  	v11 =	vld [tilespmem:s20+$0x8010]  }
0xa1: {  	v12 =	vld [tilespmem:s20+$0x8020]  }
0xa2: {  	v13 =	vld [tilespmem:s20+$0x8030]  }
0xa3: {  	v14 =	vld [tilespmem:s20+$0x8040]  }
0xa4: {  	v15 =	vld [tilespmem:s20+$0x8050]  }
0xa5: {  	v16 =	vld [tilespmem:s20+$0x8060]  }
0xa6: {  	v17 =	vld [tilespmem:s20+$0x8070]  }
0xa7: {  	v26 =	vld [tilespmem:s20+$0x8080]  }
0xa8: {  	v27 =	vld [tilespmem:s20+$0x8090]  }
0xa9: {  	v28 =	vld [tilespmem:s20+$0x80A0]  }
0xaa: {  	s21 =	simm.s32 $0x1;
	v29 =	vld [tilespmem:s20+$0x80B0]  }
0xab: {  	s21 =	simm.s32 @!p0 $0x0;
	v30 =	vld [tilespmem:s20+$0x80C0]  }
0xac: {  	v31 =	vld [tilespmem:s20+$0x80D0];
	s21 =	sshll.u32 s21, $0x9  }
0xad: {  	v32 =	vld [tilespmem:s20+$0x80E0];
	s21 =	sadd.s32 s21, s19  }
0xae: {  	v33 =	vld [tilespmem:s20+$0x80F0];
	s22 =	sor.u32 $0x400, s21  }
0xaf: {  	s26 =	sor.u32 $0x410, s21;
	v18 =	vld [tilespmem:s22+$0x8000]  }
0xb0: {  	v41 =	vimm.s32 $0x0;
	s28 =	sor.u32 $0x420, s21;
	v19 =	vld [tilespmem:s26+$0x8000];
	vm0 =	vgt.f32 v11, v10;
	vm1 =	vgt.f32 v13, v12  }
0xb1: {  	s29 =	sor.u32 $0x430, s21;
	v20 =	vld [tilespmem:s28+$0x8000];
	vm7 =	vgt.f32 v15, v14;
	vm8 =	vgt.f32 v17, v16;
	vm5 =	vgt.f32 v27, v26  }
0xb2: {  	s30 =	sor.u32 $0x440, s21;
	v21 =	vld [tilespmem:s29+$0x8000];
	vm6 =	vgt.f32 v29, v28;
	v10 =	vsel vm0, v11, v10;
	v11 =	vsel vm0, $0x1, v0  }
0xb3: {  	s31 =	sor.u32 $0x450, s21;
	v22 =	vld [tilespmem:s30+$0x8000];
	v12 =	vsel vm1, v13, v12;
	v37 =	vsel vm1, $0x3, v1;
	v14 =	vsel vm7, v15, v14  }
0xb4: {  	s23 =	sor.u32 $0x460, s21;
	v23 =	vld [tilespmem:s31+$0x8000];
	v38 =	vsel vm7, $0x5, v2;
	v16 =	vsel vm8, v17, v16;
	v39 =	vsel vm8, $0x7, v3  }
0xb5: {  	s24 =	sor.u32 $0x470, s21;
	s25 =	sadd.s32 $0x80, s21;
	v24 =	vld [tilespmem:s23+$0x8000];
	v46 =	vsel vm5, v27, v26;
	v47 =	vsel vm5, $0x1, v0;
	v48 =	vsel vm6, v29, v28  }
0xb6: {  	v25 =	vld [tilespmem:s24+$0x8000];
	s23 =	sor.u32 $0x400, s25;
	vm7 =	vgt.f32 v31, v30;
	v50 =	vsel vm6, $0x3, v1;
	vm8 =	vgt.f32 v33, v32  }
0xb7: {  	s26 =	sor.u32 $0x410, s25;
	v34 =	vld [tilespmem:s23+$0x8000];
	vm3 =	vgt.f32 v12, v10;
	vm4 =	vgt.f32 v16, v14;
	v30 =	vsel vm7, v31, v30  }
0xb8: {  	s28 =	sor.u32 $0x420, s25;
	v35 =	vld [tilespmem:s26+$0x8000];
	v52 =	vsel vm7, $0x5, v2;
	v32 =	vsel vm8, v33, v32;
	v54 =	vsel vm8, $0x7, v3  }
0xb9: {  	s29 =	sor.u32 $0x430, s25;
	v36 =	vld [tilespmem:s28+$0x8000];
	v31 =	vimm.s32 $0x0;
	v10 =	vsel vm3, v12, v10;
	v11 =	vsel vm3, v37, v11  }
0xba: {  	s22 =	sor.u32 $0x470, s25;
	v56 =	vld [tilespmem:s29+$0x8000];
	v14 =	vsel vm4, v16, v14;
	v59 =	vsel vm4, v39, v38;
	vm9 =	vgt.f32 v19, v18  }
0xbb: {  	s30 =	sor.u32 $0x440, s25;
	v57 =	vld [tilespmem:s22+$0x8000];
	vm10 =	vgt.f32 v21, v20;
	vm11 =	vgt.f32 v23, v22;
	vm2 =	vgt.f32 v25, v24  }
0xbc: {  	s31 =	sor.u32 $0x450, s25;
	s22 =	sadd.s32 $0x100, s21;
	v15 =	vld [tilespmem:s30+$0x8000];
	vm14 =	vgt.f32 v14, v10;
	v18 =	vsel vm9, v19, v18;
	v40 =	vsel vm9, $0x9, v4  }
0xbd: {  	v17 =	vld [tilespmem:s31+$0x8000];
	s28 =	sor.u32 $0x420, s22;
	v20 =	vsel vm10, v21, v20;
	v22 =	vsel vm11, v23, v22;
	v24 =	vsel vm2, v25, v24  }
0xbe: {  	s30 =	sor.u32 $0x440, s22;
	v49 =	vld [tilespmem:s28+$0x8000];
	v58 =	vsel vm10, $0xB, v5;
	v60 =	vsel vm11, $0xD, v7;
	v63 =	vsel vm2, $0xF, v8  }
0xbf: {  	s31 =	sor.u32 $0x450, s22;
	v53 =	vld [tilespmem:s30+$0x8000];
	v10 =	vsel vm14, v14, v10;
	v11 =	vsel vm14, v59, v11;
	vm9 =	vgt.f32 v35, v34  }
0xc0: {  	v55 =	vld [tilespmem:s31+$0x8000];
	vm10 =	vgt.f32 v56, v36;
	vm14 =	vgt.f32 v32, v30;
	vm12 =	vgt.f32 v20, v18  }
0xc1: {  	v16 =	vld [tilespmem:s20+$0x8120];
	vm13 =	vgt.f32 v24, v22;
	v34 =	vsel vm9, v35, v34;
	v13 =	vsel vm10, v56, v36  }
0xc2: {  	v38 =	vld [tilespmem:s20+$0x8130];
	vm11 =	vgt.f32 v17, v15;
	v59 =	vsel vm9, $0x9, v4;
	v30 =	vsel vm14, v32, v30  }
0xc3: {  	s24 =	sor.u32 $0x460, s25;
	v12 =	vld [tilespmem:s20+$0x8110];
	v39 =	vsel vm14, v54, v52;
	v52 =	vimm.s32 $0x0;
	v18 =	vsel vm12, v20, v18  }
0xc4: {  	v19 =	vld [tilespmem:s24+$0x8000];
	v61 =	vsel vm13, v24, v22;
	v62 =	vsel vm12, v58, v40;
	v44 =	vsel vm13, v63, v60  }
0xc5: {  	s29 =	sor.u32 $0x430, s22;
	v23 =	vld [tilespmem:s20+$0x8100];
	v15 =	vsel vm11, v17, v15;
	vm13 =	vgt.f32 v48, v46;
	v60 =	vsel vm10, $0xB, v5  }
0xc6: {  	v51 =	vld [tilespmem:s29+$0x8000];
	v63 =	vimm.s32 $0x0;
	vm14 =	vgt.f32 v55, v53;
	vm15 =	vgt.f32 v61, v18  }
0xc7: {  	s25 =	sor.u32 $0x400, s22;
	v25 =	vld [tilespmem:s20+$0x8150];
	v26 =	vsel vm13, v50, v47;
	vm9 =	vgt.f32 v38, v16;
	v43 =	vsel vm15, v61, v18  }
0xc8: {  	v14 =	vld [tilespmem:s25+$0x8000];
	v20 =	vsel vm15, v44, v62;
	vm15 =	vgt.f32 v13, v34;
	v61 =	vsel vm11, $0xD, v7  }
0xc9: {  	s26 =	sor.u32 $0x410, s22;
	v22 =	vld [tilespmem:s20+$0x8140];
	v16 =	vsel vm9, v38, v16;
	vm4 =	vgt.f32 v43, v10;
	vm12 =	vgt.f32 v57, v19  }
0xca: {  	s24 =	sor.u32 $0x460, s22;
	v24 =	vld [tilespmem:s26+$0x8000];
	v13 =	vsel vm15, v13, v34;
	v21 =	vsel vm15, v60, v59;
	vm8 =	vgt.f32 v12, v23  }
0xcb: {  	s22 =	sor.u32 $0x470, s22;
	v56 =	vld [tilespmem:s24+$0x8000];
	v59 =	vimm.s32 $0x0;
	v60 =	vimm.s32 $0x0;
	v10 =	vsel vm4, v43, v10  }
0xcc: {  	v58 =	vld [tilespmem:s22+$0x8000];
	v11 =	vsel vm4, v20, v11;
	v57 =	vsel vm12, v57, v19;
	v20 =	vsel vm13, v48, v46  }
0xcd: {  	v62 =	vsel vm12, $0xF, v8;
	v12 =	vsel vm8, v12, v23;
	v43 =	vimm.s32 $0x0  }
0xce: {  	v45 =	vld [tilespmem:s20+$0x8170];
	vm13 =	vgt.f32 v51, v49;
	v46 =	vimm.s32 $0x0;
	vm4 =	vgt.f32 v57, v15  }
0xcf: {  	v27 =	vld [tilespmem:s20+$0x8180];
	vm5 =	vgt.f32 v30, v20;
	vm10 =	vgt.f32 v25, v22;
	vm12 =	vgt.f32 v24, v14  }
0xd0: {  	v29 =	vld [tilespmem:s20+$0x81C0];
	v48 =	vsel vm13, v51, v49;
	v49 =	vimm.s32 $0x0;
	v51 =	vsel vm14, v55, v53  }
0xd1: {  	v18 =	vld [tilespmem:s20+$0x8160];
	vm15 =	vgt.f32 v58, v56;
	v53 =	vimm.s32 $0x0;
	v55 =	vimm.s32 $0x0  }
0xd2: {  	v40 =	vld [tilespmem:s20+$0x81A0];
	v15 =	vsel vm4, v57, v15;
	v20 =	vsel vm5, v30, v20;
	v30 =	vsel vm4, v62, v61  }
0xd3: {  	s21 =	sadd.s32 $0x180, s21;
	v17 =	vld [tilespmem:s20+$0x81B0];
	v26 =	vsel vm5, v39, v26;
	v39 =	vimm.s32 $0x0;
	v22 =	vsel vm10, v25, v22  }
0xd4: {  	s25 =	sor.u32 $0x400, s21;
	v32 =	vld [tilespmem:s20+$0x8190];
	v14 =	vsel vm12, v24, v14;
	v28 =	vsel vm14, $0xFFFFFFFF, v49;
	v33 =	vsel vm15, $0xFFFFFFFF, v52  }
0xd5: {  	s30 =	sor.u32 $0x440, s21;
	v42 =	vld [tilespmem:s25+$0x8000];
	vm4 =	vgt.f32 v16, v12;
	v19 =	vsel vm15, v58, v56;
	v62 =	vimm.s32 $0x0  }
0xd6: {  	s28 =	sor.u32 $0x420, s21;
	v54 =	vld [tilespmem:s30+$0x8000];
	vm6 =	vgt.f32 v15, v13;
	v23 =	vsel vm9, $0xFFFFFFFF, v39;
	vm11 =	vgt.f32 v45, v18  }
0xd7: {  	s29 =	sor.u32 $0x430, s21;
	v47 =	vld [tilespmem:s28+$0x8000];
	[tilespmem:$0x1FE60] =	vst v33;
	v33 =	vsel vm4, $0xFFFFFFFF, v53;
	v12 =	vsel vm4, v16, v12;
	vm14 =	vgt.f32 v19, v51  }
0xd8: {  	s26 =	sor.u32 $0x410, s21;
	v50 =	vld [tilespmem:s29+$0x8000];
	vm9 =	vgt.f32 v17, v40;
	v13 =	vsel vm6, v15, v13;
	v21 =	vsel vm6, v30, v21  }
0xd9: {  	s31 =	sor.u32 $0x450, s21;
	v44 =	vld [tilespmem:s26+$0x8000];
	v30 =	vimm.s32 $0x0;
	[tilespmem:$0x1FE00] =	vst v23;
	v23 =	vsel vm10, $0xFFFFFFFF, v41;
	v25 =	vsel vm11, $0xFFFFFFFF, v43  }
0xda: {  	s22 =	sor.u32 $0x460, s21;
	v56 =	vld [tilespmem:s31+$0x8000];
	v18 =	vsel vm11, v45, v18;
	v45 =	vimm.s32 $0x0;
	v19 =	vsel vm14, v19, v51  }
0xdb: {  	s23 =	sor.u32 $0x470, s21;
	v57 =	vld [tilespmem:s22+$0x8000];
	vm6 =	vgt.f32 v32, v27;
	v17 =	vsel vm9, v17, v40;
	vm7 =	vgt.f32 v13, v20  }
0xdc: {  	v58 =	vld [tilespmem:s23+$0x8000];
	vm5 =	vgt.f32 v18, v22;
	v61 =	vsel vm6, v32, v27;
	v34 =	vsel vm7, $0xFFFFFFFF, v63  }
0xdd: {  	v15 =	vld [tilespmem:s20+$0x81D0];
	v13 =	vsel vm7, v13, v20;
	v20 =	vsel vm8, $0xFFFFFFFF, v30;
	v30 =	vsel vm12, $0xFFFFFFFF, v45;
	[tilespmem:$0x1FDE0] =	vst v34  }
0xde: {  	v16 =	vsel vm5, $0xFFFFFFFF, v55;
	v18 =	vsel vm5, v18, v22;
	vm7 =	vgt.f32 v48, v14;
	v34 =	vld [tilespmem:s20+$0x81E0];
	[tilespmem:$0x1FDF0] =	vst v20  }
0xdf: {  	v63 =	vimm.s32 $0x0;
	vm12 =	vgt.f32 v44, v42;
	v20 =	vld [tilespmem:s20+$0x81F0];
	[tilespmem:$0x1FE30] =	vst v30;
	v30 =	vsel vm13, $0xFFFFFFFF, v46  }
0xe0: {  	[tilespmem:$0x1FE10] =	vst v23;
	v14 =	vsel vm7, v48, v14;
	vm8 =	vgt.f32 v18, v12;
	v23 =	vsel vm12, v44, v42  }
0xe1: {  	(xrf0) =	vmax.scan.msk.f32 $0xffff, v10;
	vm13 =	vgt.f32 v58, v57;
	v12 =	vsel vm8, v18, v12;
	v18 =	vsel vm6, $0xFFFFFFFF, v59  }
0xe2: {  	v22 =	vsel vm13, v58, v57;
	[tilespmem:$0x1FE90] =	vst v18;
	v18 =	vsel vm9, $0xFFFFFFFF, v60;
	vm10 =	vgt.f32 v15, v29  }
0xe3: {  	vm9 =	vgt.f32 v50, v47;
	v27 =	vsel vm10, $0xFFFFFFFF, v62;
	v15 =	vsel vm10, v15, v29  }
0xe4: {  	[tilespmem:$0x1FE80] =	vst v16;
	v32 =	vsel vm9, v50, v47;
	vm10 =	vgt.f32 v56, v54;
	vm11 =	vgt.f32 v20, v34  }
0xe5: {  	[tilespmem:$0x1FEB0] =	vst v27;
	v16 =	vsel vm10, v56, v54;
	v27 =	vsel vm11, $0xFFFFFFFF, v63;
	v20 =	vsel vm11, v20, v34  }
0xe6: {  	vm11 =	vgt.f32 v17, v61;
	[tilespmem:$0x1FEC0] =	vst v27;
	v27 =	vsel vm12, $0xFFFFFFFF, v31;
	vm12 =	vgt.f32 v20, v15  }
0xe7: {  	v34 =	vimm.s32 $0x0;
	v17 =	vsel vm11, v17, v61;
	v15 =	vsel vm12, v20, v15  }
0xe8: {  	v36, _, _ =	vpop (xrf0);
	vm6 =	vgt.f32 v22, v16;
	[tilespmem:$0x1FED0] =	vst v27;
	v27 =	vsel vm13, $0xFFFFFFFF, v34;
	vm5 =	vgt.f32 v15, v17  }
0xe9: {  	vm13 =	vgt.f32 v32, v23;
	v15 =	vsel vm5, v15, v17;
	v17 =	vbroadcast v36, $0xF  }
0xea: {  	vm2 =	vgt.f32 v19, v14;
	v16 =	vsel vm6, v22, v16;
	v35 =	vsel vm13, v32, v23  }
0xeb: {  	v14 =	vsel vm2, v19, v14;
	vm4 =	vgt.f32 v16, v35;
	vm0 =	veq.f32 v10, v17;
	v10 =	vld [tilespmem:$0x1FDE0]  }
0xec: {  	v38 =	vld [tilespmem:$0x1FDF0];
	vm1 =	vgt.f32 v14, v12;
	v16 =	vsel vm4, v16, v35  }
0xed: {  	v11 =	vshll.u32 v11, $0x4;
	v39 =	vld [tilespmem:$0x1FE00];
	(xrf0) =	vmax.scan.msk.f32 $0xffff, v13;
	v12 =	vsel vm1, v14, v12;
	vm3 =	vgt.f32 v16, v15  }
0xee: {  	v11 =	vor.u32 v9, v11;
	[tilespmem:$0x1FE20] =	vst v25;
	v40 =	vld [tilespmem:$0x1FE10];
	(xrf0) =	vmax.scan.msk.f32 $0xffff, v12;
	v37 =	vsel vm3, v16, v15  }
0xef: {  	v41 =	vld [tilespmem:$0x1FE20];
	v11 =	vnsel vm0, $0x80000100, v11;
	(xrf0) =	vmax.scan.msk.f32 $0xffff, v37  }
0xf0: {  	[tilespmem:$0x1FE40] =	vst v30;
	(xrf0) =	vmin.scan.msk.u32 $0xffff, v11;
	v11 =	vld [tilespmem:$0x1FE30];
	vm15 =	vnez.u8 v10  }
0xf1: {  	[tilespmem:$0x1FE50] =	vst v28;
	v42 =	vld [tilespmem:$0x1FE40];
	v10 =	vsel vm15, v21, v26;
	vm15 =	vnez.u8 v38  }
0xf2: {  	v43 =	vld [tilespmem:$0x1FE50];
	v15 =	vsel vm15, $0x1, v0;
	vm15 =	vnez.u8 v39  }
0xf3: {  	[tilespmem:$0x1FE70] =	vst v33;
	v45 =	vld [tilespmem:$0x1FE60];
	v59 =	vsel vm9, $0xB, v5;
	v16 =	vsel vm15, $0x3, v1;
	vm15 =	vnez.u8 v40  }
0xf4: {  	v46 =	vld [tilespmem:$0x1FE70];
	v60 =	vsel vm10, $0xD, v7;
	v44, _, _ =	vpop (xrf0);
	v17 =	vsel vm15, $0x5, v2;
	vm15 =	vnez.u8 v41  }
0xf5: {  	v48 =	vld [tilespmem:$0x1FE80];
	[tilespmem:$0x1FEA0] =	vst v18;
	v47 =	vbroadcast v44, $0xF;
	v50, _, _ =	vpop (xrf0);
	v18 =	vsel vm15, $0x7, v3;
	vm15 =	vnez.u8 v11  }
0xf6: {  	v56 =	vld [tilespmem:$0x1FEC0];
	v57 =	vbroadcast v50, $0xF;
	v11 =	vsel vm15, $0x9, v4;
	vm15 =	vnez.u8 v42  }
0xf7: {  	v54 =	vld [tilespmem:$0x1FEA0];
	v10 =	vshll.u32 v10, $0x4;
	v19 =	vsel vm15, $0xB, v5;
	vm15 =	vnez.u8 v43  }
0xf8: {  	v55 =	vld [tilespmem:$0x1FEB0];
	[tilespmem:$0x1FEE0] =	vst v27;
	vm10 =	veq.f32 v12, v57;
	v10 =	vor.u32 v9, v10;
	v20 =	vsel vm15, $0xD, v7  }
0xf9: {  	v61 =	vld [tilespmem:$0x1FEE0];
	v52, _, _ =	vpop (xrf0);
	vm15 =	vnez.u8 v45;
	v11 =	vsel vm7, v19, v11;
	vm7 =	veq.f32 v13, v47  }
0xfa: {  	v53, _, _ =	vpop (xrf0);
	v22 =	vsel vm15, $0xF, v8;
	vm15 =	vnez.u8 v46;
	v10 =	vnsel vm7, $0x80000100, v10  }
0xfb: {  	(v2sf) =	vpush v53, $0xF;
	vm7 =	vnez.u8 v56;
	v15 =	vsel vm15, v16, v15;
	(xrf0) =	vmin.scan.msk.u32 $0xffff, v10;
	v10 =	vld [tilespmem:$0x1FE90]  }
0xfc: {  	v58 =	vld [tilespmem:$0x1FED0];
	vm15 =	vnez.u8 v48;
	v49 =	vsel vm14, v22, v20;
	vm14 =	vnez.u8 v54  }
0xfd: {  	v17 =	vsel vm15, v18, v17;
	v11 =	vsel vm2, v49, v11;
	v16 =	vsel vm14, $0x3, v1  }
0xfe: {  	vm15 =	vnez.u8 v55;
	vm14 =	vnez.u8 v61;
	v51 =	vsel vm8, v17, v15  }
0xff: {  	v13 =	vsel vm15, $0x5, v2;
	v17 =	vsel vm7, $0x7, v3;
	v11 =	vsel vm1, v11, v51  }
0x100: {  	v12 =	vsel vm14, $0xF, v8;
	v11 =	vshll.u32 v11, $0x4;
	vm8 =	vnez.u8 v10  }
0x101: {  	v11 =	vor.u32 v9, v11;
	v10 =	vsel vm8, $0x1, v0;
	vm8 =	vnez.u8 v58  }
0x102: {  	v13 =	vsel vm12, v17, v13;
	v11 =	vnsel vm10, $0x80000100, v11;
	v19 =	vsel vm8, $0x9, v4  }
0x103: {  	v12 =	vsel vm6, v12, v60;
	v63, _, _ =	vpop (xrf0);
	v10 =	vsel vm11, v16, v10;
	(xrf0) =	vmin.scan.msk.u32 $0xffff, v11;
	v62 =	vsel vm13, v59, v19  }
0x104: {  	(v2sf) =	vpush v63, $0xF;
	v10 =	vsel vm5, v13, v10;
	v11 =	vsel vm4, v12, v62  }
0x105: {  	v10 =	vsel vm3, v11, v10;
	v11 =	vbroadcast v52, $0xF  }
0x106: {  	v10 =	vshll.u32 v10, $0x4  }
0x107: {  	vm15 =	veq.f32 v37, v11;
	v10 =	vor.u32 v9, v10  }
0x108: {  	v10 =	vnsel vm15, $0x80000100, v10  }
0x109: {  	v11, _, _ =	vpop (xrf0);
	(xrf0) =	vmin.scan.msk.u32 $0xffff, v10  }
0x10a: {  	(v2sf) =	vpush v11, $0xF;
	_ =	sdelay $0x2  }
0x10b: {  	s24 =	spop (v2sf)  }
0x10c: {  	s20 =	sshll.u32 s24, $0x3  }
0x10d: {  	s25 =	sadd.s32 $0xFFFFFFFA, s18;
	s20 =	sshra.s32 s20, $0x2;
	v10, _, _ =	vpop (xrf0)  }
0x10e: {  	v11 =	vadd.s32 s25, v6;
	(v2sf) =	vpush v10, $0xF;
	v10 =	vld [tilespmem:s20+$0x10000];
	_ =	sdelay $0x2  }
0x10f: {  	s26 =	spop (v2sf)  }
0x110: {  	s20 =	sshll.u32 s26, $0x3  }
0x111: {  	s28 =	sadd.s32 $0xFFFFFFFC, s18;
	s20 =	sshra.s32 s20, $0x2;
	[tilespmem:v11+s14+$0x0] =	vst.idx.msk $0x3, v10  }
0x112: {  	v11 =	vadd.s32 s28, v6;
	v10 =	vld [tilespmem:s20+$0x10000];
	_ =	sdelay $0x2  }
0x113: {  	s29 =	spop (v2sf)  }
0x114: {  	s20 =	sshll.u32 s29, $0x3  }
0x115: {  	s30 =	sadd.s32 $0xFFFFFFFE, s18;
	[tilespmem:v11+s14+$0x0] =	vst.idx.msk $0x3, v10;
	s20 =	sshra.s32 s20, $0x2  }
0x116: {  	v11 =	vadd.s32 s30, v6;
	v10 =	vld [tilespmem:s20+$0x10000];
	_ =	sdelay $0x2  }
0x117: {  	s31 =	spop (v2sf)  }
0x118: {  	s20 =	sshll.u32 s31, $0x3  }
0x119: {  	[tilespmem:v11+s14+$0x0] =	vst.idx.msk $0x3, v10;
	s20 =	sshra.s32 s20, $0x2  }
0x11a: {  	p1 =	sne.s32 s19, $0x7C00;
	v11 =	vadd.s32 s18, v6;
	v10 =	vld [tilespmem:s20+$0x10000]  }
.Ltmp1:
0x11b: {  	_ = 	snop;
	(pc) =	sbr.rel @p1 .LBB2_4-.Ltmp1, $3  }
0x11c: {  	_ =	sdelay $0x1  }
0x11d: {  	s17 =	sadd.s32 $0x200, s17  }
0x11e: {  	p0 =	por !p0, !p0;
	s19 =	sadd.s32 $0x400, s19;
	s18 =	sadd.s32 $0x8, s18;
	[tilespmem:v11+s14+$0x0] =	vst.idx.msk $0x3, v10  }
0x11f: {  	s17 =	simm.s32 $0x0  }
0x120: {  	[tilespmem:s12], [sflag:$0x2] =	stream.linear.gather [hbm4b:s7+s17], $0x8000, $0x38;
	[tilespmem:$0x10680] =	vst v63  }
0x121: {  	_ =	swait.ge [sflag:s13], $0x8000  }
0x122: {  	p0 =	por $0x0, $0x0;
	[sflag:s13] =	ssyncset.done $0x0  }
0x123: {  	s18 =	simm.s32 $0x206;
	s19 =	simm.s32 $0x0;
	[sflag:s13] =	ssyncadd.s32 $0xFFFF8000  }
.LBB2_6:
0x124: {  	s20 =	sand.u32 $0x7800, s19;
	s21 =	sand.u32 $0x200, s17  }
0x125: {  	s20 =	sor.u32 s21, s20  }
0x126: {  	v10 =	vld [tilespmem:s20+$0x0]  }
0x127: {  	v11 =	vld [tilespmem:s20+$0x10]  }
0x128: {  	v12 =	vld [tilespmem:s20+$0x20]  }
0x129: {  	v13 =	vld [tilespmem:s20+$0x30]  }
0x12a: {  	v14 =	vld [tilespmem:s20+$0x40]  }
0x12b: {  	v15 =	vld [tilespmem:s20+$0x50]  }
0x12c: {  	v16 =	vld [tilespmem:s20+$0x60]  }
0x12d: {  	v17 =	vld [tilespmem:s20+$0x70]  }
0x12e: {  	v26 =	vld [tilespmem:s20+$0x80]  }
0x12f: {  	v27 =	vld [tilespmem:s20+$0x90]  }
0x130: {  	v28 =	vld [tilespmem:s20+$0xA0]  }
0x131: {  	s21 =	simm.s32 $0x1;
	v29 =	vld [tilespmem:s20+$0xB0]  }
0x132: {  	s21 =	simm.s32 @!p0 $0x0;
	v30 =	vld [tilespmem:s20+$0xC0]  }
0x133: {  	v31 =	vld [tilespmem:s20+$0xD0];
	s21 =	sshll.u32 s21, $0x9  }
0x134: {  	v32 =	vld [tilespmem:s20+$0xE0];
	s21 =	sadd.s32 s21, s19  }
0x135: {  	v33 =	vld [tilespmem:s20+$0xF0];
	s22 =	sor.u32 $0x400, s21  }
0x136: {  	s26 =	sor.u32 $0x410, s21;
	v18 =	vld [tilespmem:s22+$0x0]  }
0x137: {  	v41 =	vimm.s32 $0x0;
	s28 =	sor.u32 $0x420, s21;
	v19 =	vld [tilespmem:s26+$0x0];
	vm0 =	vgt.f32 v11, v10;
	vm1 =	vgt.f32 v13, v12  }
0x138: {  	s29 =	sor.u32 $0x430, s21;
	v20 =	vld [tilespmem:s28+$0x0];
	vm7 =	vgt.f32 v15, v14;
	vm8 =	vgt.f32 v17, v16;
	vm5 =	vgt.f32 v27, v26  }
0x139: {  	s30 =	sor.u32 $0x440, s21;
	v21 =	vld [tilespmem:s29+$0x0];
	vm6 =	vgt.f32 v29, v28;
	v10 =	vsel vm0, v11, v10;
	v11 =	vsel vm0, $0x1, v0  }
0x13a: {  	s31 =	sor.u32 $0x450, s21;
	v22 =	vld [tilespmem:s30+$0x0];
	v12 =	vsel vm1, v13, v12;
	v37 =	vsel vm1, $0x3, v1;
	v14 =	vsel vm7, v15, v14  }
0x13b: {  	s23 =	sor.u32 $0x460, s21;
	v23 =	vld [tilespmem:s31+$0x0];
	v38 =	vsel vm7, $0x5, v2;
	v16 =	vsel vm8, v17, v16;
	v39 =	vsel vm8, $0x7, v3  }
0x13c: {  	s24 =	sor.u32 $0x470, s21;
	s25 =	sadd.s32 $0x80, s21;
	v24 =	vld [tilespmem:s23+$0x0];
	v46 =	vsel vm5, v27, v26;
	v47 =	vsel vm5, $0x1, v0;
	v48 =	vsel vm6, v29, v28  }
0x13d: {  	v25 =	vld [tilespmem:s24+$0x0];
	s23 =	sor.u32 $0x400, s25;
	vm7 =	vgt.f32 v31, v30;
	v50 =	vsel vm6, $0x3, v1;
	vm8 =	vgt.f32 v33, v32  }
0x13e: {  	s26 =	sor.u32 $0x410, s25;
	v34 =	vld [tilespmem:s23+$0x0];
	vm3 =	vgt.f32 v12, v10;
	vm4 =	vgt.f32 v16, v14;
	v30 =	vsel vm7, v31, v30  }
0x13f: {  	s28 =	sor.u32 $0x420, s25;
	v35 =	vld [tilespmem:s26+$0x0];
	v52 =	vsel vm7, $0x5, v2;
	v32 =	vsel vm8, v33, v32;
	v54 =	vsel vm8, $0x7, v3  }
0x140: {  	s29 =	sor.u32 $0x430, s25;
	v36 =	vld [tilespmem:s28+$0x0];
	v31 =	vimm.s32 $0x0;
	v10 =	vsel vm3, v12, v10;
	v11 =	vsel vm3, v37, v11  }
0x141: {  	s22 =	sor.u32 $0x470, s25;
	v56 =	vld [tilespmem:s29+$0x0];
	v14 =	vsel vm4, v16, v14;
	v59 =	vsel vm4, v39, v38;
	vm9 =	vgt.f32 v19, v18  }
0x142: {  	s30 =	sor.u32 $0x440, s25;
	v57 =	vld [tilespmem:s22+$0x0];
	vm10 =	vgt.f32 v21, v20;
	vm11 =	vgt.f32 v23, v22;
	vm2 =	vgt.f32 v25, v24  }
0x143: {  	s31 =	sor.u32 $0x450, s25;
	s22 =	sadd.s32 $0x100, s21;
	v15 =	vld [tilespmem:s30+$0x0];
	vm14 =	vgt.f32 v14, v10;
	v18 =	vsel vm9, v19, v18;
	v40 =	vsel vm9, $0x9, v4  }
0x144: {  	v17 =	vld [tilespmem:s31+$0x0];
	s28 =	sor.u32 $0x420, s22;
	v20 =	vsel vm10, v21, v20;
	v22 =	vsel vm11, v23, v22;
	v24 =	vsel vm2, v25, v24  }
0x145: {  	s30 =	sor.u32 $0x440, s22;
	v49 =	vld [tilespmem:s28+$0x0];
	v58 =	vsel vm10, $0xB, v5;
	v60 =	vsel vm11, $0xD, v7;
	v63 =	vsel vm2, $0xF, v8  }
0x146: {  	s31 =	sor.u32 $0x450, s22;
	v53 =	vld [tilespmem:s30+$0x0];
	v10 =	vsel vm14, v14, v10;
	v11 =	vsel vm14, v59, v11;
	vm9 =	vgt.f32 v35, v34  }
0x147: {  	v55 =	vld [tilespmem:s31+$0x0];
	vm10 =	vgt.f32 v56, v36;
	vm14 =	vgt.f32 v32, v30;
	vm12 =	vgt.f32 v20, v18  }
0x148: {  	v16 =	vld [tilespmem:s20+$0x120];
	vm13 =	vgt.f32 v24, v22;
	v34 =	vsel vm9, v35, v34;
	v13 =	vsel vm10, v56, v36  }
0x149: {  	v38 =	vld [tilespmem:s20+$0x130];
	vm11 =	vgt.f32 v17, v15;
	v59 =	vsel vm9, $0x9, v4;
	v30 =	vsel vm14, v32, v30  }
0x14a: {  	s24 =	sor.u32 $0x460, s25;
	v12 =	vld [tilespmem:s20+$0x110];
	v39 =	vsel vm14, v54, v52;
	v52 =	vimm.s32 $0x0;
	v18 =	vsel vm12, v20, v18  }
0x14b: {  	v19 =	vld [tilespmem:s24+$0x0];
	v61 =	vsel vm13, v24, v22;
	v62 =	vsel vm12, v58, v40;
	v44 =	vsel vm13, v63, v60  }
0x14c: {  	s29 =	sor.u32 $0x430, s22;
	v23 =	vld [tilespmem:s20+$0x100];
	v15 =	vsel vm11, v17, v15;
	vm13 =	vgt.f32 v48, v46;
	v60 =	vsel vm10, $0xB, v5  }
0x14d: {  	v51 =	vld [tilespmem:s29+$0x0];
	v63 =	vimm.s32 $0x0;
	vm14 =	vgt.f32 v55, v53;
	vm15 =	vgt.f32 v61, v18  }
0x14e: {  	s25 =	sor.u32 $0x400, s22;
	v25 =	vld [tilespmem:s20+$0x150];
	v26 =	vsel vm13, v50, v47;
	vm9 =	vgt.f32 v38, v16;
	v43 =	vsel vm15, v61, v18  }
0x14f: {  	v14 =	vld [tilespmem:s25+$0x0];
	v20 =	vsel vm15, v44, v62;
	vm15 =	vgt.f32 v13, v34;
	v61 =	vsel vm11, $0xD, v7  }
0x150: {  	s26 =	sor.u32 $0x410, s22;
	v22 =	vld [tilespmem:s20+$0x140];
	v16 =	vsel vm9, v38, v16;
	vm4 =	vgt.f32 v43, v10;
	vm12 =	vgt.f32 v57, v19  }
0x151: {  	s24 =	sor.u32 $0x460, s22;
	v24 =	vld [tilespmem:s26+$0x0];
	v13 =	vsel vm15, v13, v34;
	v21 =	vsel vm15, v60, v59;
	vm8 =	vgt.f32 v12, v23  }
0x152: {  	s22 =	sor.u32 $0x470, s22;
	v56 =	vld [tilespmem:s24+$0x0];
	v59 =	vimm.s32 $0x0;
	v60 =	vimm.s32 $0x0;
	v10 =	vsel vm4, v43, v10  }
0x153: {  	v58 =	vld [tilespmem:s22+$0x0];
	v11 =	vsel vm4, v20, v11;
	v57 =	vsel vm12, v57, v19;
	v20 =	vsel vm13, v48, v46  }
0x154: {  	v62 =	vsel vm12, $0xF, v8;
	v12 =	vsel vm8, v12, v23;
	v43 =	vimm.s32 $0x0  }
0x155: {  	v45 =	vld [tilespmem:s20+$0x170];
	vm13 =	vgt.f32 v51, v49;
	v46 =	vimm.s32 $0x0;
	vm4 =	vgt.f32 v57, v15  }
0x156: {  	v27 =	vld [tilespmem:s20+$0x180];
	vm5 =	vgt.f32 v30, v20;
	vm10 =	vgt.f32 v25, v22;
	vm12 =	vgt.f32 v24, v14  }
0x157: {  	v29 =	vld [tilespmem:s20+$0x1C0];
	v48 =	vsel vm13, v51, v49;
	v49 =	vimm.s32 $0x0;
	v51 =	vsel vm14, v55, v53  }
0x158: {  	v18 =	vld [tilespmem:s20+$0x160];
	vm15 =	vgt.f32 v58, v56;
	v53 =	vimm.s32 $0x0;
	v55 =	vimm.s32 $0x0  }
0x159: {  	v40 =	vld [tilespmem:s20+$0x1A0];
	v15 =	vsel vm4, v57, v15;
	v20 =	vsel vm5, v30, v20;
	v30 =	vsel vm4, v62, v61  }
0x15a: {  	s21 =	sadd.s32 $0x180, s21;
	v17 =	vld [tilespmem:s20+$0x1B0];
	v26 =	vsel vm5, v39, v26;
	v39 =	vimm.s32 $0x0;
	v22 =	vsel vm10, v25, v22  }
0x15b: {  	s25 =	sor.u32 $0x400, s21;
	v32 =	vld [tilespmem:s20+$0x190];
	v14 =	vsel vm12, v24, v14;
	v28 =	vsel vm14, $0xFFFFFFFF, v49;
	v33 =	vsel vm15, $0xFFFFFFFF, v52  }
0x15c: {  	s30 =	sor.u32 $0x440, s21;
	v42 =	vld [tilespmem:s25+$0x0];
	vm4 =	vgt.f32 v16, v12;
	v19 =	vsel vm15, v58, v56;
	v62 =	vimm.s32 $0x0  }
0x15d: {  	s28 =	sor.u32 $0x420, s21;
	v54 =	vld [tilespmem:s30+$0x0];
	vm6 =	vgt.f32 v15, v13;
	v23 =	vsel vm9, $0xFFFFFFFF, v39;
	vm11 =	vgt.f32 v45, v18  }
0x15e: {  	s29 =	sor.u32 $0x430, s21;
	v47 =	vld [tilespmem:s28+$0x0];
	[tilespmem:$0x1FD50] =	vst v33;
	v33 =	vsel vm4, $0xFFFFFFFF, v53;
	v12 =	vsel vm4, v16, v12;
	vm14 =	vgt.f32 v19, v51  }
0x15f: {  	s26 =	sor.u32 $0x410, s21;
	v50 =	vld [tilespmem:s29+$0x0];
	vm9 =	vgt.f32 v17, v40;
	v13 =	vsel vm6, v15, v13;
	v21 =	vsel vm6, v30, v21  }
0x160: {  	s31 =	sor.u32 $0x450, s21;
	v44 =	vld [tilespmem:s26+$0x0];
	v30 =	vimm.s32 $0x0;
	[tilespmem:$0x1FCF0] =	vst v23;
	v23 =	vsel vm10, $0xFFFFFFFF, v41;
	v25 =	vsel vm11, $0xFFFFFFFF, v43  }
0x161: {  	s22 =	sor.u32 $0x460, s21;
	v56 =	vld [tilespmem:s31+$0x0];
	v18 =	vsel vm11, v45, v18;
	v45 =	vimm.s32 $0x0;
	v19 =	vsel vm14, v19, v51  }
0x162: {  	s23 =	sor.u32 $0x470, s21;
	v57 =	vld [tilespmem:s22+$0x0];
	vm6 =	vgt.f32 v32, v27;
	v17 =	vsel vm9, v17, v40;
	vm7 =	vgt.f32 v13, v20  }
0x163: {  	v58 =	vld [tilespmem:s23+$0x0];
	vm5 =	vgt.f32 v18, v22;
	v61 =	vsel vm6, v32, v27;
	v34 =	vsel vm7, $0xFFFFFFFF, v63  }
0x164: {  	v15 =	vld [tilespmem:s20+$0x1D0];
	v13 =	vsel vm7, v13, v20;
	v20 =	vsel vm8, $0xFFFFFFFF, v30;
	v30 =	vsel vm12, $0xFFFFFFFF, v45;
	[tilespmem:$0x1FCD0] =	vst v34  }
0x165: {  	v16 =	vsel vm5, $0xFFFFFFFF, v55;
	v18 =	vsel vm5, v18, v22;
	vm7 =	vgt.f32 v48, v14;
	v34 =	vld [tilespmem:s20+$0x1E0];
	[tilespmem:$0x1FCE0] =	vst v20  }
0x166: {  	v63 =	vimm.s32 $0x0;
	vm12 =	vgt.f32 v44, v42;
	v20 =	vld [tilespmem:s20+$0x1F0];
	[tilespmem:$0x1FD20] =	vst v30;
	v30 =	vsel vm13, $0xFFFFFFFF, v46  }
0x167: {  	[tilespmem:$0x1FD00] =	vst v23;
	v14 =	vsel vm7, v48, v14;
	vm8 =	vgt.f32 v18, v12;
	v23 =	vsel vm12, v44, v42  }
0x168: {  	(xrf0) =	vmax.scan.msk.f32 $0xffff, v10;
	vm13 =	vgt.f32 v58, v57;
	v12 =	vsel vm8, v18, v12;
	v18 =	vsel vm6, $0xFFFFFFFF, v59  }
0x169: {  	v22 =	vsel vm13, v58, v57;
	[tilespmem:$0x1FD80] =	vst v18;
	v18 =	vsel vm9, $0xFFFFFFFF, v60;
	vm10 =	vgt.f32 v15, v29  }
0x16a: {  	vm9 =	vgt.f32 v50, v47;
	v27 =	vsel vm10, $0xFFFFFFFF, v62;
	v15 =	vsel vm10, v15, v29  }
0x16b: {  	[tilespmem:$0x1FD70] =	vst v16;
	v32 =	vsel vm9, v50, v47;
	vm10 =	vgt.f32 v56, v54;
	vm11 =	vgt.f32 v20, v34  }
0x16c: {  	[tilespmem:$0x1FDA0] =	vst v27;
	v16 =	vsel vm10, v56, v54;
	v27 =	vsel vm11, $0xFFFFFFFF, v63;
	v20 =	vsel vm11, v20, v34  }
0x16d: {  	vm11 =	vgt.f32 v17, v61;
	[tilespmem:$0x1FDB0] =	vst v27;
	v27 =	vsel vm12, $0xFFFFFFFF, v31;
	vm12 =	vgt.f32 v20, v15  }
0x16e: {  	v34 =	vimm.s32 $0x0;
	v17 =	vsel vm11, v17, v61;
	v15 =	vsel vm12, v20, v15  }
0x16f: {  	v36, _, _ =	vpop (xrf0);
	vm6 =	vgt.f32 v22, v16;
	[tilespmem:$0x1FDC0] =	vst v27;
	v27 =	vsel vm13, $0xFFFFFFFF, v34;
	vm5 =	vgt.f32 v15, v17  }
0x170: {  	vm13 =	vgt.f32 v32, v23;
	v15 =	vsel vm5, v15, v17;
	v17 =	vbroadcast v36, $0xF  }
0x171: {  	vm2 =	vgt.f32 v19, v14;
	v16 =	vsel vm6, v22, v16;
	v35 =	vsel vm13, v32, v23  }
0x172: {  	v14 =	vsel vm2, v19, v14;
	vm4 =	vgt.f32 v16, v35;
	vm0 =	veq.f32 v10, v17;
	v10 =	vld [tilespmem:$0x1FCD0]  }
0x173: {  	v38 =	vld [tilespmem:$0x1FCE0];
	vm1 =	vgt.f32 v14, v12;
	v16 =	vsel vm4, v16, v35  }
0x174: {  	v11 =	vshll.u32 v11, $0x4;
	v39 =	vld [tilespmem:$0x1FCF0];
	(xrf0) =	vmax.scan.msk.f32 $0xffff, v13;
	v12 =	vsel vm1, v14, v12;
	vm3 =	vgt.f32 v16, v15  }
0x175: {  	v11 =	vor.u32 v9, v11;
	[tilespmem:$0x1FD10] =	vst v25;
	v40 =	vld [tilespmem:$0x1FD00];
	(xrf0) =	vmax.scan.msk.f32 $0xffff, v12;
	v37 =	vsel vm3, v16, v15  }
0x176: {  	v41 =	vld [tilespmem:$0x1FD10];
	v11 =	vnsel vm0, $0x80000100, v11;
	(xrf0) =	vmax.scan.msk.f32 $0xffff, v37  }
0x177: {  	[tilespmem:$0x1FD30] =	vst v30;
	(xrf0) =	vmin.scan.msk.u32 $0xffff, v11;
	v11 =	vld [tilespmem:$0x1FD20];
	vm15 =	vnez.u8 v10  }
0x178: {  	[tilespmem:$0x1FD40] =	vst v28;
	v42 =	vld [tilespmem:$0x1FD30];
	v10 =	vsel vm15, v21, v26;
	vm15 =	vnez.u8 v38  }
0x179: {  	v43 =	vld [tilespmem:$0x1FD40];
	v15 =	vsel vm15, $0x1, v0;
	vm15 =	vnez.u8 v39  }
0x17a: {  	[tilespmem:$0x1FD60] =	vst v33;
	v45 =	vld [tilespmem:$0x1FD50];
	v59 =	vsel vm9, $0xB, v5;
	v16 =	vsel vm15, $0x3, v1;
	vm15 =	vnez.u8 v40  }
0x17b: {  	v46 =	vld [tilespmem:$0x1FD60];
	v60 =	vsel vm10, $0xD, v7;
	v44, _, _ =	vpop (xrf0);
	v17 =	vsel vm15, $0x5, v2;
	vm15 =	vnez.u8 v41  }
0x17c: {  	v48 =	vld [tilespmem:$0x1FD70];
	[tilespmem:$0x1FD90] =	vst v18;
	v47 =	vbroadcast v44, $0xF;
	v50, _, _ =	vpop (xrf0);
	v18 =	vsel vm15, $0x7, v3;
	vm15 =	vnez.u8 v11  }
0x17d: {  	v56 =	vld [tilespmem:$0x1FDB0];
	v57 =	vbroadcast v50, $0xF;
	v11 =	vsel vm15, $0x9, v4;
	vm15 =	vnez.u8 v42  }
0x17e: {  	v54 =	vld [tilespmem:$0x1FD90];
	v10 =	vshll.u32 v10, $0x4;
	v19 =	vsel vm15, $0xB, v5;
	vm15 =	vnez.u8 v43  }
0x17f: {  	v55 =	vld [tilespmem:$0x1FDA0];
	[tilespmem:$0x1FDD0] =	vst v27;
	vm10 =	veq.f32 v12, v57;
	v10 =	vor.u32 v9, v10;
	v20 =	vsel vm15, $0xD, v7  }
0x180: {  	v61 =	vld [tilespmem:$0x1FDD0];
	v52, _, _ =	vpop (xrf0);
	vm15 =	vnez.u8 v45;
	v11 =	vsel vm7, v19, v11;
	vm7 =	veq.f32 v13, v47  }
0x181: {  	v53, _, _ =	vpop (xrf0);
	v22 =	vsel vm15, $0xF, v8;
	vm15 =	vnez.u8 v46;
	v10 =	vnsel vm7, $0x80000100, v10  }
0x182: {  	(v2sf) =	vpush v53, $0xF;
	vm7 =	vnez.u8 v56;
	v15 =	vsel vm15, v16, v15;
	(xrf0) =	vmin.scan.msk.u32 $0xffff, v10;
	v10 =	vld [tilespmem:$0x1FD80]  }
0x183: {  	v58 =	vld [tilespmem:$0x1FDC0];
	vm15 =	vnez.u8 v48;
	v49 =	vsel vm14, v22, v20;
	vm14 =	vnez.u8 v54  }
0x184: {  	v17 =	vsel vm15, v18, v17;
	v11 =	vsel vm2, v49, v11;
	v16 =	vsel vm14, $0x3, v1  }
0x185: {  	vm15 =	vnez.u8 v55;
	vm14 =	vnez.u8 v61;
	v51 =	vsel vm8, v17, v15  }
0x186: {  	v13 =	vsel vm15, $0x5, v2;
	v17 =	vsel vm7, $0x7, v3;
	v11 =	vsel vm1, v11, v51  }
0x187: {  	v12 =	vsel vm14, $0xF, v8;
	v11 =	vshll.u32 v11, $0x4;
	vm8 =	vnez.u8 v10  }
0x188: {  	v11 =	vor.u32 v9, v11;
	v10 =	vsel vm8, $0x1, v0;
	vm8 =	vnez.u8 v58  }
0x189: {  	v13 =	vsel vm12, v17, v13;
	v11 =	vnsel vm10, $0x80000100, v11;
	v19 =	vsel vm8, $0x9, v4  }
0x18a: {  	v12 =	vsel vm6, v12, v60;
	v63, _, _ =	vpop (xrf0);
	v10 =	vsel vm11, v16, v10;
	(xrf0) =	vmin.scan.msk.u32 $0xffff, v11;
	v62 =	vsel vm13, v59, v19  }
0x18b: {  	(v2sf) =	vpush v63, $0xF;
	v10 =	vsel vm5, v13, v10;
	v11 =	vsel vm4, v12, v62  }
0x18c: {  	v10 =	vsel vm3, v11, v10;
	v11 =	vbroadcast v52, $0xF  }
0x18d: {  	v10 =	vshll.u32 v10, $0x4  }
0x18e: {  	vm15 =	veq.f32 v37, v11;
	v10 =	vor.u32 v9, v10  }
0x18f: {  	v10 =	vnsel vm15, $0x80000100, v10  }
0x190: {  	v11, _, _ =	vpop (xrf0);
	(xrf0) =	vmin.scan.msk.u32 $0xffff, v10  }
0x191: {  	(v2sf) =	vpush v11, $0xF;
	_ =	sdelay $0x2  }
0x192: {  	s24 =	spop (v2sf)  }
0x193: {  	s20 =	sshll.u32 s24, $0x3  }
0x194: {  	s25 =	sadd.s32 $0xFFFFFFFA, s18;
	s20 =	sshra.s32 s20, $0x2;
	v10, _, _ =	vpop (xrf0)  }
0x195: {  	v11 =	vadd.s32 s25, v6;
	(v2sf) =	vpush v10, $0xF;
	v10 =	vld [tilespmem:s20+$0x10000];
	_ =	sdelay $0x2  }
0x196: {  	s26 =	spop (v2sf)  }
0x197: {  	s20 =	sshll.u32 s26, $0x3  }
0x198: {  	s28 =	sadd.s32 $0xFFFFFFFC, s18;
	s20 =	sshra.s32 s20, $0x2;
	[tilespmem:v11+s14+$0x0] =	vst.idx.msk $0x3, v10  }
0x199: {  	v11 =	vadd.s32 s28, v6;
	v10 =	vld [tilespmem:s20+$0x10000];
	_ =	sdelay $0x2  }
0x19a: {  	s29 =	spop (v2sf)  }
0x19b: {  	s20 =	sshll.u32 s29, $0x3  }
0x19c: {  	s30 =	sadd.s32 $0xFFFFFFFE, s18;
	[tilespmem:v11+s14+$0x0] =	vst.idx.msk $0x3, v10;
	s20 =	sshra.s32 s20, $0x2  }
0x19d: {  	v11 =	vadd.s32 s30, v6;
	v10 =	vld [tilespmem:s20+$0x10000];
	_ =	sdelay $0x2  }
0x19e: {  	s31 =	spop (v2sf)  }
0x19f: {  	s20 =	sshll.u32 s31, $0x3  }
0x1a0: {  	[tilespmem:v11+s14+$0x0] =	vst.idx.msk $0x3, v10;
	s20 =	sshra.s32 s20, $0x2  }
0x1a1: {  	p1 =	sne.s32 s19, $0x7C00;
	v11 =	vadd.s32 s18, v6;
	v10 =	vld [tilespmem:s20+$0x10000]  }
.Ltmp2:
0x1a2: {  	_ = 	snop;
	(pc) =	sbr.rel @p1 .LBB2_6-.Ltmp2, $3  }
0x1a3: {  	_ =	sdelay $0x1  }
0x1a4: {  	s17 =	sadd.s32 $0x200, s17  }
0x1a5: {  	p0 =	por !p0, !p0;
	s19 =	sadd.s32 $0x400, s19;
	s18 =	sadd.s32 $0x8, s18;
	[tilespmem:v11+s14+$0x0] =	vst.idx.msk $0x3, v10  }
0x1a6: {  	_ =	swait.ge [sflag:s15], $0x8000  }
0x1a7: {  	s17 =	simm.s32 $0x0;
	p0 =	por $0x0, $0x0;
	[sflag:s15] =	ssyncset.done $0x0  }
0x1a8: {  	s18 =	simm.s32 $0x306;
	s19 =	simm.s32 $0x0;
	[sflag:s15] =	ssyncadd.s32 $0xFFFF8000  }
.LBB2_8:
0x1a9: {  	s20 =	sand.u32 $0x7800, s19;
	s21 =	sand.u32 $0x200, s17  }
0x1aa: {  	s20 =	sor.u32 s21, s20  }
0x1ab: {  	v10 =	vld [tilespmem:s20+$0x8000]  }
0x1ac: {  	v11 =	vld [tilespmem:s20+$0x8010]  }
0x1ad: {  	v12 =	vld [tilespmem:s20+$0x8020]  }
0x1ae: {  	v13 =	vld [tilespmem:s20+$0x8030]  }
0x1af: {  	v14 =	vld [tilespmem:s20+$0x8040]  }
0x1b0: {  	v15 =	vld [tilespmem:s20+$0x8050]  }
0x1b1: {  	v16 =	vld [tilespmem:s20+$0x8060]  }
0x1b2: {  	v17 =	vld [tilespmem:s20+$0x8070]  }
0x1b3: {  	v26 =	vld [tilespmem:s20+$0x8080]  }
0x1b4: {  	v27 =	vld [tilespmem:s20+$0x8090]  }
0x1b5: {  	v28 =	vld [tilespmem:s20+$0x80A0]  }
0x1b6: {  	s21 =	simm.s32 $0x1;
	v29 =	vld [tilespmem:s20+$0x80B0]  }
0x1b7: {  	s21 =	simm.s32 @!p0 $0x0;
	v30 =	vld [tilespmem:s20+$0x80C0]  }
0x1b8: {  	v31 =	vld [tilespmem:s20+$0x80D0];
	s21 =	sshll.u32 s21, $0x9  }
0x1b9: {  	v32 =	vld [tilespmem:s20+$0x80E0];
	s21 =	sadd.s32 s21, s19  }
0x1ba: {  	v33 =	vld [tilespmem:s20+$0x80F0];
	s22 =	sor.u32 $0x400, s21  }
0x1bb: {  	s26 =	sor.u32 $0x410, s21;
	v18 =	vld [tilespmem:s22+$0x8000]  }
0x1bc: {  	v41 =	vimm.s32 $0x0;
	s28 =	sor.u32 $0x420, s21;
	v19 =	vld [tilespmem:s26+$0x8000];
	vm0 =	vgt.f32 v11, v10;
	vm1 =	vgt.f32 v13, v12  }
0x1bd: {  	s29 =	sor.u32 $0x430, s21;
	v20 =	vld [tilespmem:s28+$0x8000];
	vm7 =	vgt.f32 v15, v14;
	vm8 =	vgt.f32 v17, v16;
	vm5 =	vgt.f32 v27, v26  }
0x1be: {  	s30 =	sor.u32 $0x440, s21;
	v21 =	vld [tilespmem:s29+$0x8000];
	vm6 =	vgt.f32 v29, v28;
	v10 =	vsel vm0, v11, v10;
	v11 =	vsel vm0, $0x1, v0  }
0x1bf: {  	s31 =	sor.u32 $0x450, s21;
	v22 =	vld [tilespmem:s30+$0x8000];
	v12 =	vsel vm1, v13, v12;
	v37 =	vsel vm1, $0x3, v1;
	v14 =	vsel vm7, v15, v14  }
0x1c0: {  	s23 =	sor.u32 $0x460, s21;
	v23 =	vld [tilespmem:s31+$0x8000];
	v38 =	vsel vm7, $0x5, v2;
	v16 =	vsel vm8, v17, v16;
	v39 =	vsel vm8, $0x7, v3  }
0x1c1: {  	s24 =	sor.u32 $0x470, s21;
	s25 =	sadd.s32 $0x80, s21;
	v24 =	vld [tilespmem:s23+$0x8000];
	v46 =	vsel vm5, v27, v26;
	v47 =	vsel vm5, $0x1, v0;
	v48 =	vsel vm6, v29, v28  }
0x1c2: {  	v25 =	vld [tilespmem:s24+$0x8000];
	s23 =	sor.u32 $0x400, s25;
	vm7 =	vgt.f32 v31, v30;
	v50 =	vsel vm6, $0x3, v1;
	vm8 =	vgt.f32 v33, v32  }
0x1c3: {  	s26 =	sor.u32 $0x410, s25;
	v34 =	vld [tilespmem:s23+$0x8000];
	vm3 =	vgt.f32 v12, v10;
	vm4 =	vgt.f32 v16, v14;
	v30 =	vsel vm7, v31, v30  }
0x1c4: {  	s28 =	sor.u32 $0x420, s25;
	v35 =	vld [tilespmem:s26+$0x8000];
	v52 =	vsel vm7, $0x5, v2;
	v32 =	vsel vm8, v33, v32;
	v54 =	vsel vm8, $0x7, v3  }
0x1c5: {  	s29 =	sor.u32 $0x430, s25;
	v36 =	vld [tilespmem:s28+$0x8000];
	v31 =	vimm.s32 $0x0;
	v10 =	vsel vm3, v12, v10;
	v11 =	vsel vm3, v37, v11  }
0x1c6: {  	s22 =	sor.u32 $0x470, s25;
	v56 =	vld [tilespmem:s29+$0x8000];
	v14 =	vsel vm4, v16, v14;
	v59 =	vsel vm4, v39, v38;
	vm9 =	vgt.f32 v19, v18  }
0x1c7: {  	s30 =	sor.u32 $0x440, s25;
	v57 =	vld [tilespmem:s22+$0x8000];
	vm10 =	vgt.f32 v21, v20;
	vm11 =	vgt.f32 v23, v22;
	vm2 =	vgt.f32 v25, v24  }
0x1c8: {  	s31 =	sor.u32 $0x450, s25;
	s22 =	sadd.s32 $0x100, s21;
	v15 =	vld [tilespmem:s30+$0x8000];
	vm14 =	vgt.f32 v14, v10;
	v18 =	vsel vm9, v19, v18;
	v40 =	vsel vm9, $0x9, v4  }
0x1c9: {  	v17 =	vld [tilespmem:s31+$0x8000];
	s28 =	sor.u32 $0x420, s22;
	v20 =	vsel vm10, v21, v20;
	v22 =	vsel vm11, v23, v22;
	v24 =	vsel vm2, v25, v24  }
0x1ca: {  	s30 =	sor.u32 $0x440, s22;
	v49 =	vld [tilespmem:s28+$0x8000];
	v58 =	vsel vm10, $0xB, v5;
	v60 =	vsel vm11, $0xD, v7;
	v63 =	vsel vm2, $0xF, v8  }
0x1cb: {  	s31 =	sor.u32 $0x450, s22;
	v53 =	vld [tilespmem:s30+$0x8000];
	v10 =	vsel vm14, v14, v10;
	v11 =	vsel vm14, v59, v11;
	vm9 =	vgt.f32 v35, v34  }
0x1cc: {  	v55 =	vld [tilespmem:s31+$0x8000];
	vm10 =	vgt.f32 v56, v36;
	vm14 =	vgt.f32 v32, v30;
	vm12 =	vgt.f32 v20, v18  }
0x1cd: {  	v16 =	vld [tilespmem:s20+$0x8120];
	vm13 =	vgt.f32 v24, v22;
	v34 =	vsel vm9, v35, v34;
	v13 =	vsel vm10, v56, v36  }
0x1ce: {  	v38 =	vld [tilespmem:s20+$0x8130];
	vm11 =	vgt.f32 v17, v15;
	v59 =	vsel vm9, $0x9, v4;
	v30 =	vsel vm14, v32, v30  }
0x1cf: {  	s24 =	sor.u32 $0x460, s25;
	v12 =	vld [tilespmem:s20+$0x8110];
	v39 =	vsel vm14, v54, v52;
	v52 =	vimm.s32 $0x0;
	v18 =	vsel vm12, v20, v18  }
0x1d0: {  	v19 =	vld [tilespmem:s24+$0x8000];
	v61 =	vsel vm13, v24, v22;
	v62 =	vsel vm12, v58, v40;
	v44 =	vsel vm13, v63, v60  }
0x1d1: {  	s29 =	sor.u32 $0x430, s22;
	v23 =	vld [tilespmem:s20+$0x8100];
	v15 =	vsel vm11, v17, v15;
	vm13 =	vgt.f32 v48, v46;
	v60 =	vsel vm10, $0xB, v5  }
0x1d2: {  	v51 =	vld [tilespmem:s29+$0x8000];
	v63 =	vimm.s32 $0x0;
	vm14 =	vgt.f32 v55, v53;
	vm15 =	vgt.f32 v61, v18  }
0x1d3: {  	s25 =	sor.u32 $0x400, s22;
	v25 =	vld [tilespmem:s20+$0x8150];
	v26 =	vsel vm13, v50, v47;
	vm9 =	vgt.f32 v38, v16;
	v43 =	vsel vm15, v61, v18  }
0x1d4: {  	v14 =	vld [tilespmem:s25+$0x8000];
	v20 =	vsel vm15, v44, v62;
	vm15 =	vgt.f32 v13, v34;
	v61 =	vsel vm11, $0xD, v7  }
0x1d5: {  	s26 =	sor.u32 $0x410, s22;
	v22 =	vld [tilespmem:s20+$0x8140];
	v16 =	vsel vm9, v38, v16;
	vm4 =	vgt.f32 v43, v10;
	vm12 =	vgt.f32 v57, v19  }
0x1d6: {  	s24 =	sor.u32 $0x460, s22;
	v24 =	vld [tilespmem:s26+$0x8000];
	v13 =	vsel vm15, v13, v34;
	v21 =	vsel vm15, v60, v59;
	vm8 =	vgt.f32 v12, v23  }
0x1d7: {  	s22 =	sor.u32 $0x470, s22;
	v56 =	vld [tilespmem:s24+$0x8000];
	v59 =	vimm.s32 $0x0;
	v60 =	vimm.s32 $0x0;
	v10 =	vsel vm4, v43, v10  }
0x1d8: {  	v58 =	vld [tilespmem:s22+$0x8000];
	v11 =	vsel vm4, v20, v11;
	v57 =	vsel vm12, v57, v19;
	v20 =	vsel vm13, v48, v46  }
0x1d9: {  	v62 =	vsel vm12, $0xF, v8;
	v12 =	vsel vm8, v12, v23;
	v43 =	vimm.s32 $0x0  }
0x1da: {  	v45 =	vld [tilespmem:s20+$0x8170];
	vm13 =	vgt.f32 v51, v49;
	v46 =	vimm.s32 $0x0;
	vm4 =	vgt.f32 v57, v15  }
0x1db: {  	v27 =	vld [tilespmem:s20+$0x8180];
	vm5 =	vgt.f32 v30, v20;
	vm10 =	vgt.f32 v25, v22;
	vm12 =	vgt.f32 v24, v14  }
0x1dc: {  	v29 =	vld [tilespmem:s20+$0x81C0];
	v48 =	vsel vm13, v51, v49;
	v49 =	vimm.s32 $0x0;
	v51 =	vsel vm14, v55, v53  }
0x1dd: {  	v18 =	vld [tilespmem:s20+$0x8160];
	vm15 =	vgt.f32 v58, v56;
	v53 =	vimm.s32 $0x0;
	v55 =	vimm.s32 $0x0  }
0x1de: {  	v40 =	vld [tilespmem:s20+$0x81A0];
	v15 =	vsel vm4, v57, v15;
	v20 =	vsel vm5, v30, v20;
	v30 =	vsel vm4, v62, v61  }
0x1df: {  	s21 =	sadd.s32 $0x180, s21;
	v17 =	vld [tilespmem:s20+$0x81B0];
	v26 =	vsel vm5, v39, v26;
	v39 =	vimm.s32 $0x0;
	v22 =	vsel vm10, v25, v22  }
0x1e0: {  	s25 =	sor.u32 $0x400, s21;
	v32 =	vld [tilespmem:s20+$0x8190];
	v14 =	vsel vm12, v24, v14;
	v28 =	vsel vm14, $0xFFFFFFFF, v49;
	v33 =	vsel vm15, $0xFFFFFFFF, v52  }
0x1e1: {  	s30 =	sor.u32 $0x440, s21;
	v42 =	vld [tilespmem:s25+$0x8000];
	vm4 =	vgt.f32 v16, v12;
	v19 =	vsel vm15, v58, v56;
	v62 =	vimm.s32 $0x0  }
0x1e2: {  	s28 =	sor.u32 $0x420, s21;
	v54 =	vld [tilespmem:s30+$0x8000];
	vm6 =	vgt.f32 v15, v13;
	v23 =	vsel vm9, $0xFFFFFFFF, v39;
	vm11 =	vgt.f32 v45, v18  }
0x1e3: {  	s29 =	sor.u32 $0x430, s21;
	v47 =	vld [tilespmem:s28+$0x8000];
	[tilespmem:$0x1FC40] =	vst v33;
	v33 =	vsel vm4, $0xFFFFFFFF, v53;
	v12 =	vsel vm4, v16, v12;
	vm14 =	vgt.f32 v19, v51  }
0x1e4: {  	s26 =	sor.u32 $0x410, s21;
	v50 =	vld [tilespmem:s29+$0x8000];
	vm9 =	vgt.f32 v17, v40;
	v13 =	vsel vm6, v15, v13;
	v21 =	vsel vm6, v30, v21  }
0x1e5: {  	s31 =	sor.u32 $0x450, s21;
	v44 =	vld [tilespmem:s26+$0x8000];
	v30 =	vimm.s32 $0x0;
	[tilespmem:$0x1FBE0] =	vst v23;
	v23 =	vsel vm10, $0xFFFFFFFF, v41;
	v25 =	vsel vm11, $0xFFFFFFFF, v43  }
0x1e6: {  	s22 =	sor.u32 $0x460, s21;
	v56 =	vld [tilespmem:s31+$0x8000];
	v18 =	vsel vm11, v45, v18;
	v45 =	vimm.s32 $0x0;
	v19 =	vsel vm14, v19, v51  }
0x1e7: {  	s23 =	sor.u32 $0x470, s21;
	v57 =	vld [tilespmem:s22+$0x8000];
	vm6 =	vgt.f32 v32, v27;
	v17 =	vsel vm9, v17, v40;
	vm7 =	vgt.f32 v13, v20  }
0x1e8: {  	v58 =	vld [tilespmem:s23+$0x8000];
	vm5 =	vgt.f32 v18, v22;
	v61 =	vsel vm6, v32, v27;
	v34 =	vsel vm7, $0xFFFFFFFF, v63  }
0x1e9: {  	v15 =	vld [tilespmem:s20+$0x81D0];
	v13 =	vsel vm7, v13, v20;
	v20 =	vsel vm8, $0xFFFFFFFF, v30;
	v30 =	vsel vm12, $0xFFFFFFFF, v45;
	[tilespmem:$0x1FBC0] =	vst v34  }
0x1ea: {  	v16 =	vsel vm5, $0xFFFFFFFF, v55;
	v18 =	vsel vm5, v18, v22;
	vm7 =	vgt.f32 v48, v14;
	v34 =	vld [tilespmem:s20+$0x81E0];
	[tilespmem:$0x1FBD0] =	vst v20  }
0x1eb: {  	v63 =	vimm.s32 $0x0;
	vm12 =	vgt.f32 v44, v42;
	v20 =	vld [tilespmem:s20+$0x81F0];
	[tilespmem:$0x1FC10] =	vst v30;
	v30 =	vsel vm13, $0xFFFFFFFF, v46  }
0x1ec: {  	[tilespmem:$0x1FBF0] =	vst v23;
	v14 =	vsel vm7, v48, v14;
	vm8 =	vgt.f32 v18, v12;
	v23 =	vsel vm12, v44, v42  }
0x1ed: {  	(xrf0) =	vmax.scan.msk.f32 $0xffff, v10;
	vm13 =	vgt.f32 v58, v57;
	v12 =	vsel vm8, v18, v12;
	v18 =	vsel vm6, $0xFFFFFFFF, v59  }
0x1ee: {  	v22 =	vsel vm13, v58, v57;
	[tilespmem:$0x1FC70] =	vst v18;
	v18 =	vsel vm9, $0xFFFFFFFF, v60;
	vm10 =	vgt.f32 v15, v29  }
0x1ef: {  	vm9 =	vgt.f32 v50, v47;
	v27 =	vsel vm10, $0xFFFFFFFF, v62;
	v15 =	vsel vm10, v15, v29  }
0x1f0: {  	[tilespmem:$0x1FC60] =	vst v16;
	v32 =	vsel vm9, v50, v47;
	vm10 =	vgt.f32 v56, v54;
	vm11 =	vgt.f32 v20, v34  }
0x1f1: {  	[tilespmem:$0x1FC90] =	vst v27;
	v16 =	vsel vm10, v56, v54;
	v27 =	vsel vm11, $0xFFFFFFFF, v63;
	v20 =	vsel vm11, v20, v34  }
0x1f2: {  	vm11 =	vgt.f32 v17, v61;
	[tilespmem:$0x1FCA0] =	vst v27;
	v27 =	vsel vm12, $0xFFFFFFFF, v31;
	vm12 =	vgt.f32 v20, v15  }
0x1f3: {  	v34 =	vimm.s32 $0x0;
	v17 =	vsel vm11, v17, v61;
	v15 =	vsel vm12, v20, v15  }
0x1f4: {  	v36, _, _ =	vpop (xrf0);
	vm6 =	vgt.f32 v22, v16;
	[tilespmem:$0x1FCB0] =	vst v27;
	v27 =	vsel vm13, $0xFFFFFFFF, v34;
	vm5 =	vgt.f32 v15, v17  }
0x1f5: {  	vm13 =	vgt.f32 v32, v23;
	v15 =	vsel vm5, v15, v17;
	v17 =	vbroadcast v36, $0xF  }
0x1f6: {  	vm2 =	vgt.f32 v19, v14;
	v16 =	vsel vm6, v22, v16;
	v35 =	vsel vm13, v32, v23  }
0x1f7: {  	v14 =	vsel vm2, v19, v14;
	vm4 =	vgt.f32 v16, v35;
	vm0 =	veq.f32 v10, v17;
	v10 =	vld [tilespmem:$0x1FBC0]  }
0x1f8: {  	v38 =	vld [tilespmem:$0x1FBD0];
	vm1 =	vgt.f32 v14, v12;
	v16 =	vsel vm4, v16, v35  }
0x1f9: {  	v11 =	vshll.u32 v11, $0x4;
	v39 =	vld [tilespmem:$0x1FBE0];
	(xrf0) =	vmax.scan.msk.f32 $0xffff, v13;
	v12 =	vsel vm1, v14, v12;
	vm3 =	vgt.f32 v16, v15  }
0x1fa: {  	v11 =	vor.u32 v9, v11;
	[tilespmem:$0x1FC00] =	vst v25;
	v40 =	vld [tilespmem:$0x1FBF0];
	(xrf0) =	vmax.scan.msk.f32 $0xffff, v12;
	v37 =	vsel vm3, v16, v15  }
0x1fb: {  	v41 =	vld [tilespmem:$0x1FC00];
	v11 =	vnsel vm0, $0x80000100, v11;
	(xrf0) =	vmax.scan.msk.f32 $0xffff, v37  }
0x1fc: {  	[tilespmem:$0x1FC20] =	vst v30;
	(xrf0) =	vmin.scan.msk.u32 $0xffff, v11;
	v11 =	vld [tilespmem:$0x1FC10];
	vm15 =	vnez.u8 v10  }
0x1fd: {  	[tilespmem:$0x1FC30] =	vst v28;
	v42 =	vld [tilespmem:$0x1FC20];
	v10 =	vsel vm15, v21, v26;
	vm15 =	vnez.u8 v38  }
0x1fe: {  	v43 =	vld [tilespmem:$0x1FC30];
	v15 =	vsel vm15, $0x1, v0;
	vm15 =	vnez.u8 v39  }
0x1ff: {  	[tilespmem:$0x1FC50] =	vst v33;
	v45 =	vld [tilespmem:$0x1FC40];
	v59 =	vsel vm9, $0xB, v5;
	v16 =	vsel vm15, $0x3, v1;
	vm15 =	vnez.u8 v40  }
0x200: {  	v46 =	vld [tilespmem:$0x1FC50];
	v60 =	vsel vm10, $0xD, v7;
	v44, _, _ =	vpop (xrf0);
	v17 =	vsel vm15, $0x5, v2;
	vm15 =	vnez.u8 v41  }
0x201: {  	v48 =	vld [tilespmem:$0x1FC60];
	[tilespmem:$0x1FC80] =	vst v18;
	v47 =	vbroadcast v44, $0xF;
	v50, _, _ =	vpop (xrf0);
	v18 =	vsel vm15, $0x7, v3;
	vm15 =	vnez.u8 v11  }
0x202: {  	v56 =	vld [tilespmem:$0x1FCA0];
	v57 =	vbroadcast v50, $0xF;
	v11 =	vsel vm15, $0x9, v4;
	vm15 =	vnez.u8 v42  }
0x203: {  	v54 =	vld [tilespmem:$0x1FC80];
	v10 =	vshll.u32 v10, $0x4;
	v19 =	vsel vm15, $0xB, v5;
	vm15 =	vnez.u8 v43  }
0x204: {  	v55 =	vld [tilespmem:$0x1FC90];
	[tilespmem:$0x1FCC0] =	vst v27;
	vm10 =	veq.f32 v12, v57;
	v10 =	vor.u32 v9, v10;
	v20 =	vsel vm15, $0xD, v7  }
0x205: {  	v61 =	vld [tilespmem:$0x1FCC0];
	v52, _, _ =	vpop (xrf0);
	vm15 =	vnez.u8 v45;
	v11 =	vsel vm7, v19, v11;
	vm7 =	veq.f32 v13, v47  }
0x206: {  	v53, _, _ =	vpop (xrf0);
	v22 =	vsel vm15, $0xF, v8;
	vm15 =	vnez.u8 v46;
	v10 =	vnsel vm7, $0x80000100, v10  }
0x207: {  	(v2sf) =	vpush v53, $0xF;
	vm7 =	vnez.u8 v56;
	v15 =	vsel vm15, v16, v15;
	(xrf0) =	vmin.scan.msk.u32 $0xffff, v10;
	v10 =	vld [tilespmem:$0x1FC70]  }
0x208: {  	v58 =	vld [tilespmem:$0x1FCB0];
	vm15 =	vnez.u8 v48;
	v49 =	vsel vm14, v22, v20;
	vm14 =	vnez.u8 v54  }
0x209: {  	v17 =	vsel vm15, v18, v17;
	v11 =	vsel vm2, v49, v11;
	v16 =	vsel vm14, $0x3, v1  }
0x20a: {  	vm15 =	vnez.u8 v55;
	vm14 =	vnez.u8 v61;
	v51 =	vsel vm8, v17, v15  }
0x20b: {  	v13 =	vsel vm15, $0x5, v2;
	v17 =	vsel vm7, $0x7, v3;
	v11 =	vsel vm1, v11, v51  }
0x20c: {  	v12 =	vsel vm14, $0xF, v8;
	v11 =	vshll.u32 v11, $0x4;
	vm8 =	vnez.u8 v10  }
0x20d: {  	v11 =	vor.u32 v9, v11;
	v10 =	vsel vm8, $0x1, v0;
	vm8 =	vnez.u8 v58  }
0x20e: {  	v13 =	vsel vm12, v17, v13;
	v11 =	vnsel vm10, $0x80000100, v11;
	v19 =	vsel vm8, $0x9, v4  }
0x20f: {  	v12 =	vsel vm6, v12, v60;
	v63, _, _ =	vpop (xrf0);
	v10 =	vsel vm11, v16, v10;
	(xrf0) =	vmin.scan.msk.u32 $0xffff, v11;
	v62 =	vsel vm13, v59, v19  }
0x210: {  	(v2sf) =	vpush v63, $0xF;
	v10 =	vsel vm5, v13, v10;
	v11 =	vsel vm4, v12, v62  }
0x211: {  	v10 =	vsel vm3, v11, v10;
	v11 =	vbroadcast v52, $0xF  }
0x212: {  	v10 =	vshll.u32 v10, $0x4  }
0x213: {  	vm15 =	veq.f32 v37, v11;
	v10 =	vor.u32 v9, v10  }
0x214: {  	v10 =	vnsel vm15, $0x80000100, v10  }
0x215: {  	v11, _, _ =	vpop (xrf0);
	(xrf0) =	vmin.scan.msk.u32 $0xffff, v10  }
0x216: {  	(v2sf) =	vpush v11, $0xF;
	_ =	sdelay $0x2  }
0x217: {  	s24 =	spop (v2sf)  }
0x218: {  	s20 =	sshll.u32 s24, $0x3  }
0x219: {  	s25 =	sadd.s32 $0xFFFFFFFA, s18;
	s20 =	sshra.s32 s20, $0x2;
	v10, _, _ =	vpop (xrf0)  }
0x21a: {  	v11 =	vadd.s32 s25, v6;
	(v2sf) =	vpush v10, $0xF;
	v10 =	vld [tilespmem:s20+$0x10000];
	_ =	sdelay $0x2  }
0x21b: {  	s26 =	spop (v2sf)  }
0x21c: {  	s20 =	sshll.u32 s26, $0x3  }
0x21d: {  	s28 =	sadd.s32 $0xFFFFFFFC, s18;
	s20 =	sshra.s32 s20, $0x2;
	[tilespmem:v11+s14+$0x0] =	vst.idx.msk $0x3, v10  }
0x21e: {  	v11 =	vadd.s32 s28, v6;
	v10 =	vld [tilespmem:s20+$0x10000];
	_ =	sdelay $0x2  }
0x21f: {  	s29 =	spop (v2sf)  }
0x220: {  	s20 =	sshll.u32 s29, $0x3  }
0x221: {  	s30 =	sadd.s32 $0xFFFFFFFE, s18;
	[tilespmem:v11+s14+$0x0] =	vst.idx.msk $0x3, v10;
	s20 =	sshra.s32 s20, $0x2  }
0x222: {  	v11 =	vadd.s32 s30, v6;
	v10 =	vld [tilespmem:s20+$0x10000];
	_ =	sdelay $0x2  }
0x223: {  	s31 =	spop (v2sf)  }
0x224: {  	s20 =	sshll.u32 s31, $0x3  }
0x225: {  	[tilespmem:v11+s14+$0x0] =	vst.idx.msk $0x3, v10;
	s20 =	sshra.s32 s20, $0x2  }
0x226: {  	p1 =	sne.s32 s19, $0x7C00;
	v11 =	vadd.s32 s18, v6;
	v10 =	vld [tilespmem:s20+$0x10000]  }
.Ltmp3:
0x227: {  	_ = 	snop;
	(pc) =	sbr.rel @p1 .LBB2_8-.Ltmp3, $3  }
0x228: {  	_ =	sdelay $0x1  }
0x229: {  	s17 =	sadd.s32 $0x200, s17  }
0x22a: {  	p0 =	por !p0, !p0;
	s19 =	sadd.s32 $0x400, s19;
	s18 =	sadd.s32 $0x8, s18;
	[tilespmem:v11+s14+$0x0] =	vst.idx.msk $0x3, v10  }
0x22b: {  	s16 =	sadd.s32 $0x1, s16  }
0x22c: {  	p0 =	sne.s32 s16, s9  }
.Ltmp4:
0x22d: {  	_ = 	snop;
	(pc) =	sbr.rel @p0 .LBB2_1-.Ltmp4, $4  }
0x22e: {  	[hbm4b:s8+s2] =	stream.linear.scatter [tilespmem:s14], [sflag:$0x3], $0x400, $0x38;
	[tilespmem:$0x10680] =	vst v63  }
0x22f: {  	_ =	swait.ge [sflag:s11], $0x400  }
0x230: {  	[sflag:s11] =	ssyncset.done $0x0  }
0x231: {  	[sflag:s11] =	ssyncadd.s32 $0xFFFFFC00  }
0x232: {  	_ =	sfence.sel $0x180000  }
0x233: {  	[bflag:$0x0] =	sbarrier.arrive $0xFFFF  }
0x234: {  	p0 =	sne.s32 s0, $0x0;
	_ =	strace $0x90000047  }
0x235: {  	s0 =	sadd.s32 @!p0 $0x100000, s1;
	[bflag:$0x2] =	sbarrier.arrive $0xFFFF  }
0x236: {  	[sflag:s0] =	ssyncadd.tile.s32 @!p0 $0x1;
	_ =	shalt  }
.Lfunc_end2:
_tile_overlayer_lowered:
.L_overlay_start_2:
0x237: {  	(tag) =	ssettag $0x2  }
0x238: {  	s0 =	rddreg [dreg:$0x0];
	s2 =	stileid.u32  }
0x239: {  	s1 =	rddreg [dreg:$0x1];
	p0 =	sne.s32 s2, $0x0  }
0x23a: {  	s3 =	rddreg [dreg:$0x2];
	[bflag:$0x3] =	sbarrier.arrive $0xFFFF;
	s2 =	simm.s32 @!p0 $0x1C03  }
0x23b: {  	[timem:s3], [sflag:s2] =	dma.local @!p0 [hbm:s0], s1  }
0x23c: {  	s0 =	simm.s32 @!p0 $0x3  }
0x23d: {  	_ =	swait.ge @!p0 [sflag:s0], s1  }
0x23e: {  	s1 =	ssub.s32 @!p0 $0x0, s1;
	[sflag:s0] =	ssyncset.done @!p0 $0x0  }
0x23f: {  	[sflag:s0] =	ssyncadd.s32 @!p0 s1  }
0x240: {  	[bflag:$0x3] =	sbarrier.arrive $0xFFFF  }
0x241: {  	_ =	shalt  }

</sc_bundles>
